<compile_context>
chip_gen: v7x
topology: tpu7x:2x2x1
jax: 0.10.2.dev20260603
libtpu: 0.0.44.dev20260713+nightly
codegen_flags: <defaults>
</compile_context>

<pallas_src>
import jax
import jax.numpy as jnp
from jax import lax
from jax.experimental import pallas as pl
from jax.experimental.pallas import tpu as pltpu
from jax.experimental.pallas import tpu_sc as plsc

N, E, D = 10000, 320000, 128
NC, NS, L = 2, 16, 16
CHUNK = 128
CPT = 160
EPAD = CPT * NS * CHUNK
NPAD = 10240
NHALF = NPAD // NC
NACC = NHALF + 128
DMASK = NACC - NHALF - 1
SPT = NACC // NS
OPT = NHALF // NS
PAD_DST = 10200

PH = 2
CPP = CPT // PH
NB = 4


def _agg_body(table, edges_pk, nsum_out, *scr):
    src_buf, dst_buf = scr[0], scr[1]
    gbufs = list(scr[2:2 + NB])
    accum = scr[2 + NB]
    sems = list(scr[3 + NB:3 + 2 * NB])
    g0 = gbufs[0]
    c = lax.axis_index("c")
    s = lax.axis_index("s")

    zeros16 = jnp.zeros((L,), jnp.float32)

    def _zrow(i, carry):
        for l in range(D // L):
            g0[i, pl.ds(l * L, L)] = zeros16
        return carry
    lax.fori_loop(0, CHUNK, _zrow, 0)

    base = s * SPT
    pltpu.sync_copy(g0, accum.at[pl.ds(base, CHUNK)])
    pltpu.sync_copy(g0, accum.at[pl.ds(base + CHUNK, CHUNK)])
    pltpu.sync_copy(g0.at[pl.ds(0, SPT - 2 * CHUNK)],
                    accum.at[pl.ds(base + 2 * CHUNK, SPT - 2 * CHUNK)])
    plsc.subcore_barrier()

    lo = c * NHALF

    def _phase(p, carry):
        pbase = s * CPT + ((p + c) % PH) * CPP
        pltpu.sync_copy(edges_pk.at[pl.ds(pbase, CPP)], src_buf)
        pltpu.sync_copy(edges_pk.at[pl.ds(NS * CPT + pbase, CPP)], dst_buf)

        def _remap(j, carry2):
            for l in range(CHUNK // L):
                dv = dst_buf[j, pl.ds(l * L, L)]
                loc = dv - lo
                ok = (loc >= 0) & (loc < NHALF)
                dst_buf[j, pl.ds(l * L, L)] = jnp.where(
                    ok, loc, NHALF + (dv & DMASK))
            return carry2
        lax.fori_loop(0, CPP, _remap, 0)

        for b in range(NB - 1):
            pltpu.async_copy(table.at[src_buf.at[b]], gbufs[b], sems[b])

        def _group(j0, carry2):
            for b in range(NB):
                jj = j0 * NB + b
                nxt = jj + NB - 1
                bn = (b + NB - 1) % NB

                @pl.when(nxt < CPP)
                def _():
                    pltpu.async_copy(table.at[src_buf.at[nxt]],
                                     gbufs[bn], sems[bn])
                pltpu.make_async_copy(table.at[src_buf.at[jj]],
                                      gbufs[b], sems[b]).wait()
                pltpu.sync_copy(gbufs[b], accum.at[dst_buf.at[jj]], add=True)
            return carry2
        lax.fori_loop(0, CPP // NB, _group, 0)
        return carry
    lax.fori_loop(0, PH, _phase, 0)

    plsc.subcore_barrier()

    pltpu.sync_copy(accum.at[pl.ds(s * OPT, OPT)],
                    nsum_out.at[pl.ds(lo + s * OPT, OPT)])


_sc_aggregate = pl.kernel(
    _agg_body,
    out_type=jax.ShapeDtypeStruct((NPAD, D), jnp.float32),
    mesh=plsc.VectorSubcoreMesh(core_axis_name="c", subcore_axis_name="s",
                                num_cores=NC, num_subcores=NS),
    scratch_types=(
        [pltpu.VMEM((CPP, CHUNK), jnp.int32)] * 2
        + [pltpu.VMEM((CHUNK, D), jnp.float32)] * NB
        + [pltpu.VMEM_SHARED((NACC, D), jnp.float32)]
        + [pltpu.SemaphoreType.DMA] * NB
    ),
)


def _deg_body(edges_pk, deg_out, dst_buf, gbuf, degacc, sem):
    c = lax.axis_index("c")
    s = lax.axis_index("s")

    zeros16 = jnp.zeros((L,), jnp.float32)

    def _zrow(i, carry):
        for l in range(D // L):
            gbuf[i, pl.ds(l * L, L)] = zeros16
        return carry
    lax.fori_loop(0, CHUNK, _zrow, 0)

    base = s * SPT
    pltpu.sync_copy(gbuf, degacc.at[pl.ds(base, CHUNK)])
    pltpu.sync_copy(gbuf, degacc.at[pl.ds(base + CHUNK, CHUNK)])
    pltpu.sync_copy(gbuf.at[pl.ds(0, SPT - 2 * CHUNK)],
                    degacc.at[pl.ds(base + 2 * CHUNK, SPT - 2 * CHUNK)])
    plsc.subcore_barrier()

    ones16 = jnp.ones((L,), jnp.float32)

    def _orow(i, carry):
        for l in range(D // L):
            gbuf[i, pl.ds(l * L, L)] = ones16
        return carry
    lax.fori_loop(0, CHUNK, _orow, 0)

    lo = c * NHALF
    pltpu.sync_copy(edges_pk.at[pl.ds(NS * CPT + s * CPT, CPT)], dst_buf)

    def _remap(j, carry):
        for l in range(CHUNK // L):
            dv = dst_buf[j, pl.ds(l * L, L)]
            loc = dv - lo
            ok = (loc >= 0) & (loc < NHALF)
            dst_buf[j, pl.ds(l * L, L)] = jnp.where(ok, loc, NHALF + (dv & DMASK))
        return carry
    lax.fori_loop(0, CPT, _remap, 0)

    def _chunk(j, carry):
        pltpu.sync_copy(gbuf, degacc.at[dst_buf.at[j]], add=True)
        return carry
    lax.fori_loop(0, CPT, _chunk, 0)

    plsc.subcore_barrier()
    pltpu.sync_copy(degacc.at[pl.ds(s * OPT, OPT)],
                    deg_out.at[pl.ds(lo + s * OPT, OPT)])


_sc_degree = pl.kernel(
    _deg_body,
    out_type=jax.ShapeDtypeStruct((NPAD, D), jnp.float32),
    mesh=plsc.VectorSubcoreMesh(core_axis_name="c", subcore_axis_name="s",
                                num_cores=NC, num_subcores=NS),
    scratch_types=[
        pltpu.VMEM((CPT, CHUNK), jnp.int32),
        pltpu.VMEM((CHUNK, D), jnp.float32),
        pltpu.VMEM_SHARED((NACC, D), jnp.float32),
        pltpu.SemaphoreType.DMA,
    ],
)


def _layer1_tc(xb, nsb, dgb, ws, wn, bb, hb, invb):
    inv = 1.0 / jnp.maximum(dgb[...], 1.0)
    invb[...] = inv[:, :L]
    icol = jnp.max(inv, axis=1, keepdims=True)
    mean = nsb[...] * icol
    h = xb[...] @ ws[...] + mean @ wn[...] + bb[...]
    hb[...] = jnp.maximum(h, 0.0)


def _layer2_tc(hb, nsb, invb, ws, wn, bb, wo, bo, ob):
    icol = jnp.max(invb[...], axis=1, keepdims=True)
    mean = nsb[...] * icol
    h2 = jnp.maximum(hb[...] @ ws[...] + mean @ wn[...] + bb[...], 0.0)
    ob[...] = h2 @ wo[...] + bo[...]


TBLK = 512
_GRID = NPAD // TBLK
_w_spec = pl.BlockSpec((D, D), lambda i: (0, 0))
_b_spec = pl.BlockSpec((1, D), lambda i: (0, 0))
_row_spec = pl.BlockSpec((TBLK, D), lambda i: (i, 0))
_deg_spec = pl.BlockSpec((TBLK, L), lambda i: (i, 0))

_layer1_call = pl.pallas_call(
    _layer1_tc,
    grid=(_GRID,),
    in_specs=[_row_spec, _row_spec, _row_spec, _w_spec, _w_spec, _b_spec],
    out_specs=[_row_spec, _deg_spec],
    out_shape=[
        jax.ShapeDtypeStruct((NPAD, D), jnp.float32),
        jax.ShapeDtypeStruct((NPAD, L), jnp.float32),
    ],
)

_layer2_call = pl.pallas_call(
    _layer2_tc,
    grid=(_GRID,),
    in_specs=[_row_spec, _row_spec, _deg_spec, _w_spec, _w_spec, _b_spec,
              _w_spec, _b_spec],
    out_specs=_row_spec,
    out_shape=jax.ShapeDtypeStruct((NPAD, D), jnp.float32),
)


def kernel(x, edge_index, W_self1, b_self1, W_neigh1, b_neigh1,
           W_self2, b_self2, W_neigh2, b_neigh2, W_out, b_out):
    x_pad = jnp.pad(x, ((0, NPAD - N), (0, 0)))
    pad = EPAD - E
    edges_pk = jnp.concatenate([
        jnp.concatenate([edge_index[0], jnp.zeros((pad,), jnp.int32)]),
        jnp.concatenate([edge_index[1], jnp.full((pad,), PAD_DST, jnp.int32)]),
    ]).reshape(2 * NS * CPT, CHUNK)

    b1 = (b_self1 + b_neigh1).reshape(1, D)
    b2 = (b_self2 + b_neigh2).reshape(1, D)
    bo = b_out.reshape(1, D)

    deg = _sc_degree(edges_pk)
    nsum1 = _sc_aggregate(x_pad, edges_pk)
    h1, inv = _layer1_call(x_pad, nsum1, deg, W_self1, W_neigh1, b1)
    nsum2 = _sc_aggregate(h1, edges_pk)
    out_pad = _layer2_call(h1, nsum2, inv, W_self2, W_neigh2, b2, W_out, bo)
    return out_pad[:N]

# --- scband reference (transcript-rebuilt; emitter-appended) ---
"""Pipeline reference for scband-graph-sage-56075093017243 (READ-ONLY COPY).

The authoritative reference and input builder live on the scoring server;
editing this copy changes nothing except your own understanding.
"""

import jax, jax.numpy as jnp
import numpy as np

N, E, D, H, O = 10000, 320000, 128, 128, 128

def setup_inputs(seed: int = 0) -> dict:
    key = jax.random.key(seed)
    ks = jax.random.split(key, 14)
    x = jax.random.normal(ks[0], (N, D), dtype=jnp.float32)
    edge_index = jax.random.randint(ks[1], (2, E), 0, N, dtype=jnp.int32)
    s = 0.05
    W_self1 = jax.random.normal(ks[2], (D, H), dtype=jnp.float32) * s
    b_self1 = jax.random.normal(ks[3], (H,), dtype=jnp.float32) * s
    W_neigh1 = jax.random.normal(ks[4], (D, H), dtype=jnp.float32) * s
    b_neigh1 = jax.random.normal(ks[5], (H,), dtype=jnp.float32) * s
    W_self2 = jax.random.normal(ks[6], (H, H), dtype=jnp.float32) * s
    b_self2 = jax.random.normal(ks[7], (H,), dtype=jnp.float32) * s
    W_neigh2 = jax.random.normal(ks[8], (H, H), dtype=jnp.float32) * s
    b_neigh2 = jax.random.normal(ks[9], (H,), dtype=jnp.float32) * s
    W_out = jax.random.normal(ks[10], (H, O), dtype=jnp.float32) * s
    b_out = jax.random.normal(ks[11], (O,), dtype=jnp.float32) * s
    return {"x": x, "edge_index": edge_index, "W_self1": W_self1, "b_self1": b_self1,
            "W_neigh1": W_neigh1, "b_neigh1": b_neigh1, "W_self2": W_self2, "b_self2": b_self2,
            "W_neigh2": W_neigh2, "b_neigh2": b_neigh2, "W_out": W_out, "b_out": b_out}

def _sage_layer(x, src, dst, Ws, bs, Wn, bn):
    neigh_sum = jnp.zeros_like(x).at[dst].add(x[src])
    deg = jnp.zeros((x.shape[0],), dtype=x.dtype).at[dst].add(jnp.ones((dst.shape[0],), dtype=x.dtype))
    neigh_mean = neigh_sum / jnp.clip(deg, 1.0, None)[:, None]
    h = (x @ Ws + bs) + (neigh_mean @ Wn + bn)
    return jax.nn.relu(h)

def reference(x, edge_index, W_self1, b_self1, W_neigh1, b_neigh1,
              W_self2, b_self2, W_neigh2, b_neigh2, W_out, b_out):
    src = edge_index[0]
    dst = edge_index[1]
    # dropout p=0.0 (eval-equivalent): identity
    h = _sage_layer(x, src, dst, W_self1, b_self1, W_neigh1, b_neigh1)
    h = _sage_layer(h, src, dst, W_self2, b_self2, W_neigh2, b_neigh2)
    return h @ W_out + b_out

if __name__ == "__main__":
    import jax
    _d = setup_inputs()
    print(jax.jit(kernel)(*tuple(_d.values())))

</pallas_src>

<mosaic_0001>
#map = affine_map<(d0, d1) -> (0, 0)>
module attributes {stable_mosaic.version = 14 : i64} {
  func.func @_agg_body(%arg0: i32, %arg1: i32, %arg2: memref<10240x128xf32, #tpu.memory_space<hbm>>, %arg3: memref<5120x128xi32, #tpu.memory_space<hbm>>, %arg4: memref<10240x128xf32, #tpu.memory_space<hbm>>, %arg5: memref<80x128xi32, #tpu.memory_space<vmem>>, %arg6: memref<80x128xi32, #tpu.memory_space<vmem>>, %arg7: memref<128x128xf32, #tpu.memory_space<vmem>>, %arg8: memref<128x128xf32, #tpu.memory_space<vmem>>, %arg9: memref<128x128xf32, #tpu.memory_space<vmem>>, %arg10: memref<128x128xf32, #tpu.memory_space<vmem>>, %arg11: memref<5248x128xf32, #tpu.memory_space<vmem_shared>>, %arg12: memref<!tpu.dma_semaphore, #tpu.memory_space<semaphore_mem>>, %arg13: memref<!tpu.dma_semaphore, #tpu.memory_space<semaphore_mem>>, %arg14: memref<!tpu.dma_semaphore, #tpu.memory_space<semaphore_mem>>, %arg15: memref<!tpu.dma_semaphore, #tpu.memory_space<semaphore_mem>>) attributes {dimension_semantics = [#tpu.dimension_semantics<core_parallel>, #tpu.dimension_semantics<subcore_parallel>], iteration_bounds = array<i64: 2, 16>, scalar_prefetch = 0 : i64, scratch_operands = 11 : i64, tpu.core_type = #tpu.core_type<sc_vector_subcore>, window_params = [{transform_indices = #map}, {transform_indices = #map}, {transform_indices = #map}]} {
    %broadcast_in_dim3A = arith.constant 0.000000e+00 : f32
    %broadcast_in_dim3A_0 = vector.broadcast %broadcast_in_dim3A : f32 to vector<16xf32>
    %scan3A = arith.constant 0 : i32
    %scan3A_1 = arith.constant 0 : i32
    %scan3A_2 = arith.constant 128 : i32
    %scan3A_3 = arith.addi %scan3A_1, %scan3A_2 : i32
    %scan3A_4 = arith.constant 1 : i32
    scf.for %scan3A_24 = %scan3A_1 to %scan3A_3 step %scan3A_4  : i32 {
      %swap3A = arith.index_cast %scan3A_24 : i32 to index
      %swap3A_25 = arith.constant 0 : index
      %swap3A_26 = tpu.vector_load %arg7[%swap3A, %swap3A_25] {strides = array<i32>} : memref<128x128xf32, #tpu.memory_space<vmem>>, vector<1x16xf32>,
      %swap3A_27 = vector.shape_cast %swap3A_26 : vector<1x16xf32> to vector<16xf32>
      %swap3A_28 = vector.shape_cast %broadcast_in_dim3A_0 : vector<16xf32> to vector<1x16xf32>
      tpu.vector_store %arg7[%swap3A, %swap3A_25], %swap3A_28 {strides = array<i32>} : memref<128x128xf32, #tpu.memory_space<vmem>>, vector<1x16xf32>,
      %swap3A_29 = arith.index_cast %scan3A_24 : i32 to index
      %swap3A_30 = arith.constant 16 : index
      %swap3A_31 = tpu.vector_load %arg7[%swap3A_29, %swap3A_30] {strides = array<i32>} : memref<128x128xf32, #tpu.memory_space<vmem>>, vector<1x16xf32>,
      %swap3A_32 = vector.shape_cast %swap3A_31 : vector<1x16xf32> to vector<16xf32>
      %swap3A_33 = vector.shape_cast %broadcast_in_dim3A_0 : vector<16xf32> to vector<1x16xf32>
      tpu.vector_store %arg7[%swap3A_29, %swap3A_30], %swap3A_33 {strides = array<i32>} : memref<128x128xf32, #tpu.memory_space<vmem>>, vector<1x16xf32>,
      %swap3A_34 = arith.index_cast %scan3A_24 : i32 to index
      %swap3A_35 = arith.constant 32 : index
      %swap3A_36 = tpu.vector_load %arg7[%swap3A_34, %swap3A_35] {strides = array<i32>} : memref<128x128xf32, #tpu.memory_space<vmem>>, vector<1x16xf32>,
      %swap3A_37 = vector.shape_cast %swap3A_36 : vector<1x16xf32> to vector<16xf32>
      %swap3A_38 = vector.shape_cast %broadcast_in_dim3A_0 : vector<16xf32> to vector<1x16xf32>
      tpu.vector_store %arg7[%swap3A_34, %swap3A_35], %swap3A_38 {strides = array<i32>} : memref<128x128xf32, #tpu.memory_space<vmem>>, vector<1x16xf32>,
      %swap3A_39 = arith.index_cast %scan3A_24 : i32 to index
      %swap3A_40 = arith.constant 48 : index
      %swap3A_41 = tpu.vector_load %arg7[%swap3A_39, %swap3A_40] {strides = array<i32>} : memref<128x128xf32, #tpu.memory_space<vmem>>, vector<1x16xf32>,
      %swap3A_42 = vector.shape_cast %swap3A_41 : vector<1x16xf32> to vector<16xf32>
      %swap3A_43 = vector.shape_cast %broadcast_in_dim3A_0 : vector<16xf32> to vector<1x16xf32>
      tpu.vector_store %arg7[%swap3A_39, %swap3A_40], %swap3A_43 {strides = array<i32>} : memref<128x128xf32, #tpu.memory_space<vmem>>, vector<1x16xf32>,
      %swap3A_44 = arith.index_cast %scan3A_24 : i32 to index
      %swap3A_45 = arith.constant 64 : index
      %swap3A_46 = tpu.vector_load %arg7[%swap3A_44, %swap3A_45] {strides = array<i32>} : memref<128x128xf32, #tpu.memory_space<vmem>>, vector<1x16xf32>,
      %swap3A_47 = vector.shape_cast %swap3A_46 : vector<1x16xf32> to vector<16xf32>
      %swap3A_48 = vector.shape_cast %broadcast_in_dim3A_0 : vector<16xf32> to vector<1x16xf32>
      tpu.vector_store %arg7[%swap3A_44, %swap3A_45], %swap3A_48 {strides = array<i32>} : memref<128x128xf32, #tpu.memory_space<vmem>>, vector<1x16xf32>,
      %swap3A_49 = arith.index_cast %scan3A_24 : i32 to index
      %swap3A_50 = arith.constant 80 : index
      %swap3A_51 = tpu.vector_load %arg7[%swap3A_49, %swap3A_50] {strides = array<i32>} : memref<128x128xf32, #tpu.memory_space<vmem>>, vector<1x16xf32>,
      %swap3A_52 = vector.shape_cast %swap3A_51 : vector<1x16xf32> to vector<16xf32>
      %swap3A_53 = vector.shape_cast %broadcast_in_dim3A_0 : vector<16xf32> to vector<1x16xf32>
      tpu.vector_store %arg7[%swap3A_49, %swap3A_50], %swap3A_53 {strides = array<i32>} : memref<128x128xf32, #tpu.memory_space<vmem>>, vector<1x16xf32>,
      %swap3A_54 = arith.index_cast %scan3A_24 : i32 to index
      %swap3A_55 = arith.constant 96 : index
      %swap3A_56 = tpu.vector_load %arg7[%swap3A_54, %swap3A_55] {strides = array<i32>} : memref<128x128xf32, #tpu.memory_space<vmem>>, vector<1x16xf32>,
      %swap3A_57 = vector.shape_cast %swap3A_56 : vector<1x16xf32> to vector<16xf32>
      %swap3A_58 = vector.shape_cast %broadcast_in_dim3A_0 : vector<16xf32> to vector<1x16xf32>
      tpu.vector_store %arg7[%swap3A_54, %swap3A_55], %swap3A_58 {strides = array<i32>} : memref<128x128xf32, #tpu.memory_space<vmem>>, vector<1x16xf32>,
      %swap3A_59 = arith.index_cast %scan3A_24 : i32 to index
      %swap3A_60 = arith.constant 112 : index
      %swap3A_61 = tpu.vector_load %arg7[%swap3A_59, %swap3A_60] {strides = array<i32>} : memref<128x128xf32, #tpu.memory_space<vmem>>, vector<1x16xf32>,
      %swap3A_62 = vector.shape_cast %swap3A_61 : vector<1x16xf32> to vector<16xf32>
      %swap3A_63 = vector.shape_cast %broadcast_in_dim3A_0 : vector<16xf32> to vector<1x16xf32>
      tpu.vector_store %arg7[%swap3A_59, %swap3A_60], %swap3A_63 {strides = array<i32>} : memref<128x128xf32, #tpu.memory_space<vmem>>, vector<1x16xf32>,
    }
    %scan3A_5 = arith.constant 128 : i32
    %mul3A = arith.constant 328 : i32
    %mul3A_6 = arith.muli %arg1, %mul3A : i32
    "tpu.region"() ({
      %run_scoped3A = tpu.sem_alloc : memref<!tpu.dma_semaphore, #tpu.memory_space<semaphore_mem>>
      %dma_start3A = arith.constant 0 : i32
      %dma_start3A_24 = tpu.memref_slice %arg11[%mul3A_6, %dma_start3A] : memref<5248x128xf32, #tpu.memory_space<vmem_shared>> -> memref<128x128xf32, #tpu.memory_space<vmem_shared>>
      %dma_start3A_25 = arith.constant 0 : i32
      %dma_start3A_26 = tpu.memref_slice %arg11[%mul3A_6, %dma_start3A_25] : memref<5248x128xf32, #tpu.memory_space<vmem_shared>> -> memref<128x128xf32, #tpu.memory_space<vmem_shared>>
      tpu.enqueue_dma source(%arg7 : memref<128x128xf32, #tpu.memory_space<vmem>>) target(%dma_start3A_26 : memref<128x128xf32, #tpu.memory_space<vmem_shared>>) target_semaphore(%run_scoped3A : memref<!tpu.dma_semaphore, #tpu.memory_space<semaphore_mem>>)
      %dma_wait3A = arith.constant 0 : i32
      %dma_wait3A_27 = tpu.memref_slice %arg11[%mul3A_6, %dma_wait3A] : memref<5248x128xf32, #tpu.memory_space<vmem_shared>> -> memref<128x128xf32, #tpu.memory_space<vmem_shared>>
      %dma_wait3A_28 = arith.constant 0 : i32
      %dma_wait3A_29 = tpu.memref_slice %arg11[%mul3A_6, %dma_wait3A_28] : memref<5248x128xf32, #tpu.memory_space<vmem_shared>> -> memref<128x128xf32, #tpu.memory_space<vmem_shared>>
      tpu.wait_dma2 semaphore(%run_scoped3A : memref<!tpu.dma_semaphore, #tpu.memory_space<semaphore_mem>>) src(%arg7 : memref<128x128xf32, #tpu.memory_space<vmem>>) dst(%dma_wait3A_29 : memref<128x128xf32, #tpu.memory_space<vmem_shared>>)
      tpu.yield
    }) : () -> ()
    %add3A = arith.constant 128 : i32
    %add3A_7 = arith.addi %mul3A_6, %add3A : i32
    "tpu.region"() ({
      %run_scoped3A = tpu.sem_alloc : memref<!tpu.dma_semaphore, #tpu.memory_space<semaphore_mem>>
      %dma_start3A = arith.constant 0 : i32
      %dma_start3A_24 = tpu.memref_slice %arg11[%add3A_7, %dma_start3A] : memref<5248x128xf32, #tpu.memory_space<vmem_shared>> -> memref<128x128xf32, #tpu.memory_space<vmem_shared>>
      %dma_start3A_25 = arith.constant 0 : i32
      %dma_start3A_26 = tpu.memref_slice %arg11[%add3A_7, %dma_start3A_25] : memref<5248x128xf32, #tpu.memory_space<vmem_shared>> -> memref<128x128xf32, #tpu.memory_space<vmem_shared>>
      tpu.enqueue_dma source(%arg7 : memref<128x128xf32, #tpu.memory_space<vmem>>) target(%dma_start3A_26 : memref<128x128xf32, #tpu.memory_space<vmem_shared>>) target_semaphore(%run_scoped3A : memref<!tpu.dma_semaphore, #tpu.memory_space<semaphore_mem>>)
      %dma_wait3A = arith.constant 0 : i32
      %dma_wait3A_27 = tpu.memref_slice %arg11[%add3A_7, %dma_wait3A] : memref<5248x128xf32, #tpu.memory_space<vmem_shared>> -> memref<128x128xf32, #tpu.memory_space<vmem_shared>>
      %dma_wait3A_28 = arith.constant 0 : i32
      %dma_wait3A_29 = tpu.memref_slice %arg11[%add3A_7, %dma_wait3A_28] : memref<5248x128xf32, #tpu.memory_space<vmem_shared>> -> memref<128x128xf32, #tpu.memory_space<vmem_shared>>
      tpu.wait_dma2 semaphore(%run_scoped3A : memref<!tpu.dma_semaphore, #tpu.memory_space<semaphore_mem>>) src(%arg7 : memref<128x128xf32, #tpu.memory_space<vmem>>) dst(%dma_wait3A_29 : memref<128x128xf32, #tpu.memory_space<vmem_shared>>)
      tpu.yield
    }) : () -> ()
    %add3A_8 = arith.constant 256 : i32
    %add3A_9 = arith.addi %mul3A_6, %add3A_8 : i32
    "tpu.region"() ({
      %run_scoped3A = tpu.sem_alloc : memref<!tpu.dma_semaphore, #tpu.memory_space<semaphore_mem>>
      %dma_start3A = arith.constant 0 : i32
      %dma_start3A_24 = arith.constant 0 : i32
      %dma_start3A_25 = tpu.memref_slice %arg7[%dma_start3A, %dma_start3A_24] : memref<128x128xf32, #tpu.memory_space<vmem>> -> memref<72x128xf32, #tpu.memory_space<vmem>>
      %dma_start3A_26 = arith.constant 0 : i32
      %dma_start3A_27 = tpu.memref_slice %arg11[%add3A_9, %dma_start3A_26] : memref<5248x128xf32, #tpu.memory_space<vmem_shared>> -> memref<72x128xf32, #tpu.memory_space<vmem_shared>>
      %dma_start3A_28 = arith.constant 0 : i32
      %dma_start3A_29 = tpu.memref_slice %arg11[%add3A_9, %dma_start3A_28] : memref<5248x128xf32, #tpu.memory_space<vmem_shared>> -> memref<72x128xf32, #tpu.memory_space<vmem_shared>>
      %dma_start3A_30 = arith.constant 0 : i32
      %dma_start3A_31 = arith.constant 0 : i32
      %dma_start3A_32 = tpu.memref_slice %arg7[%dma_start3A_30, %dma_start3A_31] : memref<128x128xf32, #tpu.memory_space<vmem>> -> memref<72x128xf32, #tpu.memory_space<vmem>>
      tpu.enqueue_dma source(%dma_start3A_32 : memref<72x128xf32, #tpu.memory_space<vmem>>) target(%dma_start3A_29 : memref<72x128xf32, #tpu.memory_space<vmem_shared>>) target_semaphore(%run_scoped3A : memref<!tpu.dma_semaphore, #tpu.memory_space<semaphore_mem>>)
      %dma_wait3A = arith.constant 0 : i32
      %dma_wait3A_33 = arith.constant 0 : i32
      %dma_wait3A_34 = tpu.memref_slice %arg7[%dma_wait3A, %dma_wait3A_33] : memref<128x128xf32, #tpu.memory_space<vmem>> -> memref<72x128xf32, #tpu.memory_space<vmem>>
      %dma_wait3A_35 = arith.constant 0 : i32
      %dma_wait3A_36 = tpu.memref_slice %arg11[%add3A_9, %dma_wait3A_35] : memref<5248x128xf32, #tpu.memory_space<vmem_shared>> -> memref<72x128xf32, #tpu.memory_space<vmem_shared>>
      %dma_wait3A_37 = arith.constant 0 : i32
      %dma_wait3A_38 = tpu.memref_slice %arg11[%add3A_9, %dma_wait3A_37] : memref<5248x128xf32, #tpu.memory_space<vmem_shared>> -> memref<72x128xf32, #tpu.memory_space<vmem_shared>>
      %dma_wait3A_39 = arith.constant 0 : i32
      %dma_wait3A_40 = arith.constant 0 : i32
      %dma_wait3A_41 = tpu.memref_slice %arg7[%dma_wait3A_39, %dma_wait3A_40] : memref<128x128xf32, #tpu.memory_space<vmem>> -> memref<72x128xf32, #tpu.memory_space<vmem>>
      tpu.wait_dma2 semaphore(%run_scoped3A : memref<!tpu.dma_semaphore, #tpu.memory_space<semaphore_mem>>) src(%dma_wait3A_41 : memref<72x128xf32, #tpu.memory_space<vmem>>) dst(%dma_wait3A_38 : memref<72x128xf32, #tpu.memory_space<vmem_shared>>)
      tpu.yield
    }) : () -> ()
    %barrier3A = arith.constant 0 : index
    tpu.barrier barrier_id(%barrier3A)
    %mul3A_10 = arith.constant 5120 : i32
    %mul3A_11 = arith.muli %arg0, %mul3A_10 : i32
    %scan3A_12 = arith.constant 0 : i32
    %scan3A_13 = arith.constant 0 : i32
    %scan3A_14 = arith.constant 2 : i32
    %scan3A_15 = arith.addi %scan3A_13, %scan3A_14 : i32
    %scan3A_16 = arith.constant 1 : i32
    scf.for %scan3A_24 = %scan3A_13 to %scan3A_15 step %scan3A_16  : i32 {
      %mul3A_25 = arith.constant 160 : i32
      %mul3A_26 = arith.muli %arg1, %mul3A_25 : i32
      %add3A_27 = arith.addi %scan3A_24, %arg0 : i32
      %jit3A = arith.constant 2 : i32
      %eq3A = arith.constant 0 : i32
      %eq3A_28 = arith.cmpi eq, %jit3A, %eq3A : i32
      %jit3A_29 = arith.constant 1 : i32
      %select_n3A = arith.select %eq3A_28, %jit3A_29, %jit3A : i32
      %rem3A = arith.remsi %add3A_27, %select_n3A : i32
      %ne3A = arith.constant 0 : i32
      %ne3A_30 = arith.cmpi ne, %rem3A, %ne3A : i32
      %lt3A = arith.constant 0 : i32
      %lt3A_31 = arith.cmpi slt, %rem3A, %lt3A : i32
      %lt3A_32 = arith.constant 0 : i32
      %lt3A_33 = arith.cmpi slt, %select_n3A, %lt3A_32 : i32
      %ne3A_34 = arith.xori %lt3A_31, %lt3A_33 : i1
      %and3A = arith.andi %ne3A_34, %ne3A_30 : i1
      %add3A_35 = arith.addi %rem3A, %select_n3A : i32
      %select_n3A_36 = arith.select %and3A, %add3A_35, %rem3A : i32
      %mul3A_37 = arith.constant 80 : i32
      %mul3A_38 = arith.muli %select_n3A_36, %mul3A_37 : i32
      %add3A_39 = arith.addi %mul3A_26, %mul3A_38 : i32
      "tpu.region"() ({
        %run_scoped3A = tpu.sem_alloc : memref<!tpu.dma_semaphore, #tpu.memory_space<semaphore_mem>>
        %dma_start3A_74 = arith.constant 0 : i32
        %dma_start3A_75 = tpu.memref_slice %arg3[%add3A_39, %dma_start3A_74] : memref<5120x128xi32, #tpu.memory_space<hbm>> -> memref<80x128xi32, #tpu.memory_space<hbm>>
        %dma_start3A_76 = arith.constant 0 : i32
        %dma_start3A_77 = tpu.memref_slice %arg3[%add3A_39, %dma_start3A_76] : memref<5120x128xi32, #tpu.memory_space<hbm>> -> memref<80x128xi32, #tpu.memory_space<hbm>>
        tpu.enqueue_dma source(%dma_start3A_77 : memref<80x128xi32, #tpu.memory_space<hbm>>) target(%arg5 : memref<80x128xi32, #tpu.memory_space<vmem>>) target_semaphore(%run_scoped3A : memref<!tpu.dma_semaphore, #tpu.memory_space<semaphore_mem>>)
        %dma_wait3A = arith.constant 0 : i32
        %dma_wait3A_78 = tpu.memref_slice %arg3[%add3A_39, %dma_wait3A] : memref<5120x128xi32, #tpu.memory_space<hbm>> -> memref<80x128xi32, #tpu.memory_space<hbm>>
        %dma_wait3A_79 = arith.constant 0 : i32
        %dma_wait3A_80 = tpu.memref_slice %arg3[%add3A_39, %dma_wait3A_79] : memref<5120x128xi32, #tpu.memory_space<hbm>> -> memref<80x128xi32, #tpu.memory_space<hbm>>
        tpu.wait_dma2 semaphore(%run_scoped3A : memref<!tpu.dma_semaphore, #tpu.memory_space<semaphore_mem>>) src(%dma_wait3A_80 : memref<80x128xi32, #tpu.memory_space<hbm>>) dst(%arg5 : memref<80x128xi32, #tpu.memory_space<vmem>>)
        tpu.yield
      }) : () -> ()
      %add3A_40 = arith.constant 2560 : i32
      %add3A_41 = arith.addi %add3A_40, %add3A_39 : i32
      "tpu.region"() ({
        %run_scoped3A = tpu.sem_alloc : memref<!tpu.dma_semaphore, #tpu.memory_space<semaphore_mem>>
        %dma_start3A_74 = arith.constant 0 : i32
        %dma_start3A_75 = tpu.memref_slice %arg3[%add3A_41, %dma_start3A_74] : memref<5120x128xi32, #tpu.memory_space<hbm>> -> memref<80x128xi32, #tpu.memory_space<hbm>>
        %dma_start3A_76 = arith.constant 0 : i32
        %dma_start3A_77 = tpu.memref_slice %arg3[%add3A_41, %dma_start3A_76] : memref<5120x128xi32, #tpu.memory_space<hbm>> -> memref<80x128xi32, #tpu.memory_space<hbm>>
        tpu.enqueue_dma source(%dma_start3A_77 : memref<80x128xi32, #tpu.memory_space<hbm>>) target(%arg6 : memref<80x128xi32, #tpu.memory_space<vmem>>) target_semaphore(%run_scoped3A : memref<!tpu.dma_semaphore, #tpu.memory_space<semaphore_mem>>)
        %dma_wait3A = arith.constant 0 : i32
        %dma_wait3A_78 = tpu.memref_slice %arg3[%add3A_41, %dma_wait3A] : memref<5120x128xi32, #tpu.memory_space<hbm>> -> memref<80x128xi32, #tpu.memory_space<hbm>>
        %dma_wait3A_79 = arith.constant 0 : i32
        %dma_wait3A_80 = tpu.memref_slice %arg3[%add3A_41, %dma_wait3A_79] : memref<5120x128xi32, #tpu.memory_space<hbm>> -> memref<80x128xi32, #tpu.memory_space<hbm>>
        tpu.wait_dma2 semaphore(%run_scoped3A : memref<!tpu.dma_semaphore, #tpu.memory_space<semaphore_mem>>) src(%dma_wait3A_80 : memref<80x128xi32, #tpu.memory_space<hbm>>) dst(%arg6 : memref<80x128xi32, #tpu.memory_space<vmem>>)
        tpu.yield
      }) : () -> ()
      %scan3A_42 = arith.constant 0 : i32
      %scan3A_43 = arith.constant 0 : i32
      %scan3A_44 = arith.constant 80 : i32
      %scan3A_45 = arith.addi %scan3A_43, %scan3A_44 : i32
      %scan3A_46 = arith.constant 1 : i32
      scf.for %scan3A_74 = %scan3A_43 to %scan3A_45 step %scan3A_46  : i32 {
        %get3A = arith.index_cast %scan3A_74 : i32 to index
        %get3A_75 = arith.constant 0 : index
        %get3A_76 = tpu.vector_load %arg6[%get3A, %get3A_75] {strides = array<i32>} : memref<80x128xi32, #tpu.memory_space<vmem>>, vector<1x16xi32>,
        %get3A_77 = vector.shape_cast %get3A_76 : vector<1x16xi32> to vector<16xi32>
        %sub3A = vector.broadcast %mul3A_11 : i32 to vector<16xi32>
        %sub3A_78 = arith.subi %get3A_77, %sub3A : vector<16xi32>
        %ge3A = arith.constant 0 : i32
        %ge3A_79 = vector.broadcast %ge3A : i32 to vector<16xi32>
        %ge3A_80 = arith.cmpi sge, %sub3A_78, %ge3A_79 : vector<16xi32>
        %lt3A_81 = arith.constant 5120 : i32
        %lt3A_82 = vector.broadcast %lt3A_81 : i32 to vector<16xi32>
        %lt3A_83 = arith.cmpi slt, %sub3A_78, %lt3A_82 : vector<16xi32>
        %and3A_84 = arith.andi %ge3A_80, %lt3A_83 : vector<16xi1>
        %and3A_85 = arith.constant 127 : i32
        %and3A_86 = vector.broadcast %and3A_85 : i32 to vector<16xi32>
        %and3A_87 = arith.andi %get3A_77, %and3A_86 : vector<16xi32>
        %add3A_88 = arith.constant 5120 : i32
        %add3A_89 = vector.broadcast %add3A_88 : i32 to vector<16xi32>
        %add3A_90 = arith.addi %add3A_89, %and3A_87 : vector<16xi32>
        %select_n3A_91 = arith.select %and3A_84, %sub3A_78, %add3A_90 : vector<16xi1>, vector<16xi32>
        %swap3A = arith.index_cast %scan3A_74 : i32 to index
        %swap3A_92 = arith.constant 0 : index
        %swap3A_93 = tpu.vector_load %arg6[%swap3A, %swap3A_92] {strides = array<i32>} : memref<80x128xi32, #tpu.memory_space<vmem>>, vector<1x16xi32>,
        %swap3A_94 = vector.shape_cast %swap3A_93 : vector<1x16xi32> to vector<16xi32>
        %swap3A_95 = vector.shape_cast %select_n3A_91 : vector<16xi32> to vector<1x16xi32>
        tpu.vector_store %arg6[%swap3A, %swap3A_92], %swap3A_95 {strides = array<i32>} : memref<80x128xi32, #tpu.memory_space<vmem>>, vector<1x16xi32>,
        %get3A_96 = arith.index_cast %scan3A_74 : i32 to index
        %get3A_97 = arith.constant 16 : index
        %get3A_98 = tpu.vector_load %arg6[%get3A_96, %get3A_97] {strides = array<i32>} : memref<80x128xi32, #tpu.memory_space<vmem>>, vector<1x16xi32>,
        %get3A_99 = vector.shape_cast %get3A_98 : vector<1x16xi32> to vector<16xi32>
        %sub3A_100 = vector.broadcast %mul3A_11 : i32 to vector<16xi32>
        %sub3A_101 = arith.subi %get3A_99, %sub3A_100 : vector<16xi32>
        %ge3A_102 = arith.constant 0 : i32
        %ge3A_103 = vector.broadcast %ge3A_102 : i32 to vector<16xi32>
        %ge3A_104 = arith.cmpi sge, %sub3A_101, %ge3A_103 : vector<16xi32>
        %lt3A_105 = arith.constant 5120 : i32
        %lt3A_106 = vector.broadcast %lt3A_105 : i32 to vector<16xi32>
        %lt3A_107 = arith.cmpi slt, %sub3A_101, %lt3A_106 : vector<16xi32>
        %and3A_108 = arith.andi %ge3A_104, %lt3A_107 : vector<16xi1>
        %and3A_109 = arith.constant 127 : i32
        %and3A_110 = vector.broadcast %and3A_109 : i32 to vector<16xi32>
        %and3A_111 = arith.andi %get3A_99, %and3A_110 : vector<16xi32>
        %add3A_112 = arith.constant 5120 : i32
        %add3A_113 = vector.broadcast %add3A_112 : i32 to vector<16xi32>
        %add3A_114 = arith.addi %add3A_113, %and3A_111 : vector<16xi32>
        %select_n3A_115 = arith.select %and3A_108, %sub3A_101, %add3A_114 : vector<16xi1>, vector<16xi32>
        %swap3A_116 = arith.index_cast %scan3A_74 : i32 to index
        %swap3A_117 = arith.constant 16 : index
        %swap3A_118 = tpu.vector_load %arg6[%swap3A_116, %swap3A_117] {strides = array<i32>} : memref<80x128xi32, #tpu.memory_space<vmem>>, vector<1x16xi32>,
        %swap3A_119 = vector.shape_cast %swap3A_118 : vector<1x16xi32> to vector<16xi32>
        %swap3A_120 = vector.shape_cast %select_n3A_115 : vector<16xi32> to vector<1x16xi32>
        tpu.vector_store %arg6[%swap3A_116, %swap3A_117], %swap3A_120 {strides = array<i32>} : memref<80x128xi32, #tpu.memory_space<vmem>>, vector<1x16xi32>,
        %get3A_121 = arith.index_cast %scan3A_74 : i32 to index
        %get3A_122 = arith.constant 32 : index
        %get3A_123 = tpu.vector_load %arg6[%get3A_121, %get3A_122] {strides = array<i32>} : memref<80x128xi32, #tpu.memory_space<vmem>>, vector<1x16xi32>,
        %get3A_124 = vector.shape_cast %get3A_123 : vector<1x16xi32> to vector<16xi32>
        %sub3A_125 = vector.broadcast %mul3A_11 : i32 to vector<16xi32>
        %sub3A_126 = arith.subi %get3A_124, %sub3A_125 : vector<16xi32>
        %ge3A_127 = arith.constant 0 : i32
        %ge3A_128 = vector.broadcast %ge3A_127 : i32 to vector<16xi32>
        %ge3A_129 = arith.cmpi sge, %sub3A_126, %ge3A_128 : vector<16xi32>
        %lt3A_130 = arith.constant 5120 : i32
        %lt3A_131 = vector.broadcast %lt3A_130 : i32 to vector<16xi32>
        %lt3A_132 = arith.cmpi slt, %sub3A_126, %lt3A_131 : vector<16xi32>
        %and3A_133 = arith.andi %ge3A_129, %lt3A_132 : vector<16xi1>
        %and3A_134 = arith.constant 127 : i32
        %and3A_135 = vector.broadcast %and3A_134 : i32 to vector<16xi32>
        %and3A_136 = arith.andi %get3A_124, %and3A_135 : vector<16xi32>
        %add3A_137 = arith.constant 5120 : i32
        %add3A_138 = vector.broadcast %add3A_137 : i32 to vector<16xi32>
        %add3A_139 = arith.addi %add3A_138, %and3A_136 : vector<16xi32>
        %select_n3A_140 = arith.select %and3A_133, %sub3A_126, %add3A_139 : vector<16xi1>, vector<16xi32>
        %swap3A_141 = arith.index_cast %scan3A_74 : i32 to index
        %swap3A_142 = arith.constant 32 : index
        %swap3A_143 = tpu.vector_load %arg6[%swap3A_141, %swap3A_142] {strides = array<i32>} : memref<80x128xi32, #tpu.memory_space<vmem>>, vector<1x16xi32>,
        %swap3A_144 = vector.shape_cast %swap3A_143 : vector<1x16xi32> to vector<16xi32>
        %swap3A_145 = vector.shape_cast %select_n3A_140 : vector<16xi32> to vector<1x16xi32>
        tpu.vector_store %arg6[%swap3A_141, %swap3A_142], %swap3A_145 {strides = array<i32>} : memref<80x128xi32, #tpu.memory_space<vmem>>, vector<1x16xi32>,
        %get3A_146 = arith.index_cast %scan3A_74 : i32 to index
        %get3A_147 = arith.constant 48 : index
        %get3A_148 = tpu.vector_load %arg6[%get3A_146, %get3A_147] {strides = array<i32>} : memref<80x128xi32, #tpu.memory_space<vmem>>, vector<1x16xi32>,
        %get3A_149 = vector.shape_cast %get3A_148 : vector<1x16xi32> to vector<16xi32>
        %sub3A_150 = vector.broadcast %mul3A_11 : i32 to vector<16xi32>
        %sub3A_151 = arith.subi %get3A_149, %sub3A_150 : vector<16xi32>
        %ge3A_152 = arith.constant 0 : i32
        %ge3A_153 = vector.broadcast %ge3A_152 : i32 to vector<16xi32>
        %ge3A_154 = arith.cmpi sge, %sub3A_151, %ge3A_153 : vector<16xi32>
        %lt3A_155 = arith.constant 5120 : i32
        %lt3A_156 = vector.broadcast %lt3A_155 : i32 to vector<16xi32>
        %lt3A_157 = arith.cmpi slt, %sub3A_151, %lt3A_156 : vector<16xi32>
        %and3A_158 = arith.andi %ge3A_154, %lt3A_157 : vector<16xi1>
        %and3A_159 = arith.constant 127 : i32
        %and3A_160 = vector.broadcast %and3A_159 : i32 to vector<16xi32>
        %and3A_161 = arith.andi %get3A_149, %and3A_160 : vector<16xi32>
        %add3A_162 = arith.constant 5120 : i32
        %add3A_163 = vector.broadcast %add3A_162 : i32 to vector<16xi32>
        %add3A_164 = arith.addi %add3A_163, %and3A_161 : vector<16xi32>
        %select_n3A_165 = arith.select %and3A_158, %sub3A_151, %add3A_164 : vector<16xi1>, vector<16xi32>
        %swap3A_166 = arith.index_cast %scan3A_74 : i32 to index
        %swap3A_167 = arith.constant 48 : index
        %swap3A_168 = tpu.vector_load %arg6[%swap3A_166, %swap3A_167] {strides = array<i32>} : memref<80x128xi32, #tpu.memory_space<vmem>>, vector<1x16xi32>,
        %swap3A_169 = vector.shape_cast %swap3A_168 : vector<1x16xi32> to vector<16xi32>
        %swap3A_170 = vector.shape_cast %select_n3A_165 : vector<16xi32> to vector<1x16xi32>
        tpu.vector_store %arg6[%swap3A_166, %swap3A_167], %swap3A_170 {strides = array<i32>} : memref<80x128xi32, #tpu.memory_space<vmem>>, vector<1x16xi32>,
        %get3A_171 = arith.index_cast %scan3A_74 : i32 to index
        %get3A_172 = arith.constant 64 : index
        %get3A_173 = tpu.vector_load %arg6[%get3A_171, %get3A_172] {strides = array<i32>} : memref<80x128xi32, #tpu.memory_space<vmem>>, vector<1x16xi32>,
        %get3A_174 = vector.shape_cast %get3A_173 : vector<1x16xi32> to vector<16xi32>
        %sub3A_175 = vector.broadcast %mul3A_11 : i32 to vector<16xi32>
        %sub3A_176 = arith.subi %get3A_174, %sub3A_175 : vector<16xi32>
        %ge3A_177 = arith.constant 0 : i32
        %ge3A_178 = vector.broadcast %ge3A_177 : i32 to vector<16xi32>
        %ge3A_179 = arith.cmpi sge, %sub3A_176, %ge3A_178 : vector<16xi32>
        %lt3A_180 = arith.constant 5120 : i32
        %lt3A_181 = vector.broadcast %lt3A_180 : i32 to vector<16xi32>
        %lt3A_182 = arith.cmpi slt, %sub3A_176, %lt3A_181 : vector<16xi32>
        %and3A_183 = arith.andi %ge3A_179, %lt3A_182 : vector<16xi1>
        %and3A_184 = arith.constant 127 : i32
        %and3A_185 = vector.broadcast %and3A_184 : i32 to vector<16xi32>
        %and3A_186 = arith.andi %get3A_174, %and3A_185 : vector<16xi32>
        %add3A_187 = arith.constant 5120 : i32
        %add3A_188 = vector.broadcast %add3A_187 : i32 to vector<16xi32>
        %add3A_189 = arith.addi %add3A_188, %and3A_186 : vector<16xi32>
        %select_n3A_190 = arith.select %and3A_183, %sub3A_176, %add3A_189 : vector<16xi1>, vector<16xi32>
        %swap3A_191 = arith.index_cast %scan3A_74 : i32 to index
        %swap3A_192 = arith.constant 64 : index
        %swap3A_193 = tpu.vector_load %arg6[%swap3A_191, %swap3A_192] {strides = array<i32>} : memref<80x128xi32, #tpu.memory_space<vmem>>, vector<1x16xi32>,
        %swap3A_194 = vector.shape_cast %swap3A_193 : vector<1x16xi32> to vector<16xi32>
        %swap3A_195 = vector.shape_cast %select_n3A_190 : vector<16xi32> to vector<1x16xi32>
        tpu.vector_store %arg6[%swap3A_191, %swap3A_192], %swap3A_195 {strides = array<i32>} : memref<80x128xi32, #tpu.memory_space<vmem>>, vector<1x16xi32>,
        %get3A_196 = arith.index_cast %scan3A_74 : i32 to index
        %get3A_197 = arith.constant 80 : index
        %get3A_198 = tpu.vector_load %arg6[%get3A_196, %get3A_197] {strides = array<i32>} : memref<80x128xi32, #tpu.memory_space<vmem>>, vector<1x16xi32>,
        %get3A_199 = vector.shape_cast %get3A_198 : vector<1x16xi32> to vector<16xi32>
        %sub3A_200 = vector.broadcast %mul3A_11 : i32 to vector<16xi32>
        %sub3A_201 = arith.subi %get3A_199, %sub3A_200 : vector<16xi32>
        %ge3A_202 = arith.constant 0 : i32
        %ge3A_203 = vector.broadcast %ge3A_202 : i32 to vector<16xi32>
        %ge3A_204 = arith.cmpi sge, %sub3A_201, %ge3A_203 : vector<16xi32>
        %lt3A_205 = arith.constant 5120 : i32
        %lt3A_206 = vector.broadcast %lt3A_205 : i32 to vector<16xi32>
        %lt3A_207 = arith.cmpi slt, %sub3A_201, %lt3A_206 : vector<16xi32>
        %and3A_208 = arith.andi %ge3A_204, %lt3A_207 : vector<16xi1>
        %and3A_209 = arith.constant 127 : i32
        %and3A_210 = vector.broadcast %and3A_209 : i32 to vector<16xi32>
        %and3A_211 = arith.andi %get3A_199, %and3A_210 : vector<16xi32>
        %add3A_212 = arith.constant 5120 : i32
        %add3A_213 = vector.broadcast %add3A_212 : i32 to vector<16xi32>
        %add3A_214 = arith.addi %add3A_213, %and3A_211 : vector<16xi32>
        %select_n3A_215 = arith.select %and3A_208, %sub3A_201, %add3A_214 : vector<16xi1>, vector<16xi32>
        %swap3A_216 = arith.index_cast %scan3A_74 : i32 to index
        %swap3A_217 = arith.constant 80 : index
        %swap3A_218 = tpu.vector_load %arg6[%swap3A_216, %swap3A_217] {strides = array<i32>} : memref<80x128xi32, #tpu.memory_space<vmem>>, vector<1x16xi32>,
        %swap3A_219 = vector.shape_cast %swap3A_218 : vector<1x16xi32> to vector<16xi32>
        %swap3A_220 = vector.shape_cast %select_n3A_215 : vector<16xi32> to vector<1x16xi32>
        tpu.vector_store %arg6[%swap3A_216, %swap3A_217], %swap3A_220 {strides = array<i32>} : memref<80x128xi32, #tpu.memory_space<vmem>>, vector<1x16xi32>,
        %get3A_221 = arith.index_cast %scan3A_74 : i32 to index
        %get3A_222 = arith.constant 96 : index
        %get3A_223 = tpu.vector_load %arg6[%get3A_221, %get3A_222] {strides = array<i32>} : memref<80x128xi32, #tpu.memory_space<vmem>>, vector<1x16xi32>,
        %get3A_224 = vector.shape_cast %get3A_223 : vector<1x16xi32> to vector<16xi32>
        %sub3A_225 = vector.broadcast %mul3A_11 : i32 to vector<16xi32>
        %sub3A_226 = arith.subi %get3A_224, %sub3A_225 : vector<16xi32>
        %ge3A_227 = arith.constant 0 : i32
        %ge3A_228 = vector.broadcast %ge3A_227 : i32 to vector<16xi32>
        %ge3A_229 = arith.cmpi sge, %sub3A_226, %ge3A_228 : vector<16xi32>
        %lt3A_230 = arith.constant 5120 : i32
        %lt3A_231 = vector.broadcast %lt3A_230 : i32 to vector<16xi32>
        %lt3A_232 = arith.cmpi slt, %sub3A_226, %lt3A_231 : vector<16xi32>
        %and3A_233 = arith.andi %ge3A_229, %lt3A_232 : vector<16xi1>
        %and3A_234 = arith.constant 127 : i32
        %and3A_235 = vector.broadcast %and3A_234 : i32 to vector<16xi32>
        %and3A_236 = arith.andi %get3A_224, %and3A_235 : vector<16xi32>
        %add3A_237 = arith.constant 5120 : i32
        %add3A_238 = vector.broadcast %add3A_237 : i32 to vector<16xi32>
        %add3A_239 = arith.addi %add3A_238, %and3A_236 : vector<16xi32>
        %select_n3A_240 = arith.select %and3A_233, %sub3A_226, %add3A_239 : vector<16xi1>, vector<16xi32>
        %swap3A_241 = arith.index_cast %scan3A_74 : i32 to index
        %swap3A_242 = arith.constant 96 : index
        %swap3A_243 = tpu.vector_load %arg6[%swap3A_241, %swap3A_242] {strides = array<i32>} : memref<80x128xi32, #tpu.memory_space<vmem>>, vector<1x16xi32>,
        %swap3A_244 = vector.shape_cast %swap3A_243 : vector<1x16xi32> to vector<16xi32>
        %swap3A_245 = vector.shape_cast %select_n3A_240 : vector<16xi32> to vector<1x16xi32>
        tpu.vector_store %arg6[%swap3A_241, %swap3A_242], %swap3A_245 {strides = array<i32>} : memref<80x128xi32, #tpu.memory_space<vmem>>, vector<1x16xi32>,
        %get3A_246 = arith.index_cast %scan3A_74 : i32 to index
        %get3A_247 = arith.constant 112 : index
        %get3A_248 = tpu.vector_load %arg6[%get3A_246, %get3A_247] {strides = array<i32>} : memref<80x128xi32, #tpu.memory_space<vmem>>, vector<1x16xi32>,
        %get3A_249 = vector.shape_cast %get3A_248 : vector<1x16xi32> to vector<16xi32>
        %sub3A_250 = vector.broadcast %mul3A_11 : i32 to vector<16xi32>
        %sub3A_251 = arith.subi %get3A_249, %sub3A_250 : vector<16xi32>
        %ge3A_252 = arith.constant 0 : i32
        %ge3A_253 = vector.broadcast %ge3A_252 : i32 to vector<16xi32>
        %ge3A_254 = arith.cmpi sge, %sub3A_251, %ge3A_253 : vector<16xi32>
        %lt3A_255 = arith.constant 5120 : i32
        %lt3A_256 = vector.broadcast %lt3A_255 : i32 to vector<16xi32>
        %lt3A_257 = arith.cmpi slt, %sub3A_251, %lt3A_256 : vector<16xi32>
        %and3A_258 = arith.andi %ge3A_254, %lt3A_257 : vector<16xi1>
        %and3A_259 = arith.constant 127 : i32
        %and3A_260 = vector.broadcast %and3A_259 : i32 to vector<16xi32>
        %and3A_261 = arith.andi %get3A_249, %and3A_260 : vector<16xi32>
        %add3A_262 = arith.constant 5120 : i32
        %add3A_263 = vector.broadcast %add3A_262 : i32 to vector<16xi32>
        %add3A_264 = arith.addi %add3A_263, %and3A_261 : vector<16xi32>
        %select_n3A_265 = arith.select %and3A_258, %sub3A_251, %add3A_264 : vector<16xi1>, vector<16xi32>
        %swap3A_266 = arith.index_cast %scan3A_74 : i32 to index
        %swap3A_267 = arith.constant 112 : index
        %swap3A_268 = tpu.vector_load %arg6[%swap3A_266, %swap3A_267] {strides = array<i32>} : memref<80x128xi32, #tpu.memory_space<vmem>>, vector<1x16xi32>,
        %swap3A_269 = vector.shape_cast %swap3A_268 : vector<1x16xi32> to vector<16xi32>
        %swap3A_270 = vector.shape_cast %select_n3A_265 : vector<16xi32> to vector<1x16xi32>
        tpu.vector_store %arg6[%swap3A_266, %swap3A_267], %swap3A_270 {strides = array<i32>} : memref<80x128xi32, #tpu.memory_space<vmem>>, vector<1x16xi32>,
      }
      %scan3A_47 = arith.constant 80 : i32
      %dma_start3A = arith.constant 0 : i32
      %dma_start3A_48 = arith.constant 0 : i32
      %dma_start3A_49 = tpu.memref_slice %arg5[%dma_start3A, %dma_start3A_48] : memref<80x128xi32, #tpu.memory_space<vmem>> -> memref<1x128xi32, #tpu.memory_space<vmem>>
      %dma_start3A_50 = tpu.memref_squeeze %dma_start3A_49 : memref<1x128xi32, #tpu.memory_space<vmem>> -> memref<128xi32, #tpu.memory_space<vmem>>
      %dma_start3A_51 = arith.constant 0 : i32
      %dma_start3A_52 = arith.constant 0 : i32
      %dma_start3A_53 = tpu.memref_slice %arg2[%dma_start3A_51, %dma_start3A_52] : memref<10240x128xf32, #tpu.memory_space<hbm>> -> memref<10240x128xf32, #tpu.memory_space<hbm>>
      tpu.enqueue_indirect_dma source(%dma_start3A_53 : memref<10240x128xf32, #tpu.memory_space<hbm>>) target(%arg7 : memref<128x128xf32, #tpu.memory_space<vmem>>) offsets(%dma_start3A_50 : memref<128xi32, #tpu.memory_space<vmem>>) semaphore(%arg12 : memref<!tpu.dma_semaphore, #tpu.memory_space<semaphore_mem>>)
      %dma_start3A_54 = arith.constant 1 : i32
      %dma_start3A_55 = arith.constant 0 : i32
      %dma_start3A_56 = tpu.memref_slice %arg5[%dma_start3A_54, %dma_start3A_55] : memref<80x128xi32, #tpu.memory_space<vmem>> -> memref<1x128xi32, #tpu.memory_space<vmem>>
      %dma_start3A_57 = tpu.memref_squeeze %dma_start3A_56 : memref<1x128xi32, #tpu.memory_space<vmem>> -> memref<128xi32, #tpu.memory_space<vmem>>
      %dma_start3A_58 = arith.constant 0 : i32
      %dma_start3A_59 = arith.constant 0 : i32
      %dma_start3A_60 = tpu.memref_slice %arg2[%dma_start3A_58, %dma_start3A_59] : memref<10240x128xf32, #tpu.memory_space<hbm>> -> memref<10240x128xf32, #tpu.memory_space<hbm>>
      tpu.enqueue_indirect_dma source(%dma_start3A_60 : memref<10240x128xf32, #tpu.memory_space<hbm>>) target(%arg8 : memref<128x128xf32, #tpu.memory_space<vmem>>) offsets(%dma_start3A_57 : memref<128xi32, #tpu.memory_space<vmem>>) semaphore(%arg13 : memref<!tpu.dma_semaphore, #tpu.memory_space<semaphore_mem>>)
      %dma_start3A_61 = arith.constant 2 : i32
      %dma_start3A_62 = arith.constant 0 : i32
      %dma_start3A_63 = tpu.memref_slice %arg5[%dma_start3A_61, %dma_start3A_62] : memref<80x128xi32, #tpu.memory_space<vmem>> -> memref<1x128xi32, #tpu.memory_space<vmem>>
      %dma_start3A_64 = tpu.memref_squeeze %dma_start3A_63 : memref<1x128xi32, #tpu.memory_space<vmem>> -> memref<128xi32, #tpu.memory_space<vmem>>
      %dma_start3A_65 = arith.constant 0 : i32
      %dma_start3A_66 = arith.constant 0 : i32
      %dma_start3A_67 = tpu.memref_slice %arg2[%dma_start3A_65, %dma_start3A_66] : memref<10240x128xf32, #tpu.memory_space<hbm>> -> memref<10240x128xf32, #tpu.memory_space<hbm>>
      tpu.enqueue_indirect_dma source(%dma_start3A_67 : memref<10240x128xf32, #tpu.memory_space<hbm>>) target(%arg9 : memref<128x128xf32, #tpu.memory_space<vmem>>) offsets(%dma_start3A_64 : memref<128xi32, #tpu.memory_space<vmem>>) semaphore(%arg14 : memref<!tpu.dma_semaphore, #tpu.memory_space<semaphore_mem>>)
      %scan3A_68 = arith.constant 0 : i32
      %scan3A_69 = arith.constant 0 : i32
      %scan3A_70 = arith.constant 20 : i32
      %scan3A_71 = arith.addi %scan3A_69, %scan3A_70 : i32
      %scan3A_72 = arith.constant 1 : i32
      scf.for %scan3A_74 = %scan3A_69 to %scan3A_71 step %scan3A_72  : i32 {
        %mul3A_75 = arith.constant 4 : i32
        %mul3A_76 = arith.muli %scan3A_74, %mul3A_75 : i32
        %add3A_77 = arith.constant 0 : i32
        %add3A_78 = arith.addi %mul3A_76, %add3A_77 : i32
        %add3A_79 = arith.constant 4 : i32
        %add3A_80 = arith.addi %add3A_78, %add3A_79 : i32
        %sub3A = arith.constant 1 : i32
        %sub3A_81 = arith.subi %add3A_80, %sub3A : i32
        %lt3A_82 = arith.constant 80 : i32
        %lt3A_83 = arith.cmpi slt, %sub3A_81, %lt3A_82 : i32
        %convert_element_type3A = arith.extui %lt3A_83 : i1 to i32
        %cond3A = arith.constant 0 : i32
        %cond3A_84 = arith.cmpi ne, %convert_element_type3A, %cond3A : i32
        scf.if %cond3A_84 {
          %dma_start3A_147 = arith.constant 0 : i32
          %dma_start3A_148 = tpu.memref_slice %arg5[%sub3A_81, %dma_start3A_147] : memref<80x128xi32, #tpu.memory_space<vmem>> -> memref<1x128xi32, #tpu.memory_space<vmem>>
          %dma_start3A_149 = tpu.memref_squeeze %dma_start3A_148 : memref<1x128xi32, #tpu.memory_space<vmem>> -> memref<128xi32, #tpu.memory_space<vmem>>
          %dma_start3A_150 = arith.constant 0 : i32
          %dma_start3A_151 = arith.constant 0 : i32
          %dma_start3A_152 = tpu.memref_slice %arg2[%dma_start3A_150, %dma_start3A_151] : memref<10240x128xf32, #tpu.memory_space<hbm>> -> memref<10240x128xf32, #tpu.memory_space<hbm>>
          tpu.enqueue_indirect_dma source(%dma_start3A_152 : memref<10240x128xf32, #tpu.memory_space<hbm>>) target(%arg10 : memref<128x128xf32, #tpu.memory_space<vmem>>) offsets(%dma_start3A_149 : memref<128xi32, #tpu.memory_space<vmem>>) semaphore(%arg15 : memref<!tpu.dma_semaphore, #tpu.memory_space<semaphore_mem>>)
        } else {
        }
        %dma_wait3A = arith.constant 0 : i32
        %dma_wait3A_85 = tpu.memref_slice %arg5[%add3A_78, %dma_wait3A] : memref<80x128xi32, #tpu.memory_space<vmem>> -> memref<1x128xi32, #tpu.memory_space<vmem>>
        %dma_wait3A_86 = tpu.memref_squeeze %dma_wait3A_85 : memref<1x128xi32, #tpu.memory_space<vmem>> -> memref<128xi32, #tpu.memory_space<vmem>>
        %dma_wait3A_87 = arith.constant 0 : i32
        %dma_wait3A_88 = arith.constant 0 : i32
        %dma_wait3A_89 = tpu.memref_slice %arg2[%dma_wait3A_87, %dma_wait3A_88] : memref<10240x128xf32, #tpu.memory_space<hbm>> -> memref<10240x128xf32, #tpu.memory_space<hbm>>
        tpu.wait_indirect_dma semaphore(%arg12 : memref<!tpu.dma_semaphore, #tpu.memory_space<semaphore_mem>>) src(%dma_wait3A_89 : memref<10240x128xf32, #tpu.memory_space<hbm>>) dst(%arg7 : memref<128x128xf32, #tpu.memory_space<vmem>>)
        "tpu.region"() ({
          %run_scoped3A = tpu.sem_alloc : memref<!tpu.dma_semaphore, #tpu.memory_space<semaphore_mem>>
          %dma_start3A_147 = arith.constant 0 : i32
          %dma_start3A_148 = tpu.memref_slice %arg6[%add3A_78, %dma_start3A_147] : memref<80x128xi32, #tpu.memory_space<vmem>> -> memref<1x128xi32, #tpu.memory_space<vmem>>
          %dma_start3A_149 = tpu.memref_squeeze %dma_start3A_148 : memref<1x128xi32, #tpu.memory_space<vmem>> -> memref<128xi32, #tpu.memory_space<vmem>>
          %dma_start3A_150 = arith.constant 0 : i32
          %dma_start3A_151 = arith.constant 0 : i32
          %dma_start3A_152 = tpu.memref_slice %arg11[%dma_start3A_150, %dma_start3A_151] : memref<5248x128xf32, #tpu.memory_space<vmem_shared>> -> memref<5248x128xf32, #tpu.memory_space<vmem_shared>>
          tpu.enqueue_indirect_dma source(%arg7 : memref<128x128xf32, #tpu.memory_space<vmem>>) target(%dma_start3A_152 : memref<5248x128xf32, #tpu.memory_space<vmem_shared>>) offsets(%dma_start3A_149 : memref<128xi32, #tpu.memory_space<vmem>>) semaphore(%run_scoped3A : memref<!tpu.dma_semaphore, #tpu.memory_space<semaphore_mem>>) {add = true}
          %dma_wait3A_153 = arith.constant 0 : i32
          %dma_wait3A_154 = tpu.memref_slice %arg6[%add3A_78, %dma_wait3A_153] : memref<80x128xi32, #tpu.memory_space<vmem>> -> memref<1x128xi32, #tpu.memory_space<vmem>>
          %dma_wait3A_155 = tpu.memref_squeeze %dma_wait3A_154 : memref<1x128xi32, #tpu.memory_space<vmem>> -> memref<128xi32, #tpu.memory_space<vmem>>
          %dma_wait3A_156 = arith.constant 0 : i32
          %dma_wait3A_157 = arith.constant 0 : i32
          %dma_wait3A_158 = tpu.memref_slice %arg11[%dma_wait3A_156, %dma_wait3A_157] : memref<5248x128xf32, #tpu.memory_space<vmem_shared>> -> memref<5248x128xf32, #tpu.memory_space<vmem_shared>>
          tpu.wait_indirect_dma semaphore(%run_scoped3A : memref<!tpu.dma_semaphore, #tpu.memory_space<semaphore_mem>>) src(%arg7 : memref<128x128xf32, #tpu.memory_space<vmem>>) dst(%dma_wait3A_158 : memref<5248x128xf32, #tpu.memory_space<vmem_shared>>)
          tpu.yield
        }) : () -> ()
        %mul3A_90 = arith.constant 4 : i32
        %mul3A_91 = arith.muli %scan3A_74, %mul3A_90 : i32
        %add3A_92 = arith.constant 1 : i32
        %add3A_93 = arith.addi %mul3A_91, %add3A_92 : i32
        %add3A_94 = arith.constant 4 : i32
        %add3A_95 = arith.addi %add3A_93, %add3A_94 : i32
        %sub3A_96 = arith.constant 1 : i32
        %sub3A_97 = arith.subi %add3A_95, %sub3A_96 : i32
        %lt3A_98 = arith.constant 80 : i32
        %lt3A_99 = arith.cmpi slt, %sub3A_97, %lt3A_98 : i32
        %convert_element_type3A_100 = arith.extui %lt3A_99 : i1 to i32
        %cond3A_101 = arith.constant 0 : i32
        %cond3A_102 = arith.cmpi ne, %convert_element_type3A_100, %cond3A_101 : i32
        scf.if %cond3A_102 {
          %dma_start3A_147 = arith.constant 0 : i32
          %dma_start3A_148 = tpu.memref_slice %arg5[%sub3A_97, %dma_start3A_147] : memref<80x128xi32, #tpu.memory_space<vmem>> -> memref<1x128xi32, #tpu.memory_space<vmem>>
          %dma_start3A_149 = tpu.memref_squeeze %dma_start3A_148 : memref<1x128xi32, #tpu.memory_space<vmem>> -> memref<128xi32, #tpu.memory_space<vmem>>
          %dma_start3A_150 = arith.constant 0 : i32
          %dma_start3A_151 = arith.constant 0 : i32
          %dma_start3A_152 = tpu.memref_slice %arg2[%dma_start3A_150, %dma_start3A_151] : memref<10240x128xf32, #tpu.memory_space<hbm>> -> memref<10240x128xf32, #tpu.memory_space<hbm>>
          tpu.enqueue_indirect_dma source(%dma_start3A_152 : memref<10240x128xf32, #tpu.memory_space<hbm>>) target(%arg7 : memref<128x128xf32, #tpu.memory_space<vmem>>) offsets(%dma_start3A_149 : memref<128xi32, #tpu.memory_space<vmem>>) semaphore(%arg12 : memref<!tpu.dma_semaphore, #tpu.memory_space<semaphore_mem>>)
        } else {
        }
        %dma_wait3A_103 = arith.constant 0 : i32
        %dma_wait3A_104 = tpu.memref_slice %arg5[%add3A_93, %dma_wait3A_103] : memref<80x128xi32, #tpu.memory_space<vmem>> -> memref<1x128xi32, #tpu.memory_space<vmem>>
        %dma_wait3A_105 = tpu.memref_squeeze %dma_wait3A_104 : memref<1x128xi32, #tpu.memory_space<vmem>> -> memref<128xi32, #tpu.memory_space<vmem>>
        %dma_wait3A_106 = arith.constant 0 : i32
        %dma_wait3A_107 = arith.constant 0 : i32
        %dma_wait3A_108 = tpu.memref_slice %arg2[%dma_wait3A_106, %dma_wait3A_107] : memref<10240x128xf32, #tpu.memory_space<hbm>> -> memref<10240x128xf32, #tpu.memory_space<hbm>>
        tpu.wait_indirect_dma semaphore(%arg13 : memref<!tpu.dma_semaphore, #tpu.memory_space<semaphore_mem>>) src(%dma_wait3A_108 : memref<10240x128xf32, #tpu.memory_space<hbm>>) dst(%arg8 : memref<128x128xf32, #tpu.memory_space<vmem>>)
        "tpu.region"() ({
          %run_scoped3A = tpu.sem_alloc : memref<!tpu.dma_semaphore, #tpu.memory_space<semaphore_mem>>
          %dma_start3A_147 = arith.constant 0 : i32
          %dma_start3A_148 = tpu.memref_slice %arg6[%add3A_93, %dma_start3A_147] : memref<80x128xi32, #tpu.memory_space<vmem>> -> memref<1x128xi32, #tpu.memory_space<vmem>>
          %dma_start3A_149 = tpu.memref_squeeze %dma_start3A_148 : memref<1x128xi32, #tpu.memory_space<vmem>> -> memref<128xi32, #tpu.memory_space<vmem>>
          %dma_start3A_150 = arith.constant 0 : i32
          %dma_start3A_151 = arith.constant 0 : i32
          %dma_start3A_152 = tpu.memref_slice %arg11[%dma_start3A_150, %dma_start3A_151] : memref<5248x128xf32, #tpu.memory_space<vmem_shared>> -> memref<5248x128xf32, #tpu.memory_space<vmem_shared>>
          tpu.enqueue_indirect_dma source(%arg8 : memref<128x128xf32, #tpu.memory_space<vmem>>) target(%dma_start3A_152 : memref<5248x128xf32, #tpu.memory_space<vmem_shared>>) offsets(%dma_start3A_149 : memref<128xi32, #tpu.memory_space<vmem>>) semaphore(%run_scoped3A : memref<!tpu.dma_semaphore, #tpu.memory_space<semaphore_mem>>) {add = true}
          %dma_wait3A_153 = arith.constant 0 : i32
          %dma_wait3A_154 = tpu.memref_slice %arg6[%add3A_93, %dma_wait3A_153] : memref<80x128xi32, #tpu.memory_space<vmem>> -> memref<1x128xi32, #tpu.memory_space<vmem>>
          %dma_wait3A_155 = tpu.memref_squeeze %dma_wait3A_154 : memref<1x128xi32, #tpu.memory_space<vmem>> -> memref<128xi32, #tpu.memory_space<vmem>>
          %dma_wait3A_156 = arith.constant 0 : i32
          %dma_wait3A_157 = arith.constant 0 : i32
          %dma_wait3A_158 = tpu.memref_slice %arg11[%dma_wait3A_156, %dma_wait3A_157] : memref<5248x128xf32, #tpu.memory_space<vmem_shared>> -> memref<5248x128xf32, #tpu.memory_space<vmem_shared>>
          tpu.wait_indirect_dma semaphore(%run_scoped3A : memref<!tpu.dma_semaphore, #tpu.memory_space<semaphore_mem>>) src(%arg8 : memref<128x128xf32, #tpu.memory_space<vmem>>) dst(%dma_wait3A_158 : memref<5248x128xf32, #tpu.memory_space<vmem_shared>>)
          tpu.yield
        }) : () -> ()
        %mul3A_109 = arith.constant 4 : i32
        %mul3A_110 = arith.muli %scan3A_74, %mul3A_109 : i32
        %add3A_111 = arith.constant 2 : i32
        %add3A_112 = arith.addi %mul3A_110, %add3A_111 : i32
        %add3A_113 = arith.constant 4 : i32
        %add3A_114 = arith.addi %add3A_112, %add3A_113 : i32
        %sub3A_115 = arith.constant 1 : i32
        %sub3A_116 = arith.subi %add3A_114, %sub3A_115 : i32
        %lt3A_117 = arith.constant 80 : i32
        %lt3A_118 = arith.cmpi slt, %sub3A_116, %lt3A_117 : i32
        %convert_element_type3A_119 = arith.extui %lt3A_118 : i1 to i32
        %cond3A_120 = arith.constant 0 : i32
        %cond3A_121 = arith.cmpi ne, %convert_element_type3A_119, %cond3A_120 : i32
        scf.if %cond3A_121 {
          %dma_start3A_147 = arith.constant 0 : i32
          %dma_start3A_148 = tpu.memref_slice %arg5[%sub3A_116, %dma_start3A_147] : memref<80x128xi32, #tpu.memory_space<vmem>> -> memref<1x128xi32, #tpu.memory_space<vmem>>
          %dma_start3A_149 = tpu.memref_squeeze %dma_start3A_148 : memref<1x128xi32, #tpu.memory_space<vmem>> -> memref<128xi32, #tpu.memory_space<vmem>>
          %dma_start3A_150 = arith.constant 0 : i32
          %dma_start3A_151 = arith.constant 0 : i32
          %dma_start3A_152 = tpu.memref_slice %arg2[%dma_start3A_150, %dma_start3A_151] : memref<10240x128xf32, #tpu.memory_space<hbm>> -> memref<10240x128xf32, #tpu.memory_space<hbm>>
          tpu.enqueue_indirect_dma source(%dma_start3A_152 : memref<10240x128xf32, #tpu.memory_space<hbm>>) target(%arg8 : memref<128x128xf32, #tpu.memory_space<vmem>>) offsets(%dma_start3A_149 : memref<128xi32, #tpu.memory_space<vmem>>) semaphore(%arg13 : memref<!tpu.dma_semaphore, #tpu.memory_space<semaphore_mem>>)
        } else {
        }
        %dma_wait3A_122 = arith.constant 0 : i32
        %dma_wait3A_123 = tpu.memref_slice %arg5[%add3A_112, %dma_wait3A_122] : memref<80x128xi32, #tpu.memory_space<vmem>> -> memref<1x128xi32, #tpu.memory_space<vmem>>
        %dma_wait3A_124 = tpu.memref_squeeze %dma_wait3A_123 : memref<1x128xi32, #tpu.memory_space<vmem>> -> memref<128xi32, #tpu.memory_space<vmem>>
        %dma_wait3A_125 = arith.constant 0 : i32
        %dma_wait3A_126 = arith.constant 0 : i32
        %dma_wait3A_127 = tpu.memref_slice %arg2[%dma_wait3A_125, %dma_wait3A_126] : memref<10240x128xf32, #tpu.memory_space<hbm>> -> memref<10240x128xf32, #tpu.memory_space<hbm>>
        tpu.wait_indirect_dma semaphore(%arg14 : memref<!tpu.dma_semaphore, #tpu.memory_space<semaphore_mem>>) src(%dma_wait3A_127 : memref<10240x128xf32, #tpu.memory_space<hbm>>) dst(%arg9 : memref<128x128xf32, #tpu.memory_space<vmem>>)
        "tpu.region"() ({
          %run_scoped3A = tpu.sem_alloc : memref<!tpu.dma_semaphore, #tpu.memory_space<semaphore_mem>>
          %dma_start3A_147 = arith.constant 0 : i32
          %dma_start3A_148 = tpu.memref_slice %arg6[%add3A_112, %dma_start3A_147] : memref<80x128xi32, #tpu.memory_space<vmem>> -> memref<1x128xi32, #tpu.memory_space<vmem>>
          %dma_start3A_149 = tpu.memref_squeeze %dma_start3A_148 : memref<1x128xi32, #tpu.memory_space<vmem>> -> memref<128xi32, #tpu.memory_space<vmem>>
          %dma_start3A_150 = arith.constant 0 : i32
          %dma_start3A_151 = arith.constant 0 : i32
          %dma_start3A_152 = tpu.memref_slice %arg11[%dma_start3A_150, %dma_start3A_151] : memref<5248x128xf32, #tpu.memory_space<vmem_shared>> -> memref<5248x128xf32, #tpu.memory_space<vmem_shared>>
          tpu.enqueue_indirect_dma source(%arg9 : memref<128x128xf32, #tpu.memory_space<vmem>>) target(%dma_start3A_152 : memref<5248x128xf32, #tpu.memory_space<vmem_shared>>) offsets(%dma_start3A_149 : memref<128xi32, #tpu.memory_space<vmem>>) semaphore(%run_scoped3A : memref<!tpu.dma_semaphore, #tpu.memory_space<semaphore_mem>>) {add = true}
          %dma_wait3A_153 = arith.constant 0 : i32
          %dma_wait3A_154 = tpu.memref_slice %arg6[%add3A_112, %dma_wait3A_153] : memref<80x128xi32, #tpu.memory_space<vmem>> -> memref<1x128xi32, #tpu.memory_space<vmem>>
          %dma_wait3A_155 = tpu.memref_squeeze %dma_wait3A_154 : memref<1x128xi32, #tpu.memory_space<vmem>> -> memref<128xi32, #tpu.memory_space<vmem>>
          %dma_wait3A_156 = arith.constant 0 : i32
          %dma_wait3A_157 = arith.constant 0 : i32
          %dma_wait3A_158 = tpu.memref_slice %arg11[%dma_wait3A_156, %dma_wait3A_157] : memref<5248x128xf32, #tpu.memory_space<vmem_shared>> -> memref<5248x128xf32, #tpu.memory_space<vmem_shared>>
          tpu.wait_indirect_dma semaphore(%run_scoped3A : memref<!tpu.dma_semaphore, #tpu.memory_space<semaphore_mem>>) src(%arg9 : memref<128x128xf32, #tpu.memory_space<vmem>>) dst(%dma_wait3A_158 : memref<5248x128xf32, #tpu.memory_space<vmem_shared>>)
          tpu.yield
        }) : () -> ()
        %mul3A_128 = arith.constant 4 : i32
        %mul3A_129 = arith.muli %scan3A_74, %mul3A_128 : i32
        %add3A_130 = arith.constant 3 : i32
        %add3A_131 = arith.addi %mul3A_129, %add3A_130 : i32
        %add3A_132 = arith.constant 4 : i32
        %add3A_133 = arith.addi %add3A_131, %add3A_132 : i32
        %sub3A_134 = arith.constant 1 : i32
        %sub3A_135 = arith.subi %add3A_133, %sub3A_134 : i32
        %lt3A_136 = arith.constant 80 : i32
        %lt3A_137 = arith.cmpi slt, %sub3A_135, %lt3A_136 : i32
        %convert_element_type3A_138 = arith.extui %lt3A_137 : i1 to i32
        %cond3A_139 = arith.constant 0 : i32
        %cond3A_140 = arith.cmpi ne, %convert_element_type3A_138, %cond3A_139 : i32
        scf.if %cond3A_140 {
          %dma_start3A_147 = arith.constant 0 : i32
          %dma_start3A_148 = tpu.memref_slice %arg5[%sub3A_135, %dma_start3A_147] : memref<80x128xi32, #tpu.memory_space<vmem>> -> memref<1x128xi32, #tpu.memory_space<vmem>>
          %dma_start3A_149 = tpu.memref_squeeze %dma_start3A_148 : memref<1x128xi32, #tpu.memory_space<vmem>> -> memref<128xi32, #tpu.memory_space<vmem>>
          %dma_start3A_150 = arith.constant 0 : i32
          %dma_start3A_151 = arith.constant 0 : i32
          %dma_start3A_152 = tpu.memref_slice %arg2[%dma_start3A_150, %dma_start3A_151] : memref<10240x128xf32, #tpu.memory_space<hbm>> -> memref<10240x128xf32, #tpu.memory_space<hbm>>
          tpu.enqueue_indirect_dma source(%dma_start3A_152 : memref<10240x128xf32, #tpu.memory_space<hbm>>) target(%arg9 : memref<128x128xf32, #tpu.memory_space<vmem>>) offsets(%dma_start3A_149 : memref<128xi32, #tpu.memory_space<vmem>>) semaphore(%arg14 : memref<!tpu.dma_semaphore, #tpu.memory_space<semaphore_mem>>)
        } else {
        }
        %dma_wait3A_141 = arith.constant 0 : i32
        %dma_wait3A_142 = tpu.memref_slice %arg5[%add3A_131, %dma_wait3A_141] : memref<80x128xi32, #tpu.memory_space<vmem>> -> memref<1x128xi32, #tpu.memory_space<vmem>>
        %dma_wait3A_143 = tpu.memref_squeeze %dma_wait3A_142 : memref<1x128xi32, #tpu.memory_space<vmem>> -> memref<128xi32, #tpu.memory_space<vmem>>
        %dma_wait3A_144 = arith.constant 0 : i32
        %dma_wait3A_145 = arith.constant 0 : i32
        %dma_wait3A_146 = tpu.memref_slice %arg2[%dma_wait3A_144, %dma_wait3A_145] : memref<10240x128xf32, #tpu.memory_space<hbm>> -> memref<10240x128xf32, #tpu.memory_space<hbm>>
        tpu.wait_indirect_dma semaphore(%arg15 : memref<!tpu.dma_semaphore, #tpu.memory_space<semaphore_mem>>) src(%dma_wait3A_146 : memref<10240x128xf32, #tpu.memory_space<hbm>>) dst(%arg10 : memref<128x128xf32, #tpu.memory_space<vmem>>)
        "tpu.region"() ({
          %run_scoped3A = tpu.sem_alloc : memref<!tpu.dma_semaphore, #tpu.memory_space<semaphore_mem>>
          %dma_start3A_147 = arith.constant 0 : i32
          %dma_start3A_148 = tpu.memref_slice %arg6[%add3A_131, %dma_start3A_147] : memref<80x128xi32, #tpu.memory_space<vmem>> -> memref<1x128xi32, #tpu.memory_space<vmem>>
          %dma_start3A_149 = tpu.memref_squeeze %dma_start3A_148 : memref<1x128xi32, #tpu.memory_space<vmem>> -> memref<128xi32, #tpu.memory_space<vmem>>
          %dma_start3A_150 = arith.constant 0 : i32
          %dma_start3A_151 = arith.constant 0 : i32
          %dma_start3A_152 = tpu.memref_slice %arg11[%dma_start3A_150, %dma_start3A_151] : memref<5248x128xf32, #tpu.memory_space<vmem_shared>> -> memref<5248x128xf32, #tpu.memory_space<vmem_shared>>
          tpu.enqueue_indirect_dma source(%arg10 : memref<128x128xf32, #tpu.memory_space<vmem>>) target(%dma_start3A_152 : memref<5248x128xf32, #tpu.memory_space<vmem_shared>>) offsets(%dma_start3A_149 : memref<128xi32, #tpu.memory_space<vmem>>) semaphore(%run_scoped3A : memref<!tpu.dma_semaphore, #tpu.memory_space<semaphore_mem>>) {add = true}
          %dma_wait3A_153 = arith.constant 0 : i32
          %dma_wait3A_154 = tpu.memref_slice %arg6[%add3A_131, %dma_wait3A_153] : memref<80x128xi32, #tpu.memory_space<vmem>> -> memref<1x128xi32, #tpu.memory_space<vmem>>
          %dma_wait3A_155 = tpu.memref_squeeze %dma_wait3A_154 : memref<1x128xi32, #tpu.memory_space<vmem>> -> memref<128xi32, #tpu.memory_space<vmem>>
          %dma_wait3A_156 = arith.constant 0 : i32
          %dma_wait3A_157 = arith.constant 0 : i32
          %dma_wait3A_158 = tpu.memref_slice %arg11[%dma_wait3A_156, %dma_wait3A_157] : memref<5248x128xf32, #tpu.memory_space<vmem_shared>> -> memref<5248x128xf32, #tpu.memory_space<vmem_shared>>
          tpu.wait_indirect_dma semaphore(%run_scoped3A : memref<!tpu.dma_semaphore, #tpu.memory_space<semaphore_mem>>) src(%arg10 : memref<128x128xf32, #tpu.memory_space<vmem>>) dst(%dma_wait3A_158 : memref<5248x128xf32, #tpu.memory_space<vmem_shared>>)
          tpu.yield
        }) : () -> ()
      }
      %scan3A_73 = arith.constant 20 : i32
    }
    %scan3A_17 = arith.constant 2 : i32
    %barrier3A_18 = arith.constant 0 : index
    tpu.barrier barrier_id(%barrier3A_18)
    %mul3A_19 = arith.constant 320 : i32
    %mul3A_20 = arith.muli %arg1, %mul3A_19 : i32
    %mul3A_21 = arith.constant 320 : i32
    %mul3A_22 = arith.muli %arg1, %mul3A_21 : i32
    %add3A_23 = arith.addi %mul3A_11, %mul3A_22 : i32
    "tpu.region"() ({
      %run_scoped3A = tpu.sem_alloc : memref<!tpu.dma_semaphore, #tpu.memory_space<semaphore_mem>>
      %dma_start3A = arith.constant 0 : i32
      %dma_start3A_24 = tpu.memref_slice %arg4[%add3A_23, %dma_start3A] : memref<10240x128xf32, #tpu.memory_space<hbm>> -> memref<320x128xf32, #tpu.memory_space<hbm>>
      %dma_start3A_25 = arith.constant 0 : i32
      %dma_start3A_26 = tpu.memref_slice %arg11[%mul3A_20, %dma_start3A_25] : memref<5248x128xf32, #tpu.memory_space<vmem_shared>> -> memref<320x128xf32, #tpu.memory_space<vmem_shared>>
      tpu.enqueue_dma source(%dma_start3A_26 : memref<320x128xf32, #tpu.memory_space<vmem_shared>>) target(%dma_start3A_24 : memref<320x128xf32, #tpu.memory_space<hbm>>) target_semaphore(%run_scoped3A : memref<!tpu.dma_semaphore, #tpu.memory_space<semaphore_mem>>)
      %dma_wait3A = arith.constant 0 : i32
      %dma_wait3A_27 = tpu.memref_slice %arg4[%add3A_23, %dma_wait3A] : memref<10240x128xf32, #tpu.memory_space<hbm>> -> memref<320x128xf32, #tpu.memory_space<hbm>>
      %dma_wait3A_28 = arith.constant 0 : i32
      %dma_wait3A_29 = tpu.memref_slice %arg11[%mul3A_20, %dma_wait3A_28] : memref<5248x128xf32, #tpu.memory_space<vmem_shared>> -> memref<320x128xf32, #tpu.memory_space<vmem_shared>>
      tpu.wait_dma2 semaphore(%run_scoped3A : memref<!tpu.dma_semaphore, #tpu.memory_space<semaphore_mem>>) src(%dma_wait3A_29 : memref<320x128xf32, #tpu.memory_space<vmem_shared>>) dst(%dma_wait3A_27 : memref<320x128xf32, #tpu.memory_space<hbm>>)
      tpu.yield
    }) : () -> ()
    return
  }
}

#map = affine_map<(d0, d1) -> (0, 0)>
module attributes {stable_mosaic.version = 14 : i64} {
  func.func @_agg_body(%arg0: i32, %arg1: i32, %arg2: memref<10240x128xf32, #tpu.memory_space<hbm>>, %arg3: memref<5120x128xi32, #tpu.memory_space<hbm>>, %arg4: memref<10240x128xf32, #tpu.memory_space<hbm>>, %arg5: memref<80x128xi32, #tpu.memory_space<vmem>>, %arg6: memref<80x128xi32, #tpu.memory_space<vmem>>, %arg7: memref<128x128xf32, #tpu.memory_space<vmem>>, %arg8: memref<128x128xf32, #tpu.memory_space<vmem>>, %arg9: memref<128x128xf32, #tpu.memory_space<vmem>>, %arg10: memref<128x128xf32, #tpu.memory_space<vmem>>, %arg11: memref<5248x128xf32, #tpu.memory_space<vmem_shared>>, %arg12: memref<!tpu.dma_semaphore, #tpu.memory_space<semaphore_mem>>, %arg13: memref<!tpu.dma_semaphore, #tpu.memory_space<semaphore_mem>>, %arg14: memref<!tpu.dma_semaphore, #tpu.memory_space<semaphore_mem>>, %arg15: memref<!tpu.dma_semaphore, #tpu.memory_space<semaphore_mem>>) attributes {dimension_semantics = [#tpu.dimension_semantics<core_parallel>, #tpu.dimension_semantics<subcore_parallel>], iteration_bounds = array<i64: 2, 16>, scalar_prefetch = 0 : i64, scratch_operands = 11 : i64, tpu.core_type = #tpu.core_type<sc_vector_subcore>, window_params = [{transform_indices = #map}, {transform_indices = #map}, {transform_indices = #map}]} {
    %broadcast_in_dim3A = arith.constant 0.000000e+00 : f32
    %broadcast_in_dim3A_0 = vector.broadcast %broadcast_in_dim3A : f32 to vector<16xf32>
    %scan3A = arith.constant 0 : i32
    %scan3A_1 = arith.constant 0 : i32
    %scan3A_2 = arith.constant 128 : i32
    %scan3A_3 = arith.addi %scan3A_1, %scan3A_2 : i32
    %scan3A_4 = arith.constant 1 : i32
    scf.for %scan3A_24 = %scan3A_1 to %scan3A_3 step %scan3A_4  : i32 {
      %swap3A = arith.index_cast %scan3A_24 : i32 to index
      %swap3A_25 = arith.constant 0 : index
      %swap3A_26 = tpu.vector_load %arg7[%swap3A, %swap3A_25] {strides = array<i32>} : memref<128x128xf32, #tpu.memory_space<vmem>>, vector<1x16xf32>,
      %swap3A_27 = vector.shape_cast %swap3A_26 : vector<1x16xf32> to vector<16xf32>
      %swap3A_28 = vector.shape_cast %broadcast_in_dim3A_0 : vector<16xf32> to vector<1x16xf32>
      tpu.vector_store %arg7[%swap3A, %swap3A_25], %swap3A_28 {strides = array<i32>} : memref<128x128xf32, #tpu.memory_space<vmem>>, vector<1x16xf32>,
      %swap3A_29 = arith.index_cast %scan3A_24 : i32 to index
      %swap3A_30 = arith.constant 16 : index
      %swap3A_31 = tpu.vector_load %arg7[%swap3A_29, %swap3A_30] {strides = array<i32>} : memref<128x128xf32, #tpu.memory_space<vmem>>, vector<1x16xf32>,
      %swap3A_32 = vector.shape_cast %swap3A_31 : vector<1x16xf32> to vector<16xf32>
      %swap3A_33 = vector.shape_cast %broadcast_in_dim3A_0 : vector<16xf32> to vector<1x16xf32>
      tpu.vector_store %arg7[%swap3A_29, %swap3A_30], %swap3A_33 {strides = array<i32>} : memref<128x128xf32, #tpu.memory_space<vmem>>, vector<1x16xf32>,
      %swap3A_34 = arith.index_cast %scan3A_24 : i32 to index
      %swap3A_35 = arith.constant 32 : index
      %swap3A_36 = tpu.vector_load %arg7[%swap3A_34, %swap3A_35] {strides = array<i32>} : memref<128x128xf32, #tpu.memory_space<vmem>>, vector<1x16xf32>,
      %swap3A_37 = vector.shape_cast %swap3A_36 : vector<1x16xf32> to vector<16xf32>
      %swap3A_38 = vector.shape_cast %broadcast_in_dim3A_0 : vector<16xf32> to vector<1x16xf32>
      tpu.vector_store %arg7[%swap3A_34, %swap3A_35], %swap3A_38 {strides = array<i32>} : memref<128x128xf32, #tpu.memory_space<vmem>>, vector<1x16xf32>,
      %swap3A_39 = arith.index_cast %scan3A_24 : i32 to index
      %swap3A_40 = arith.constant 48 : index
      %swap3A_41 = tpu.vector_load %arg7[%swap3A_39, %swap3A_40] {strides = array<i32>} : memref<128x128xf32, #tpu.memory_space<vmem>>, vector<1x16xf32>,
      %swap3A_42 = vector.shape_cast %swap3A_41 : vector<1x16xf32> to vector<16xf32>
      %swap3A_43 = vector.shape_cast %broadcast_in_dim3A_0 : vector<16xf32> to vector<1x16xf32>
      tpu.vector_store %arg7[%swap3A_39, %swap3A_40], %swap3A_43 {strides = array<i32>} : memref<128x128xf32, #tpu.memory_space<vmem>>, vector<1x16xf32>,
      %swap3A_44 = arith.index_cast %scan3A_24 : i32 to index
      %swap3A_45 = arith.constant 64 : index
      %swap3A_46 = tpu.vector_load %arg7[%swap3A_44, %swap3A_45] {strides = array<i32>} : memref<128x128xf32, #tpu.memory_space<vmem>>, vector<1x16xf32>,
      %swap3A_47 = vector.shape_cast %swap3A_46 : vector<1x16xf32> to vector<16xf32>
      %swap3A_48 = vector.shape_cast %broadcast_in_dim3A_0 : vector<16xf32> to vector<1x16xf32>
      tpu.vector_store %arg7[%swap3A_44, %swap3A_45], %swap3A_48 {strides = array<i32>} : memref<128x128xf32, #tpu.memory_space<vmem>>, vector<1x16xf32>,
      %swap3A_49 = arith.index_cast %scan3A_24 : i32 to index
      %swap3A_50 = arith.constant 80 : index
      %swap3A_51 = tpu.vector_load %arg7[%swap3A_49, %swap3A_50] {strides = array<i32>} : memref<128x128xf32, #tpu.memory_space<vmem>>, vector<1x16xf32>,
      %swap3A_52 = vector.shape_cast %swap3A_51 : vector<1x16xf32> to vector<16xf32>
      %swap3A_53 = vector.shape_cast %broadcast_in_dim3A_0 : vector<16xf32> to vector<1x16xf32>
      tpu.vector_store %arg7[%swap3A_49, %swap3A_50], %swap3A_53 {strides = array<i32>} : memref<128x128xf32, #tpu.memory_space<vmem>>, vector<1x16xf32>,
      %swap3A_54 = arith.index_cast %scan3A_24 : i32 to index
      %swap3A_55 = arith.constant 96 : index
      %swap3A_56 = tpu.vector_load %arg7[%swap3A_54, %swap3A_55] {strides = array<i32>} : memref<128x128xf32, #tpu.memory_space<vmem>>, vector<1x16xf32>,
      %swap3A_57 = vector.shape_cast %swap3A_56 : vector<1x16xf32> to vector<16xf32>
      %swap3A_58 = vector.shape_cast %broadcast_in_dim3A_0 : vector<16xf32> to vector<1x16xf32>
      tpu.vector_store %arg7[%swap3A_54, %swap3A_55], %swap3A_58 {strides = array<i32>} : memref<128x128xf32, #tpu.memory_space<vmem>>, vector<1x16xf32>,
      %swap3A_59 = arith.index_cast %scan3A_24 : i32 to index
      %swap3A_60 = arith.constant 112 : index
      %swap3A_61 = tpu.vector_load %arg7[%swap3A_59, %swap3A_60] {strides = array<i32>} : memref<128x128xf32, #tpu.memory_space<vmem>>, vector<1x16xf32>,
      %swap3A_62 = vector.shape_cast %swap3A_61 : vector<1x16xf32> to vector<16xf32>
      %swap3A_63 = vector.shape_cast %broadcast_in_dim3A_0 : vector<16xf32> to vector<1x16xf32>
      tpu.vector_store %arg7[%swap3A_59, %swap3A_60], %swap3A_63 {strides = array<i32>} : memref<128x128xf32, #tpu.memory_space<vmem>>, vector<1x16xf32>,
    }
    %scan3A_5 = arith.constant 128 : i32
    %mul3A = arith.constant 328 : i32
    %mul3A_6 = arith.muli %arg1, %mul3A : i32
    "tpu.region"() ({
      %run_scoped3A = tpu.sem_alloc : memref<!tpu.dma_semaphore, #tpu.memory_space<semaphore_mem>>
      %dma_start3A = arith.constant 0 : i32
      %dma_start3A_24 = tpu.memref_slice %arg11[%mul3A_6, %dma_start3A] : memref<5248x128xf32, #tpu.memory_space<vmem_shared>> -> memref<128x128xf32, #tpu.memory_space<vmem_shared>>
      %dma_start3A_25 = arith.constant 0 : i32
      %dma_start3A_26 = tpu.memref_slice %arg11[%mul3A_6, %dma_start3A_25] : memref<5248x128xf32, #tpu.memory_space<vmem_shared>> -> memref<128x128xf32, #tpu.memory_space<vmem_shared>>
      tpu.enqueue_dma source(%arg7 : memref<128x128xf32, #tpu.memory_space<vmem>>) target(%dma_start3A_26 : memref<128x128xf32, #tpu.memory_space<vmem_shared>>) target_semaphore(%run_scoped3A : memref<!tpu.dma_semaphore, #tpu.memory_space<semaphore_mem>>)
      %dma_wait3A = arith.constant 0 : i32
      %dma_wait3A_27 = tpu.memref_slice %arg11[%mul3A_6, %dma_wait3A] : memref<5248x128xf32, #tpu.memory_space<vmem_shared>> -> memref<128x128xf32, #tpu.memory_space<vmem_shared>>
      %dma_wait3A_28 = arith.constant 0 : i32
      %dma_wait3A_29 = tpu.memref_slice %arg11[%mul3A_6, %dma_wait3A_28] : memref<5248x128xf32, #tpu.memory_space<vmem_shared>> -> memref<128x128xf32, #tpu.memory_space<vmem_shared>>
      tpu.wait_dma2 semaphore(%run_scoped3A : memref<!tpu.dma_semaphore, #tpu.memory_space<semaphore_mem>>) src(%arg7 : memref<128x128xf32, #tpu.memory_space<vmem>>) dst(%dma_wait3A_29 : memref<128x128xf32, #tpu.memory_space<vmem_shared>>)
      tpu.yield
    }) : () -> ()
    %add3A = arith.constant 128 : i32
    %add3A_7 = arith.addi %mul3A_6, %add3A : i32
    "tpu.region"() ({
      %run_scoped3A = tpu.sem_alloc : memref<!tpu.dma_semaphore, #tpu.memory_space<semaphore_mem>>
      %dma_start3A = arith.constant 0 : i32
      %dma_start3A_24 = tpu.memref_slice %arg11[%add3A_7, %dma_start3A] : memref<5248x128xf32, #tpu.memory_space<vmem_shared>> -> memref<128x128xf32, #tpu.memory_space<vmem_shared>>
      %dma_start3A_25 = arith.constant 0 : i32
      %dma_start3A_26 = tpu.memref_slice %arg11[%add3A_7, %dma_start3A_25] : memref<5248x128xf32, #tpu.memory_space<vmem_shared>> -> memref<128x128xf32, #tpu.memory_space<vmem_shared>>
      tpu.enqueue_dma source(%arg7 : memref<128x128xf32, #tpu.memory_space<vmem>>) target(%dma_start3A_26 : memref<128x128xf32, #tpu.memory_space<vmem_shared>>) target_semaphore(%run_scoped3A : memref<!tpu.dma_semaphore, #tpu.memory_space<semaphore_mem>>)
      %dma_wait3A = arith.constant 0 : i32
      %dma_wait3A_27 = tpu.memref_slice %arg11[%add3A_7, %dma_wait3A] : memref<5248x128xf32, #tpu.memory_space<vmem_shared>> -> memref<128x128xf32, #tpu.memory_space<vmem_shared>>
      %dma_wait3A_28 = arith.constant 0 : i32
      %dma_wait3A_29 = tpu.memref_slice %arg11[%add3A_7, %dma_wait3A_28] : memref<5248x128xf32, #tpu.memory_space<vmem_shared>> -> memref<128x128xf32, #tpu.memory_space<vmem_shared>>
      tpu.wait_dma2 semaphore(%run_scoped3A : memref<!tpu.dma_semaphore, #tpu.memory_space<semaphore_mem>>) src(%arg7 : memref<128x128xf32, #tpu.memory_space<vmem>>) dst(%dma_wait3A_29 : memref<128x128xf32, #tpu.memory_space<vmem_shared>>)
      tpu.yield
    }) : () -> ()
    %add3A_8 = arith.constant 256 : i32
    %add3A_9 = arith.addi %mul3A_6, %add3A_8 : i32
    "tpu.region"() ({
      %run_scoped3A = tpu.sem_alloc : memref<!tpu.dma_semaphore, #tpu.memory_space<semaphore_mem>>
      %dma_start3A = arith.constant 0 : i32
      %dma_start3A_24 = arith.constant 0 : i32
      %dma_start3A_25 = tpu.memref_slice %arg7[%dma_start3A, %dma_start3A_24] : memref<128x128xf32, #tpu.memory_space<vmem>> -> memref<72x128xf32, #tpu.memory_space<vmem>>
      %dma_start3A_26 = arith.constant 0 : i32
      %dma_start3A_27 = tpu.memref_slice %arg11[%add3A_9, %dma_start3A_26] : memref<5248x128xf32, #tpu.memory_space<vmem_shared>> -> memref<72x128xf32, #tpu.memory_space<vmem_shared>>
      %dma_start3A_28 = arith.constant 0 : i32
      %dma_start3A_29 = tpu.memref_slice %arg11[%add3A_9, %dma_start3A_28] : memref<5248x128xf32, #tpu.memory_space<vmem_shared>> -> memref<72x128xf32, #tpu.memory_space<vmem_shared>>
      %dma_start3A_30 = arith.constant 0 : i32
      %dma_start3A_31 = arith.constant 0 : i32
      %dma_start3A_32 = tpu.memref_slice %arg7[%dma_start3A_30, %dma_start3A_31] : memref<128x128xf32, #tpu.memory_space<vmem>> -> memref<72x128xf32, #tpu.memory_space<vmem>>
      tpu.enqueue_dma source(%dma_start3A_32 : memref<72x128xf32, #tpu.memory_space<vmem>>) target(%dma_start3A_29 : memref<72x128xf32, #tpu.memory_space<vmem_shared>>) target_semaphore(%run_scoped3A : memref<!tpu.dma_semaphore, #tpu.memory_space<semaphore_mem>>)
      %dma_wait3A = arith.constant 0 : i32
      %dma_wait3A_33 = arith.constant 0 : i32
      %dma_wait3A_34 = tpu.memref_slice %arg7[%dma_wait3A, %dma_wait3A_33] : memref<128x128xf32, #tpu.memory_space<vmem>> -> memref<72x128xf32, #tpu.memory_space<vmem>>
      %dma_wait3A_35 = arith.constant 0 : i32
      %dma_wait3A_36 = tpu.memref_slice %arg11[%add3A_9, %dma_wait3A_35] : memref<5248x128xf32, #tpu.memory_space<vmem_shared>> -> memref<72x128xf32, #tpu.memory_space<vmem_shared>>
      %dma_wait3A_37 = arith.constant 0 : i32
      %dma_wait3A_38 = tpu.memref_slice %arg11[%add3A_9, %dma_wait3A_37] : memref<5248x128xf32, #tpu.memory_space<vmem_shared>> -> memref<72x128xf32, #tpu.memory_space<vmem_shared>>
      %dma_wait3A_39 = arith.constant 0 : i32
      %dma_wait3A_40 = arith.constant 0 : i32
      %dma_wait3A_41 = tpu.memref_slice %arg7[%dma_wait3A_39, %dma_wait3A_40] : memref<128x128xf32, #tpu.memory_space<vmem>> -> memref<72x128xf32, #tpu.memory_space<vmem>>
      tpu.wait_dma2 semaphore(%run_scoped3A : memref<!tpu.dma_semaphore, #tpu.memory_space<semaphore_mem>>) src(%dma_wait3A_41 : memref<72x128xf32, #tpu.memory_space<vmem>>) dst(%dma_wait3A_38 : memref<72x128xf32, #tpu.memory_space<vmem_shared>>)
      tpu.yield
    }) : () -> ()
    %barrier3A = arith.constant 0 : index
    tpu.barrier barrier_id(%barrier3A)
    %mul3A_10 = arith.constant 5120 : i32
    %mul3A_11 = arith.muli %arg0, %mul3A_10 : i32
    %scan3A_12 = arith.constant 0 : i32
    %scan3A_13 = arith.constant 0 : i32
    %scan3A_14 = arith.constant 2 : i32
    %scan3A_15 = arith.addi %scan3A_13, %scan3A_14 : i32
    %scan3A_16 = arith.constant 1 : i32
    scf.for %scan3A_24 = %scan3A_13 to %scan3A_15 step %scan3A_16  : i32 {
      %mul3A_25 = arith.constant 160 : i32
      %mul3A_26 = arith.muli %arg1, %mul3A_25 : i32
      %add3A_27 = arith.addi %scan3A_24, %arg0 : i32
      %jit3A = arith.constant 2 : i32
      %eq3A = arith.constant 0 : i32
      %eq3A_28 = arith.cmpi eq, %jit3A, %eq3A : i32
      %jit3A_29 = arith.constant 1 : i32
      %select_n3A = arith.select %eq3A_28, %jit3A_29, %jit3A : i32
      %rem3A = arith.remsi %add3A_27, %select_n3A : i32
      %ne3A = arith.constant 0 : i32
      %ne3A_30 = arith.cmpi ne, %rem3A, %ne3A : i32
      %lt3A = arith.constant 0 : i32
      %lt3A_31 = arith.cmpi slt, %rem3A, %lt3A : i32
      %lt3A_32 = arith.constant 0 : i32
      %lt3A_33 = arith.cmpi slt, %select_n3A, %lt3A_32 : i32
      %ne3A_34 = arith.xori %lt3A_31, %lt3A_33 : i1
      %and3A = arith.andi %ne3A_34, %ne3A_30 : i1
      %add3A_35 = arith.addi %rem3A, %select_n3A : i32
      %select_n3A_36 = arith.select %and3A, %add3A_35, %rem3A : i32
      %mul3A_37 = arith.constant 80 : i32
      %mul3A_38 = arith.muli %select_n3A_36, %mul3A_37 : i32
      %add3A_39 = arith.addi %mul3A_26, %mul3A_38 : i32
      "tpu.region"() ({
        %run_scoped3A = tpu.sem_alloc : memref<!tpu.dma_semaphore, #tpu.memory_space<semaphore_mem>>
        %dma_start3A_74 = arith.constant 0 : i32
        %dma_start3A_75 = tpu.memref_slice %arg3[%add3A_39, %dma_start3A_74] : memref<5120x128xi32, #tpu.memory_space<hbm>> -> memref<80x128xi32, #tpu.memory_space<hbm>>
        %dma_start3A_76 = arith.constant 0 : i32
        %dma_start3A_77 = tpu.memref_slice %arg3[%add3A_39, %dma_start3A_76] : memref<5120x128xi32, #tpu.memory_space<hbm>> -> memref<80x128xi32, #tpu.memory_space<hbm>>
        tpu.enqueue_dma source(%dma_start3A_77 : memref<80x128xi32, #tpu.memory_space<hbm>>) target(%arg5 : memref<80x128xi32, #tpu.memory_space<vmem>>) target_semaphore(%run_scoped3A : memref<!tpu.dma_semaphore, #tpu.memory_space<semaphore_mem>>)
        %dma_wait3A = arith.constant 0 : i32
        %dma_wait3A_78 = tpu.memref_slice %arg3[%add3A_39, %dma_wait3A] : memref<5120x128xi32, #tpu.memory_space<hbm>> -> memref<80x128xi32, #tpu.memory_space<hbm>>
        %dma_wait3A_79 = arith.constant 0 : i32
        %dma_wait3A_80 = tpu.memref_slice %arg3[%add3A_39, %dma_wait3A_79] : memref<5120x128xi32, #tpu.memory_space<hbm>> -> memref<80x128xi32, #tpu.memory_space<hbm>>
        tpu.wait_dma2 semaphore(%run_scoped3A : memref<!tpu.dma_semaphore, #tpu.memory_space<semaphore_mem>>) src(%dma_wait3A_80 : memref<80x128xi32, #tpu.memory_space<hbm>>) dst(%arg5 : memref<80x128xi32, #tpu.memory_space<vmem>>)
        tpu.yield
      }) : () -> ()
      %add3A_40 = arith.constant 2560 : i32
      %add3A_41 = arith.addi %add3A_40, %add3A_39 : i32
      "tpu.region"() ({
        %run_scoped3A = tpu.sem_alloc : memref<!tpu.dma_semaphore, #tpu.memory_space<semaphore_mem>>
        %dma_start3A_74 = arith.constant 0 : i32
        %dma_start3A_75 = tpu.memref_slice %arg3[%add3A_41, %dma_start3A_74] : memref<5120x128xi32, #tpu.memory_space<hbm>> -> memref<80x128xi32, #tpu.memory_space<hbm>>
        %dma_start3A_76 = arith.constant 0 : i32
        %dma_start3A_77 = tpu.memref_slice %arg3[%add3A_41, %dma_start3A_76] : memref<5120x128xi32, #tpu.memory_space<hbm>> -> memref<80x128xi32, #tpu.memory_space<hbm>>
        tpu.enqueue_dma source(%dma_start3A_77 : memref<80x128xi32, #tpu.memory_space<hbm>>) target(%arg6 : memref<80x128xi32, #tpu.memory_space<vmem>>) target_semaphore(%run_scoped3A : memref<!tpu.dma_semaphore, #tpu.memory_space<semaphore_mem>>)
        %dma_wait3A = arith.constant 0 : i32
        %dma_wait3A_78 = tpu.memref_slice %arg3[%add3A_41, %dma_wait3A] : memref<5120x128xi32, #tpu.memory_space<hbm>> -> memref<80x128xi32, #tpu.memory_space<hbm>>
        %dma_wait3A_79 = arith.constant 0 : i32
        %dma_wait3A_80 = tpu.memref_slice %arg3[%add3A_41, %dma_wait3A_79] : memref<5120x128xi32, #tpu.memory_space<hbm>> -> memref<80x128xi32, #tpu.memory_space<hbm>>
        tpu.wait_dma2 semaphore(%run_scoped3A : memref<!tpu.dma_semaphore, #tpu.memory_space<semaphore_mem>>) src(%dma_wait3A_80 : memref<80x128xi32, #tpu.memory_space<hbm>>) dst(%arg6 : memref<80x128xi32, #tpu.memory_space<vmem>>)
        tpu.yield
      }) : () -> ()
      %scan3A_42 = arith.constant 0 : i32
      %scan3A_43 = arith.constant 0 : i32
      %scan3A_44 = arith.constant 80 : i32
      %scan3A_45 = arith.addi %scan3A_43, %scan3A_44 : i32
      %scan3A_46 = arith.constant 1 : i32
      scf.for %scan3A_74 = %scan3A_43 to %scan3A_45 step %scan3A_46  : i32 {
        %get3A = arith.index_cast %scan3A_74 : i32 to index
        %get3A_75 = arith.constant 0 : index
        %get3A_76 = tpu.vector_load %arg6[%get3A, %get3A_75] {strides = array<i32>} : memref<80x128xi32, #tpu.memory_space<vmem>>, vector<1x16xi32>,
        %get3A_77 = vector.shape_cast %get3A_76 : vector<1x16xi32> to vector<16xi32>
        %sub3A = vector.broadcast %mul3A_11 : i32 to vector<16xi32>
        %sub3A_78 = arith.subi %get3A_77, %sub3A : vector<16xi32>
        %ge3A = arith.constant 0 : i32
        %ge3A_79 = vector.broadcast %ge3A : i32 to vector<16xi32>
        %ge3A_80 = arith.cmpi sge, %sub3A_78, %ge3A_79 : vector<16xi32>
        %lt3A_81 = arith.constant 5120 : i32
        %lt3A_82 = vector.broadcast %lt3A_81 : i32 to vector<16xi32>
        %lt3A_83 = arith.cmpi slt, %sub3A_78, %lt3A_82 : vector<16xi32>
        %and3A_84 = arith.andi %ge3A_80, %lt3A_83 : vector<16xi1>
        %and3A_85 = arith.constant 127 : i32
        %and3A_86 = vector.broadcast %and3A_85 : i32 to vector<16xi32>
        %and3A_87 = arith.andi %get3A_77, %and3A_86 : vector<16xi32>
        %add3A_88 = arith.constant 5120 : i32
        %add3A_89 = vector.broadcast %add3A_88 : i32 to vector<16xi32>
        %add3A_90 = arith.addi %add3A_89, %and3A_87 : vector<16xi32>
        %select_n3A_91 = arith.select %and3A_84, %sub3A_78, %add3A_90 : vector<16xi1>, vector<16xi32>
        %swap3A = arith.index_cast %scan3A_74 : i32 to index
        %swap3A_92 = arith.constant 0 : index
        %swap3A_93 = tpu.vector_load %arg6[%swap3A, %swap3A_92] {strides = array<i32>} : memref<80x128xi32, #tpu.memory_space<vmem>>, vector<1x16xi32>,
        %swap3A_94 = vector.shape_cast %swap3A_93 : vector<1x16xi32> to vector<16xi32>
        %swap3A_95 = vector.shape_cast %select_n3A_91 : vector<16xi32> to vector<1x16xi32>
        tpu.vector_store %arg6[%swap3A, %swap3A_92], %swap3A_95 {strides = array<i32>} : memref<80x128xi32, #tpu.memory_space<vmem>>, vector<1x16xi32>,
        %get3A_96 = arith.index_cast %scan3A_74 : i32 to index
        %get3A_97 = arith.constant 16 : index
        %get3A_98 = tpu.vector_load %arg6[%get3A_96, %get3A_97] {strides = array<i32>} : memref<80x128xi32, #tpu.memory_space<vmem>>, vector<1x16xi32>,
        %get3A_99 = vector.shape_cast %get3A_98 : vector<1x16xi32> to vector<16xi32>
        %sub3A_100 = vector.broadcast %mul3A_11 : i32 to vector<16xi32>
        %sub3A_101 = arith.subi %get3A_99, %sub3A_100 : vector<16xi32>
        %ge3A_102 = arith.constant 0 : i32
        %ge3A_103 = vector.broadcast %ge3A_102 : i32 to vector<16xi32>
        %ge3A_104 = arith.cmpi sge, %sub3A_101, %ge3A_103 : vector<16xi32>
        %lt3A_105 = arith.constant 5120 : i32
        %lt3A_106 = vector.broadcast %lt3A_105 : i32 to vector<16xi32>
        %lt3A_107 = arith.cmpi slt, %sub3A_101, %lt3A_106 : vector<16xi32>
        %and3A_108 = arith.andi %ge3A_104, %lt3A_107 : vector<16xi1>
        %and3A_109 = arith.constant 127 : i32
        %and3A_110 = vector.broadcast %and3A_109 : i32 to vector<16xi32>
        %and3A_111 = arith.andi %get3A_99, %and3A_110 : vector<16xi32>
        %add3A_112 = arith.constant 5120 : i32
        %add3A_113 = vector.broadcast %add3A_112 : i32 to vector<16xi32>
        %add3A_114 = arith.addi %add3A_113, %and3A_111 : vector<16xi32>
        %select_n3A_115 = arith.select %and3A_108, %sub3A_101, %add3A_114 : vector<16xi1>, vector<16xi32>
        %swap3A_116 = arith.index_cast %scan3A_74 : i32 to index
        %swap3A_117 = arith.constant 16 : index
        %swap3A_118 = tpu.vector_load %arg6[%swap3A_116, %swap3A_117] {strides = array<i32>} : memref<80x128xi32, #tpu.memory_space<vmem>>, vector<1x16xi32>,
        %swap3A_119 = vector.shape_cast %swap3A_118 : vector<1x16xi32> to vector<16xi32>
        %swap3A_120 = vector.shape_cast %select_n3A_115 : vector<16xi32> to vector<1x16xi32>
        tpu.vector_store %arg6[%swap3A_116, %swap3A_117], %swap3A_120 {strides = array<i32>} : memref<80x128xi32, #tpu.memory_space<vmem>>, vector<1x16xi32>,
        %get3A_121 = arith.index_cast %scan3A_74 : i32 to index
        %get3A_122 = arith.constant 32 : index
        %get3A_123 = tpu.vector_load %arg6[%get3A_121, %get3A_122] {strides = array<i32>} : memref<80x128xi32, #tpu.memory_space<vmem>>, vector<1x16xi32>,
        %get3A_124 = vector.shape_cast %get3A_123 : vector<1x16xi32> to vector<16xi32>
        %sub3A_125 = vector.broadcast %mul3A_11 : i32 to vector<16xi32>
        %sub3A_126 = arith.subi %get3A_124, %sub3A_125 : vector<16xi32>
        %ge3A_127 = arith.constant 0 : i32
        %ge3A_128 = vector.broadcast %ge3A_127 : i32 to vector<16xi32>
        %ge3A_129 = arith.cmpi sge, %sub3A_126, %ge3A_128 : vector<16xi32>
        %lt3A_130 = arith.constant 5120 : i32
        %lt3A_131 = vector.broadcast %lt3A_130 : i32 to vector<16xi32>
        %lt3A_132 = arith.cmpi slt, %sub3A_126, %lt3A_131 : vector<16xi32>
        %and3A_133 = arith.andi %ge3A_129, %lt3A_132 : vector<16xi1>
        %and3A_134 = arith.constant 127 : i32
        %and3A_135 = vector.broadcast %and3A_134 : i32 to vector<16xi32>
        %and3A_136 = arith.andi %get3A_124, %and3A_135 : vector<16xi32>
        %add3A_137 = arith.constant 5120 : i32
        %add3A_138 = vector.broadcast %add3A_137 : i32 to vector<16xi32>
        %add3A_139 = arith.addi %add3A_138, %and3A_136 : vector<16xi32>
        %select_n3A_140 = arith.select %and3A_133, %sub3A_126, %add3A_139 : vector<16xi1>, vector<16xi32>
        %swap3A_141 = arith.index_cast %scan3A_74 : i32 to index
        %swap3A_142 = arith.constant 32 : index
        %swap3A_143 = tpu.vector_load %arg6[%swap3A_141, %swap3A_142] {strides = array<i32>} : memref<80x128xi32, #tpu.memory_space<vmem>>, vector<1x16xi32>,
        %swap3A_144 = vector.shape_cast %swap3A_143 : vector<1x16xi32> to vector<16xi32>
        %swap3A_145 = vector.shape_cast %select_n3A_140 : vector<16xi32> to vector<1x16xi32>
        tpu.vector_store %arg6[%swap3A_141, %swap3A_142], %swap3A_145 {strides = array<i32>} : memref<80x128xi32, #tpu.memory_space<vmem>>, vector<1x16xi32>,
        %get3A_146 = arith.index_cast %scan3A_74 : i32 to index
        %get3A_147 = arith.constant 48 : index
        %get3A_148 = tpu.vector_load %arg6[%get3A_146, %get3A_147] {strides = array<i32>} : memref<80x128xi32, #tpu.memory_space<vmem>>, vector<1x16xi32>,
        %get3A_149 = vector.shape_cast %get3A_148 : vector<1x16xi32> to vector<16xi32>
        %sub3A_150 = vector.broadcast %mul3A_11 : i32 to vector<16xi32>
        %sub3A_151 = arith.subi %get3A_149, %sub3A_150 : vector<16xi32>
        %ge3A_152 = arith.constant 0 : i32
        %ge3A_153 = vector.broadcast %ge3A_152 : i32 to vector<16xi32>
        %ge3A_154 = arith.cmpi sge, %sub3A_151, %ge3A_153 : vector<16xi32>
        %lt3A_155 = arith.constant 5120 : i32
        %lt3A_156 = vector.broadcast %lt3A_155 : i32 to vector<16xi32>
        %lt3A_157 = arith.cmpi slt, %sub3A_151, %lt3A_156 : vector<16xi32>
        %and3A_158 = arith.andi %ge3A_154, %lt3A_157 : vector<16xi1>
        %and3A_159 = arith.constant 127 : i32
        %and3A_160 = vector.broadcast %and3A_159 : i32 to vector<16xi32>
        %and3A_161 = arith.andi %get3A_149, %and3A_160 : vector<16xi32>
        %add3A_162 = arith.constant 5120 : i32
        %add3A_163 = vector.broadcast %add3A_162 : i32 to vector<16xi32>
        %add3A_164 = arith.addi %add3A_163, %and3A_161 : vector<16xi32>
        %select_n3A_165 = arith.select %and3A_158, %sub3A_151, %add3A_164 : vector<16xi1>, vector<16xi32>
        %swap3A_166 = arith.index_cast %scan3A_74 : i32 to index
        %swap3A_167 = arith.constant 48 : index
        %swap3A_168 = tpu.vector_load %arg6[%swap3A_166, %swap3A_167] {strides = array<i32>} : memref<80x128xi32, #tpu.memory_space<vmem>>, vector<1x16xi32>,
        %swap3A_169 = vector.shape_cast %swap3A_168 : vector<1x16xi32> to vector<16xi32>
        %swap3A_170 = vector.shape_cast %select_n3A_165 : vector<16xi32> to vector<1x16xi32>
        tpu.vector_store %arg6[%swap3A_166, %swap3A_167], %swap3A_170 {strides = array<i32>} : memref<80x128xi32, #tpu.memory_space<vmem>>, vector<1x16xi32>,
        %get3A_171 = arith.index_cast %scan3A_74 : i32 to index
        %get3A_172 = arith.constant 64 : index
        %get3A_173 = tpu.vector_load %arg6[%get3A_171, %get3A_172] {strides = array<i32>} : memref<80x128xi32, #tpu.memory_space<vmem>>, vector<1x16xi32>,
        %get3A_174 = vector.shape_cast %get3A_173 : vector<1x16xi32> to vector<16xi32>
        %sub3A_175 = vector.broadcast %mul3A_11 : i32 to vector<16xi32>
        %sub3A_176 = arith.subi %get3A_174, %sub3A_175 : vector<16xi32>
        %ge3A_177 = arith.constant 0 : i32
        %ge3A_178 = vector.broadcast %ge3A_177 : i32 to vector<16xi32>
        %ge3A_179 = arith.cmpi sge, %sub3A_176, %ge3A_178 : vector<16xi32>
        %lt3A_180 = arith.constant 5120 : i32
        %lt3A_181 = vector.broadcast %lt3A_180 : i32 to vector<16xi32>
        %lt3A_182 = arith.cmpi slt, %sub3A_176, %lt3A_181 : vector<16xi32>
        %and3A_183 = arith.andi %ge3A_179, %lt3A_182 : vector<16xi1>
        %and3A_184 = arith.constant 127 : i32
        %and3A_185 = vector.broadcast %and3A_184 : i32 to vector<16xi32>
        %and3A_186 = arith.andi %get3A_174, %and3A_185 : vector<16xi32>
        %add3A_187 = arith.constant 5120 : i32
        %add3A_188 = vector.broadcast %add3A_187 : i32 to vector<16xi32>
        %add3A_189 = arith.addi %add3A_188, %and3A_186 : vector<16xi32>
        %select_n3A_190 = arith.select %and3A_183, %sub3A_176, %add3A_189 : vector<16xi1>, vector<16xi32>
        %swap3A_191 = arith.index_cast %scan3A_74 : i32 to index
        %swap3A_192 = arith.constant 64 : index
        %swap3A_193 = tpu.vector_load %arg6[%swap3A_191, %swap3A_192] {strides = array<i32>} : memref<80x128xi32, #tpu.memory_space<vmem>>, vector<1x16xi32>,
        %swap3A_194 = vector.shape_cast %swap3A_193 : vector<1x16xi32> to vector<16xi32>
        %swap3A_195 = vector.shape_cast %select_n3A_190 : vector<16xi32> to vector<1x16xi32>
        tpu.vector_store %arg6[%swap3A_191, %swap3A_192], %swap3A_195 {strides = array<i32>} : memref<80x128xi32, #tpu.memory_space<vmem>>, vector<1x16xi32>,
        %get3A_196 = arith.index_cast %scan3A_74 : i32 to index
        %get3A_197 = arith.constant 80 : index
        %get3A_198 = tpu.vector_load %arg6[%get3A_196, %get3A_197] {strides = array<i32>} : memref<80x128xi32, #tpu.memory_space<vmem>>, vector<1x16xi32>,
        %get3A_199 = vector.shape_cast %get3A_198 : vector<1x16xi32> to vector<16xi32>
        %sub3A_200 = vector.broadcast %mul3A_11 : i32 to vector<16xi32>
        %sub3A_201 = arith.subi %get3A_199, %sub3A_200 : vector<16xi32>
        %ge3A_202 = arith.constant 0 : i32
        %ge3A_203 = vector.broadcast %ge3A_202 : i32 to vector<16xi32>
        %ge3A_204 = arith.cmpi sge, %sub3A_201, %ge3A_203 : vector<16xi32>
        %lt3A_205 = arith.constant 5120 : i32
        %lt3A_206 = vector.broadcast %lt3A_205 : i32 to vector<16xi32>
        %lt3A_207 = arith.cmpi slt, %sub3A_201, %lt3A_206 : vector<16xi32>
        %and3A_208 = arith.andi %ge3A_204, %lt3A_207 : vector<16xi1>
        %and3A_209 = arith.constant 127 : i32
        %and3A_210 = vector.broadcast %and3A_209 : i32 to vector<16xi32>
        %and3A_211 = arith.andi %get3A_199, %and3A_210 : vector<16xi32>
        %add3A_212 = arith.constant 5120 : i32
        %add3A_213 = vector.broadcast %add3A_212 : i32 to vector<16xi32>
        %add3A_214 = arith.addi %add3A_213, %and3A_211 : vector<16xi32>
        %select_n3A_215 = arith.select %and3A_208, %sub3A_201, %add3A_214 : vector<16xi1>, vector<16xi32>
        %swap3A_216 = arith.index_cast %scan3A_74 : i32 to index
        %swap3A_217 = arith.constant 80 : index
        %swap3A_218 = tpu.vector_load %arg6[%swap3A_216, %swap3A_217] {strides = array<i32>} : memref<80x128xi32, #tpu.memory_space<vmem>>, vector<1x16xi32>,
        %swap3A_219 = vector.shape_cast %swap3A_218 : vector<1x16xi32> to vector<16xi32>
        %swap3A_220 = vector.shape_cast %select_n3A_215 : vector<16xi32> to vector<1x16xi32>
        tpu.vector_store %arg6[%swap3A_216, %swap3A_217], %swap3A_220 {strides = array<i32>} : memref<80x128xi32, #tpu.memory_space<vmem>>, vector<1x16xi32>,
        %get3A_221 = arith.index_cast %scan3A_74 : i32 to index
        %get3A_222 = arith.constant 96 : index
        %get3A_223 = tpu.vector_load %arg6[%get3A_221, %get3A_222] {strides = array<i32>} : memref<80x128xi32, #tpu.memory_space<vmem>>, vector<1x16xi32>,
        %get3A_224 = vector.shape_cast %get3A_223 : vector<1x16xi32> to vector<16xi32>
        %sub3A_225 = vector.broadcast %mul3A_11 : i32 to vector<16xi32>
        %sub3A_226 = arith.subi %get3A_224, %sub3A_225 : vector<16xi32>
        %ge3A_227 = arith.constant 0 : i32
        %ge3A_228 = vector.broadcast %ge3A_227 : i32 to vector<16xi32>
        %ge3A_229 = arith.cmpi sge, %sub3A_226, %ge3A_228 : vector<16xi32>
        %lt3A_230 = arith.constant 5120 : i32
        %lt3A_231 = vector.broadcast %lt3A_230 : i32 to vector<16xi32>
        %lt3A_232 = arith.cmpi slt, %sub3A_226, %lt3A_231 : vector<16xi32>
        %and3A_233 = arith.andi %ge3A_229, %lt3A_232 : vector<16xi1>
        %and3A_234 = arith.constant 127 : i32
        %and3A_235 = vector.broadcast %and3A_234 : i32 to vector<16xi32>
        %and3A_236 = arith.andi %get3A_224, %and3A_235 : vector<16xi32>
        %add3A_237 = arith.constant 5120 : i32
        %add3A_238 = vector.broadcast %add3A_237 : i32 to vector<16xi32>
        %add3A_239 = arith.addi %add3A_238, %and3A_236 : vector<16xi32>
        %select_n3A_240 = arith.select %and3A_233, %sub3A_226, %add3A_239 : vector<16xi1>, vector<16xi32>
        %swap3A_241 = arith.index_cast %scan3A_74 : i32 to index
        %swap3A_242 = arith.constant 96 : index
        %swap3A_243 = tpu.vector_load %arg6[%swap3A_241, %swap3A_242] {strides = array<i32>} : memref<80x128xi32, #tpu.memory_space<vmem>>, vector<1x16xi32>,
        %swap3A_244 = vector.shape_cast %swap3A_243 : vector<1x16xi32> to vector<16xi32>
        %swap3A_245 = vector.shape_cast %select_n3A_240 : vector<16xi32> to vector<1x16xi32>
        tpu.vector_store %arg6[%swap3A_241, %swap3A_242], %swap3A_245 {strides = array<i32>} : memref<80x128xi32, #tpu.memory_space<vmem>>, vector<1x16xi32>,
        %get3A_246 = arith.index_cast %scan3A_74 : i32 to index
        %get3A_247 = arith.constant 112 : index
        %get3A_248 = tpu.vector_load %arg6[%get3A_246, %get3A_247] {strides = array<i32>} : memref<80x128xi32, #tpu.memory_space<vmem>>, vector<1x16xi32>,
        %get3A_249 = vector.shape_cast %get3A_248 : vector<1x16xi32> to vector<16xi32>
        %sub3A_250 = vector.broadcast %mul3A_11 : i32 to vector<16xi32>
        %sub3A_251 = arith.subi %get3A_249, %sub3A_250 : vector<16xi32>
        %ge3A_252 = arith.constant 0 : i32
        %ge3A_253 = vector.broadcast %ge3A_252 : i32 to vector<16xi32>
        %ge3A_254 = arith.cmpi sge, %sub3A_251, %ge3A_253 : vector<16xi32>
        %lt3A_255 = arith.constant 5120 : i32
        %lt3A_256 = vector.broadcast %lt3A_255 : i32 to vector<16xi32>
        %lt3A_257 = arith.cmpi slt, %sub3A_251, %lt3A_256 : vector<16xi32>
        %and3A_258 = arith.andi %ge3A_254, %lt3A_257 : vector<16xi1>
        %and3A_259 = arith.constant 127 : i32
        %and3A_260 = vector.broadcast %and3A_259 : i32 to vector<16xi32>
        %and3A_261 = arith.andi %get3A_249, %and3A_260 : vector<16xi32>
        %add3A_262 = arith.constant 5120 : i32
        %add3A_263 = vector.broadcast %add3A_262 : i32 to vector<16xi32>
        %add3A_264 = arith.addi %add3A_263, %and3A_261 : vector<16xi32>
        %select_n3A_265 = arith.select %and3A_258, %sub3A_251, %add3A_264 : vector<16xi1>, vector<16xi32>
        %swap3A_266 = arith.index_cast %scan3A_74 : i32 to index
        %swap3A_267 = arith.constant 112 : index
        %swap3A_268 = tpu.vector_load %arg6[%swap3A_266, %swap3A_267] {strides = array<i32>} : memref<80x128xi32, #tpu.memory_space<vmem>>, vector<1x16xi32>,
        %swap3A_269 = vector.shape_cast %swap3A_268 : vector<1x16xi32> to vector<16xi32>
        %swap3A_270 = vector.shape_cast %select_n3A_265 : vector<16xi32> to vector<1x16xi32>
        tpu.vector_store %arg6[%swap3A_266, %swap3A_267], %swap3A_270 {strides = array<i32>} : memref<80x128xi32, #tpu.memory_space<vmem>>, vector<1x16xi32>,
      }
      %scan3A_47 = arith.constant 80 : i32
      %dma_start3A = arith.constant 0 : i32
      %dma_start3A_48 = arith.constant 0 : i32
      %dma_start3A_49 = tpu.memref_slice %arg5[%dma_start3A, %dma_start3A_48] : memref<80x128xi32, #tpu.memory_space<vmem>> -> memref<1x128xi32, #tpu.memory_space<vmem>>
      %dma_start3A_50 = tpu.memref_squeeze %dma_start3A_49 : memref<1x128xi32, #tpu.memory_space<vmem>> -> memref<128xi32, #tpu.memory_space<vmem>>
      %dma_start3A_51 = arith.constant 0 : i32
      %dma_start3A_52 = arith.constant 0 : i32
      %dma_start3A_53 = tpu.memref_slice %arg2[%dma_start3A_51, %dma_start3A_52] : memref<10240x128xf32, #tpu.memory_space<hbm>> -> memref<10240x128xf32, #tpu.memory_space<hbm>>
      tpu.enqueue_indirect_dma source(%dma_start3A_53 : memref<10240x128xf32, #tpu.memory_space<hbm>>) target(%arg7 : memref<128x128xf32, #tpu.memory_space<vmem>>) offsets(%dma_start3A_50 : memref<128xi32, #tpu.memory_space<vmem>>) semaphore(%arg12 : memref<!tpu.dma_semaphore, #tpu.memory_space<semaphore_mem>>)
      %dma_start3A_54 = arith.constant 1 : i32
      %dma_start3A_55 = arith.constant 0 : i32
      %dma_start3A_56 = tpu.memref_slice %arg5[%dma_start3A_54, %dma_start3A_55] : memref<80x128xi32, #tpu.memory_space<vmem>> -> memref<1x128xi32, #tpu.memory_space<vmem>>
      %dma_start3A_57 = tpu.memref_squeeze %dma_start3A_56 : memref<1x128xi32, #tpu.memory_space<vmem>> -> memref<128xi32, #tpu.memory_space<vmem>>
      %dma_start3A_58 = arith.constant 0 : i32
      %dma_start3A_59 = arith.constant 0 : i32
      %dma_start3A_60 = tpu.memref_slice %arg2[%dma_start3A_58, %dma_start3A_59] : memref<10240x128xf32, #tpu.memory_space<hbm>> -> memref<10240x128xf32, #tpu.memory_space<hbm>>
      tpu.enqueue_indirect_dma source(%dma_start3A_60 : memref<10240x128xf32, #tpu.memory_space<hbm>>) target(%arg8 : memref<128x128xf32, #tpu.memory_space<vmem>>) offsets(%dma_start3A_57 : memref<128xi32, #tpu.memory_space<vmem>>) semaphore(%arg13 : memref<!tpu.dma_semaphore, #tpu.memory_space<semaphore_mem>>)
      %dma_start3A_61 = arith.constant 2 : i32
      %dma_start3A_62 = arith.constant 0 : i32
      %dma_start3A_63 = tpu.memref_slice %arg5[%dma_start3A_61, %dma_start3A_62] : memref<80x128xi32, #tpu.memory_space<vmem>> -> memref<1x128xi32, #tpu.memory_space<vmem>>
      %dma_start3A_64 = tpu.memref_squeeze %dma_start3A_63 : memref<1x128xi32, #tpu.memory_space<vmem>> -> memref<128xi32, #tpu.memory_space<vmem>>
      %dma_start3A_65 = arith.constant 0 : i32
      %dma_start3A_66 = arith.constant 0 : i32
      %dma_start3A_67 = tpu.memref_slice %arg2[%dma_start3A_65, %dma_start3A_66] : memref<10240x128xf32, #tpu.memory_space<hbm>> -> memref<10240x128xf32, #tpu.memory_space<hbm>>
      tpu.enqueue_indirect_dma source(%dma_start3A_67 : memref<10240x128xf32, #tpu.memory_space<hbm>>) target(%arg9 : memref<128x128xf32, #tpu.memory_space<vmem>>) offsets(%dma_start3A_64 : memref<128xi32, #tpu.memory_space<vmem>>) semaphore(%arg14 : memref<!tpu.dma_semaphore, #tpu.memory_space<semaphore_mem>>)
      %scan3A_68 = arith.constant 0 : i32
      %scan3A_69 = arith.constant 0 : i32
      %scan3A_70 = arith.constant 20 : i32
      %scan3A_71 = arith.addi %scan3A_69, %scan3A_70 : i32
      %scan3A_72 = arith.constant 1 : i32
      scf.for %scan3A_74 = %scan3A_69 to %scan3A_71 step %scan3A_72  : i32 {
        %mul3A_75 = arith.constant 4 : i32
        %mul3A_76 = arith.muli %scan3A_74, %mul3A_75 : i32
        %add3A_77 = arith.constant 0 : i32
        %add3A_78 = arith.addi %mul3A_76, %add3A_77 : i32
        %add3A_79 = arith.constant 4 : i32
        %add3A_80 = arith.addi %add3A_78, %add3A_79 : i32
        %sub3A = arith.constant 1 : i32
        %sub3A_81 = arith.subi %add3A_80, %sub3A : i32
        %lt3A_82 = arith.constant 80 : i32
        %lt3A_83 = arith.cmpi slt, %sub3A_81, %lt3A_82 : i32
        %convert_element_type3A = arith.extui %lt3A_83 : i1 to i32
        %cond3A = arith.constant 0 : i32
        %cond3A_84 = arith.cmpi ne, %convert_element_type3A, %cond3A : i32
        scf.if %cond3A_84 {
          %dma_start3A_147 = arith.constant 0 : i32
          %dma_start3A_148 = tpu.memref_slice %arg5[%sub3A_81, %dma_start3A_147] : memref<80x128xi32, #tpu.memory_space<vmem>> -> memref<1x128xi32, #tpu.memory_space<vmem>>
          %dma_start3A_149 = tpu.memref_squeeze %dma_start3A_148 : memref<1x128xi32, #tpu.memory_space<vmem>> -> memref<128xi32, #tpu.memory_space<vmem>>
          %dma_start3A_150 = arith.constant 0 : i32
          %dma_start3A_151 = arith.constant 0 : i32
          %dma_start3A_152 = tpu.memref_slice %arg2[%dma_start3A_150, %dma_start3A_151] : memref<10240x128xf32, #tpu.memory_space<hbm>> -> memref<10240x128xf32, #tpu.memory_space<hbm>>
          tpu.enqueue_indirect_dma source(%dma_start3A_152 : memref<10240x128xf32, #tpu.memory_space<hbm>>) target(%arg10 : memref<128x128xf32, #tpu.memory_space<vmem>>) offsets(%dma_start3A_149 : memref<128xi32, #tpu.memory_space<vmem>>) semaphore(%arg15 : memref<!tpu.dma_semaphore, #tpu.memory_space<semaphore_mem>>)
        } else {
        }
        %dma_wait3A = arith.constant 0 : i32
        %dma_wait3A_85 = tpu.memref_slice %arg5[%add3A_78, %dma_wait3A] : memref<80x128xi32, #tpu.memory_space<vmem>> -> memref<1x128xi32, #tpu.memory_space<vmem>>
        %dma_wait3A_86 = tpu.memref_squeeze %dma_wait3A_85 : memref<1x128xi32, #tpu.memory_space<vmem>> -> memref<128xi32, #tpu.memory_space<vmem>>
        %dma_wait3A_87 = arith.constant 0 : i32
        %dma_wait3A_88 = arith.constant 0 : i32
        %dma_wait3A_89 = tpu.memref_slice %arg2[%dma_wait3A_87, %dma_wait3A_88] : memref<10240x128xf32, #tpu.memory_space<hbm>> -> memref<10240x128xf32, #tpu.memory_space<hbm>>
        tpu.wait_indirect_dma semaphore(%arg12 : memref<!tpu.dma_semaphore, #tpu.memory_space<semaphore_mem>>) src(%dma_wait3A_89 : memref<10240x128xf32, #tpu.memory_space<hbm>>) dst(%arg7 : memref<128x128xf32, #tpu.memory_space<vmem>>)
        "tpu.region"() ({
          %run_scoped3A = tpu.sem_alloc : memref<!tpu.dma_semaphore, #tpu.memory_space<semaphore_mem>>
          %dma_start3A_147 = arith.constant 0 : i32
          %dma_start3A_148 = tpu.memref_slice %arg6[%add3A_78, %dma_start3A_147] : memref<80x128xi32, #tpu.memory_space<vmem>> -> memref<1x128xi32, #tpu.memory_space<vmem>>
          %dma_start3A_149 = tpu.memref_squeeze %dma_start3A_148 : memref<1x128xi32, #tpu.memory_space<vmem>> -> memref<128xi32, #tpu.memory_space<vmem>>
          %dma_start3A_150 = arith.constant 0 : i32
          %dma_start3A_151 = arith.constant 0 : i32
          %dma_start3A_152 = tpu.memref_slice %arg11[%dma_start3A_150, %dma_start3A_151] : memref<5248x128xf32, #tpu.memory_space<vmem_shared>> -> memref<5248x128xf32, #tpu.memory_space<vmem_shared>>
          tpu.enqueue_indirect_dma source(%arg7 : memref<128x128xf32, #tpu.memory_space<vmem>>) target(%dma_start3A_152 : memref<5248x128xf32, #tpu.memory_space<vmem_shared>>) offsets(%dma_start3A_149 : memref<128xi32, #tpu.memory_space<vmem>>) semaphore(%run_scoped3A : memref<!tpu.dma_semaphore, #tpu.memory_space<semaphore_mem>>) {add = true}
          %dma_wait3A_153 = arith.constant 0 : i32
          %dma_wait3A_154 = tpu.memref_slice %arg6[%add3A_78, %dma_wait3A_153] : memref<80x128xi32, #tpu.memory_space<vmem>> -> memref<1x128xi32, #tpu.memory_space<vmem>>
          %dma_wait3A_155 = tpu.memref_squeeze %dma_wait3A_154 : memref<1x128xi32, #tpu.memory_space<vmem>> -> memref<128xi32, #tpu.memory_space<vmem>>
          %dma_wait3A_156 = arith.constant 0 : i32
          %dma_wait3A_157 = arith.constant 0 : i32
          %dma_wait3A_158 = tpu.memref_slice %arg11[%dma_wait3A_156, %dma_wait3A_157] : memref<5248x128xf32, #tpu.memory_space<vmem_shared>> -> memref<5248x128xf32, #tpu.memory_space<vmem_shared>>
          tpu.wait_indirect_dma semaphore(%run_scoped3A : memref<!tpu.dma_semaphore, #tpu.memory_space<semaphore_mem>>) src(%arg7 : memref<128x128xf32, #tpu.memory_space<vmem>>) dst(%dma_wait3A_158 : memref<5248x128xf32, #tpu.memory_space<vmem_shared>>)
          tpu.yield
        }) : () -> ()
        %mul3A_90 = arith.constant 4 : i32
        %mul3A_91 = arith.muli %scan3A_74, %mul3A_90 : i32
        %add3A_92 = arith.constant 1 : i32
        %add3A_93 = arith.addi %mul3A_91, %add3A_92 : i32
        %add3A_94 = arith.constant 4 : i32
        %add3A_95 = arith.addi %add3A_93, %add3A_94 : i32
        %sub3A_96 = arith.constant 1 : i32
        %sub3A_97 = arith.subi %add3A_95, %sub3A_96 : i32
        %lt3A_98 = arith.constant 80 : i32
        %lt3A_99 = arith.cmpi slt, %sub3A_97, %lt3A_98 : i32
        %convert_element_type3A_100 = arith.extui %lt3A_99 : i1 to i32
        %cond3A_101 = arith.constant 0 : i32
        %cond3A_102 = arith.cmpi ne, %convert_element_type3A_100, %cond3A_101 : i32
        scf.if %cond3A_102 {
          %dma_start3A_147 = arith.constant 0 : i32
          %dma_start3A_148 = tpu.memref_slice %arg5[%sub3A_97, %dma_start3A_147] : memref<80x128xi32, #tpu.memory_space<vmem>> -> memref<1x128xi32, #tpu.memory_space<vmem>>
          %dma_start3A_149 = tpu.memref_squeeze %dma_start3A_148 : memref<1x128xi32, #tpu.memory_space<vmem>> -> memref<128xi32, #tpu.memory_space<vmem>>
          %dma_start3A_150 = arith.constant 0 : i32
          %dma_start3A_151 = arith.constant 0 : i32
          %dma_start3A_152 = tpu.memref_slice %arg2[%dma_start3A_150, %dma_start3A_151] : memref<10240x128xf32, #tpu.memory_space<hbm>> -> memref<10240x128xf32, #tpu.memory_space<hbm>>
          tpu.enqueue_indirect_dma source(%dma_start3A_152 : memref<10240x128xf32, #tpu.memory_space<hbm>>) target(%arg7 : memref<128x128xf32, #tpu.memory_space<vmem>>) offsets(%dma_start3A_149 : memref<128xi32, #tpu.memory_space<vmem>>) semaphore(%arg12 : memref<!tpu.dma_semaphore, #tpu.memory_space<semaphore_mem>>)
        } else {
        }
        %dma_wait3A_103 = arith.constant 0 : i32
        %dma_wait3A_104 = tpu.memref_slice %arg5[%add3A_93, %dma_wait3A_103] : memref<80x128xi32, #tpu.memory_space<vmem>> -> memref<1x128xi32, #tpu.memory_space<vmem>>
        %dma_wait3A_105 = tpu.memref_squeeze %dma_wait3A_104 : memref<1x128xi32, #tpu.memory_space<vmem>> -> memref<128xi32, #tpu.memory_space<vmem>>
        %dma_wait3A_106 = arith.constant 0 : i32
        %dma_wait3A_107 = arith.constant 0 : i32
        %dma_wait3A_108 = tpu.memref_slice %arg2[%dma_wait3A_106, %dma_wait3A_107] : memref<10240x128xf32, #tpu.memory_space<hbm>> -> memref<10240x128xf32, #tpu.memory_space<hbm>>
        tpu.wait_indirect_dma semaphore(%arg13 : memref<!tpu.dma_semaphore, #tpu.memory_space<semaphore_mem>>) src(%dma_wait3A_108 : memref<10240x128xf32, #tpu.memory_space<hbm>>) dst(%arg8 : memref<128x128xf32, #tpu.memory_space<vmem>>)
        "tpu.region"() ({
          %run_scoped3A = tpu.sem_alloc : memref<!tpu.dma_semaphore, #tpu.memory_space<semaphore_mem>>
          %dma_start3A_147 = arith.constant 0 : i32
          %dma_start3A_148 = tpu.memref_slice %arg6[%add3A_93, %dma_start3A_147] : memref<80x128xi32, #tpu.memory_space<vmem>> -> memref<1x128xi32, #tpu.memory_space<vmem>>
          %dma_start3A_149 = tpu.memref_squeeze %dma_start3A_148 : memref<1x128xi32, #tpu.memory_space<vmem>> -> memref<128xi32, #tpu.memory_space<vmem>>
          %dma_start3A_150 = arith.constant 0 : i32
          %dma_start3A_151 = arith.constant 0 : i32
          %dma_start3A_152 = tpu.memref_slice %arg11[%dma_start3A_150, %dma_start3A_151] : memref<5248x128xf32, #tpu.memory_space<vmem_shared>> -> memref<5248x128xf32, #tpu.memory_space<vmem_shared>>
          tpu.enqueue_indirect_dma source(%arg8 : memref<128x128xf32, #tpu.memory_space<vmem>>) target(%dma_start3A_152 : memref<5248x128xf32, #tpu.memory_space<vmem_shared>>) offsets(%dma_start3A_149 : memref<128xi32, #tpu.memory_space<vmem>>) semaphore(%run_scoped3A : memref<!tpu.dma_semaphore, #tpu.memory_space<semaphore_mem>>) {add = true}
          %dma_wait3A_153 = arith.constant 0 : i32
          %dma_wait3A_154 = tpu.memref_slice %arg6[%add3A_93, %dma_wait3A_153] : memref<80x128xi32, #tpu.memory_space<vmem>> -> memref<1x128xi32, #tpu.memory_space<vmem>>
          %dma_wait3A_155 = tpu.memref_squeeze %dma_wait3A_154 : memref<1x128xi32, #tpu.memory_space<vmem>> -> memref<128xi32, #tpu.memory_space<vmem>>
          %dma_wait3A_156 = arith.constant 0 : i32
          %dma_wait3A_157 = arith.constant 0 : i32
          %dma_wait3A_158 = tpu.memref_slice %arg11[%dma_wait3A_156, %dma_wait3A_157] : memref<5248x128xf32, #tpu.memory_space<vmem_shared>> -> memref<5248x128xf32, #tpu.memory_space<vmem_shared>>
          tpu.wait_indirect_dma semaphore(%run_scoped3A : memref<!tpu.dma_semaphore, #tpu.memory_space<semaphore_mem>>) src(%arg8 : memref<128x128xf32, #tpu.memory_space<vmem>>) dst(%dma_wait3A_158 : memref<5248x128xf32, #tpu.memory_space<vmem_shared>>)
          tpu.yield
        }) : () -> ()
        %mul3A_109 = arith.constant 4 : i32
        %mul3A_110 = arith.muli %scan3A_74, %mul3A_109 : i32
        %add3A_111 = arith.constant 2 : i32
        %add3A_112 = arith.addi %mul3A_110, %add3A_111 : i32
        %add3A_113 = arith.constant 4 : i32
        %add3A_114 = arith.addi %add3A_112, %add3A_113 : i32
        %sub3A_115 = arith.constant 1 : i32
        %sub3A_116 = arith.subi %add3A_114, %sub3A_115 : i32
        %lt3A_117 = arith.constant 80 : i32
        %lt3A_118 = arith.cmpi slt, %sub3A_116, %lt3A_117 : i32
        %convert_element_type3A_119 = arith.extui %lt3A_118 : i1 to i32
        %cond3A_120 = arith.constant 0 : i32
        %cond3A_121 = arith.cmpi ne, %convert_element_type3A_119, %cond3A_120 : i32
        scf.if %cond3A_121 {
          %dma_start3A_147 = arith.constant 0 : i32
          %dma_start3A_148 = tpu.memref_slice %arg5[%sub3A_116, %dma_start3A_147] : memref<80x128xi32, #tpu.memory_space<vmem>> -> memref<1x128xi32, #tpu.memory_space<vmem>>
          %dma_start3A_149 = tpu.memref_squeeze %dma_start3A_148 : memref<1x128xi32, #tpu.memory_space<vmem>> -> memref<128xi32, #tpu.memory_space<vmem>>
          %dma_start3A_150 = arith.constant 0 : i32
          %dma_start3A_151 = arith.constant 0 : i32
          %dma_start3A_152 = tpu.memref_slice %arg2[%dma_start3A_150, %dma_start3A_151] : memref<10240x128xf32, #tpu.memory_space<hbm>> -> memref<10240x128xf32, #tpu.memory_space<hbm>>
          tpu.enqueue_indirect_dma source(%dma_start3A_152 : memref<10240x128xf32, #tpu.memory_space<hbm>>) target(%arg8 : memref<128x128xf32, #tpu.memory_space<vmem>>) offsets(%dma_start3A_149 : memref<128xi32, #tpu.memory_space<vmem>>) semaphore(%arg13 : memref<!tpu.dma_semaphore, #tpu.memory_space<semaphore_mem>>)
        } else {
        }
        %dma_wait3A_122 = arith.constant 0 : i32
        %dma_wait3A_123 = tpu.memref_slice %arg5[%add3A_112, %dma_wait3A_122] : memref<80x128xi32, #tpu.memory_space<vmem>> -> memref<1x128xi32, #tpu.memory_space<vmem>>
        %dma_wait3A_124 = tpu.memref_squeeze %dma_wait3A_123 : memref<1x128xi32, #tpu.memory_space<vmem>> -> memref<128xi32, #tpu.memory_space<vmem>>
        %dma_wait3A_125 = arith.constant 0 : i32
        %dma_wait3A_126 = arith.constant 0 : i32
        %dma_wait3A_127 = tpu.memref_slice %arg2[%dma_wait3A_125, %dma_wait3A_126] : memref<10240x128xf32, #tpu.memory_space<hbm>> -> memref<10240x128xf32, #tpu.memory_space<hbm>>
        tpu.wait_indirect_dma semaphore(%arg14 : memref<!tpu.dma_semaphore, #tpu.memory_space<semaphore_mem>>) src(%dma_wait3A_127 : memref<10240x128xf32, #tpu.memory_space<hbm>>) dst(%arg9 : memref<128x128xf32, #tpu.memory_space<vmem>>)
        "tpu.region"() ({
          %run_scoped3A = tpu.sem_alloc : memref<!tpu.dma_semaphore, #tpu.memory_space<semaphore_mem>>
          %dma_start3A_147 = arith.constant 0 : i32
          %dma_start3A_148 = tpu.memref_slice %arg6[%add3A_112, %dma_start3A_147] : memref<80x128xi32, #tpu.memory_space<vmem>> -> memref<1x128xi32, #tpu.memory_space<vmem>>
          %dma_start3A_149 = tpu.memref_squeeze %dma_start3A_148 : memref<1x128xi32, #tpu.memory_space<vmem>> -> memref<128xi32, #tpu.memory_space<vmem>>
          %dma_start3A_150 = arith.constant 0 : i32
          %dma_start3A_151 = arith.constant 0 : i32
          %dma_start3A_152 = tpu.memref_slice %arg11[%dma_start3A_150, %dma_start3A_151] : memref<5248x128xf32, #tpu.memory_space<vmem_shared>> -> memref<5248x128xf32, #tpu.memory_space<vmem_shared>>
          tpu.enqueue_indirect_dma source(%arg9 : memref<128x128xf32, #tpu.memory_space<vmem>>) target(%dma_start3A_152 : memref<5248x128xf32, #tpu.memory_space<vmem_shared>>) offsets(%dma_start3A_149 : memref<128xi32, #tpu.memory_space<vmem>>) semaphore(%run_scoped3A : memref<!tpu.dma_semaphore, #tpu.memory_space<semaphore_mem>>) {add = true}
          %dma_wait3A_153 = arith.constant 0 : i32
          %dma_wait3A_154 = tpu.memref_slice %arg6[%add3A_112, %dma_wait3A_153] : memref<80x128xi32, #tpu.memory_space<vmem>> -> memref<1x128xi32, #tpu.memory_space<vmem>>
          %dma_wait3A_155 = tpu.memref_squeeze %dma_wait3A_154 : memref<1x128xi32, #tpu.memory_space<vmem>> -> memref<128xi32, #tpu.memory_space<vmem>>
          %dma_wait3A_156 = arith.constant 0 : i32
          %dma_wait3A_157 = arith.constant 0 : i32
          %dma_wait3A_158 = tpu.memref_slice %arg11[%dma_wait3A_156, %dma_wait3A_157] : memref<5248x128xf32, #tpu.memory_space<vmem_shared>> -> memref<5248x128xf32, #tpu.memory_space<vmem_shared>>
          tpu.wait_indirect_dma semaphore(%run_scoped3A : memref<!tpu.dma_semaphore, #tpu.memory_space<semaphore_mem>>) src(%arg9 : memref<128x128xf32, #tpu.memory_space<vmem>>) dst(%dma_wait3A_158 : memref<5248x128xf32, #tpu.memory_space<vmem_shared>>)
          tpu.yield
        }) : () -> ()
        %mul3A_128 = arith.constant 4 : i32
        %mul3A_129 = arith.muli %scan3A_74, %mul3A_128 : i32
        %add3A_130 = arith.constant 3 : i32
        %add3A_131 = arith.addi %mul3A_129, %add3A_130 : i32
        %add3A_132 = arith.constant 4 : i32
        %add3A_133 = arith.addi %add3A_131, %add3A_132 : i32
        %sub3A_134 = arith.constant 1 : i32
        %sub3A_135 = arith.subi %add3A_133, %sub3A_134 : i32
        %lt3A_136 = arith.constant 80 : i32
        %lt3A_137 = arith.cmpi slt, %sub3A_135, %lt3A_136 : i32
        %convert_element_type3A_138 = arith.extui %lt3A_137 : i1 to i32
        %cond3A_139 = arith.constant 0 : i32
        %cond3A_140 = arith.cmpi ne, %convert_element_type3A_138, %cond3A_139 : i32
        scf.if %cond3A_140 {
          %dma_start3A_147 = arith.constant 0 : i32
          %dma_start3A_148 = tpu.memref_slice %arg5[%sub3A_135, %dma_start3A_147] : memref<80x128xi32, #tpu.memory_space<vmem>> -> memref<1x128xi32, #tpu.memory_space<vmem>>
          %dma_start3A_149 = tpu.memref_squeeze %dma_start3A_148 : memref<1x128xi32, #tpu.memory_space<vmem>> -> memref<128xi32, #tpu.memory_space<vmem>>
          %dma_start3A_150 = arith.constant 0 : i32
          %dma_start3A_151 = arith.constant 0 : i32
          %dma_start3A_152 = tpu.memref_slice %arg2[%dma_start3A_150, %dma_start3A_151] : memref<10240x128xf32, #tpu.memory_space<hbm>> -> memref<10240x128xf32, #tpu.memory_space<hbm>>
          tpu.enqueue_indirect_dma source(%dma_start3A_152 : memref<10240x128xf32, #tpu.memory_space<hbm>>) target(%arg9 : memref<128x128xf32, #tpu.memory_space<vmem>>) offsets(%dma_start3A_149 : memref<128xi32, #tpu.memory_space<vmem>>) semaphore(%arg14 : memref<!tpu.dma_semaphore, #tpu.memory_space<semaphore_mem>>)
        } else {
        }
        %dma_wait3A_141 = arith.constant 0 : i32
        %dma_wait3A_142 = tpu.memref_slice %arg5[%add3A_131, %dma_wait3A_141] : memref<80x128xi32, #tpu.memory_space<vmem>> -> memref<1x128xi32, #tpu.memory_space<vmem>>
        %dma_wait3A_143 = tpu.memref_squeeze %dma_wait3A_142 : memref<1x128xi32, #tpu.memory_space<vmem>> -> memref<128xi32, #tpu.memory_space<vmem>>
        %dma_wait3A_144 = arith.constant 0 : i32
        %dma_wait3A_145 = arith.constant 0 : i32
        %dma_wait3A_146 = tpu.memref_slice %arg2[%dma_wait3A_144, %dma_wait3A_145] : memref<10240x128xf32, #tpu.memory_space<hbm>> -> memref<10240x128xf32, #tpu.memory_space<hbm>>
        tpu.wait_indirect_dma semaphore(%arg15 : memref<!tpu.dma_semaphore, #tpu.memory_space<semaphore_mem>>) src(%dma_wait3A_146 : memref<10240x128xf32, #tpu.memory_space<hbm>>) dst(%arg10 : memref<128x128xf32, #tpu.memory_space<vmem>>)
        "tpu.region"() ({
          %run_scoped3A = tpu.sem_alloc : memref<!tpu.dma_semaphore, #tpu.memory_space<semaphore_mem>>
          %dma_start3A_147 = arith.constant 0 : i32
          %dma_start3A_148 = tpu.memref_slice %arg6[%add3A_131, %dma_start3A_147] : memref<80x128xi32, #tpu.memory_space<vmem>> -> memref<1x128xi32, #tpu.memory_space<vmem>>
          %dma_start3A_149 = tpu.memref_squeeze %dma_start3A_148 : memref<1x128xi32, #tpu.memory_space<vmem>> -> memref<128xi32, #tpu.memory_space<vmem>>
          %dma_start3A_150 = arith.constant 0 : i32
          %dma_start3A_151 = arith.constant 0 : i32
          %dma_start3A_152 = tpu.memref_slice %arg11[%dma_start3A_150, %dma_start3A_151] : memref<5248x128xf32, #tpu.memory_space<vmem_shared>> -> memref<5248x128xf32, #tpu.memory_space<vmem_shared>>
          tpu.enqueue_indirect_dma source(%arg10 : memref<128x128xf32, #tpu.memory_space<vmem>>) target(%dma_start3A_152 : memref<5248x128xf32, #tpu.memory_space<vmem_shared>>) offsets(%dma_start3A_149 : memref<128xi32, #tpu.memory_space<vmem>>) semaphore(%run_scoped3A : memref<!tpu.dma_semaphore, #tpu.memory_space<semaphore_mem>>) {add = true}
          %dma_wait3A_153 = arith.constant 0 : i32
          %dma_wait3A_154 = tpu.memref_slice %arg6[%add3A_131, %dma_wait3A_153] : memref<80x128xi32, #tpu.memory_space<vmem>> -> memref<1x128xi32, #tpu.memory_space<vmem>>
          %dma_wait3A_155 = tpu.memref_squeeze %dma_wait3A_154 : memref<1x128xi32, #tpu.memory_space<vmem>> -> memref<128xi32, #tpu.memory_space<vmem>>
          %dma_wait3A_156 = arith.constant 0 : i32
          %dma_wait3A_157 = arith.constant 0 : i32
          %dma_wait3A_158 = tpu.memref_slice %arg11[%dma_wait3A_156, %dma_wait3A_157] : memref<5248x128xf32, #tpu.memory_space<vmem_shared>> -> memref<5248x128xf32, #tpu.memory_space<vmem_shared>>
          tpu.wait_indirect_dma semaphore(%run_scoped3A : memref<!tpu.dma_semaphore, #tpu.memory_space<semaphore_mem>>) src(%arg10 : memref<128x128xf32, #tpu.memory_space<vmem>>) dst(%dma_wait3A_158 : memref<5248x128xf32, #tpu.memory_space<vmem_shared>>)
          tpu.yield
        }) : () -> ()
      }
      %scan3A_73 = arith.constant 20 : i32
    }
    %scan3A_17 = arith.constant 2 : i32
    %barrier3A_18 = arith.constant 0 : index
    tpu.barrier barrier_id(%barrier3A_18)
    %mul3A_19 = arith.constant 320 : i32
    %mul3A_20 = arith.muli %arg1, %mul3A_19 : i32
    %mul3A_21 = arith.constant 320 : i32
    %mul3A_22 = arith.muli %arg1, %mul3A_21 : i32
    %add3A_23 = arith.addi %mul3A_11, %mul3A_22 : i32
    "tpu.region"() ({
      %run_scoped3A = tpu.sem_alloc : memref<!tpu.dma_semaphore, #tpu.memory_space<semaphore_mem>>
      %dma_start3A = arith.constant 0 : i32
      %dma_start3A_24 = tpu.memref_slice %arg4[%add3A_23, %dma_start3A] : memref<10240x128xf32, #tpu.memory_space<hbm>> -> memref<320x128xf32, #tpu.memory_space<hbm>>
      %dma_start3A_25 = arith.constant 0 : i32
      %dma_start3A_26 = tpu.memref_slice %arg11[%mul3A_20, %dma_start3A_25] : memref<5248x128xf32, #tpu.memory_space<vmem_shared>> -> memref<320x128xf32, #tpu.memory_space<vmem_shared>>
      tpu.enqueue_dma source(%dma_start3A_26 : memref<320x128xf32, #tpu.memory_space<vmem_shared>>) target(%dma_start3A_24 : memref<320x128xf32, #tpu.memory_space<hbm>>) target_semaphore(%run_scoped3A : memref<!tpu.dma_semaphore, #tpu.memory_space<semaphore_mem>>)
      %dma_wait3A = arith.constant 0 : i32
      %dma_wait3A_27 = tpu.memref_slice %arg4[%add3A_23, %dma_wait3A] : memref<10240x128xf32, #tpu.memory_space<hbm>> -> memref<320x128xf32, #tpu.memory_space<hbm>>
      %dma_wait3A_28 = arith.constant 0 : i32
      %dma_wait3A_29 = tpu.memref_slice %arg11[%mul3A_20, %dma_wait3A_28] : memref<5248x128xf32, #tpu.memory_space<vmem_shared>> -> memref<320x128xf32, #tpu.memory_space<vmem_shared>>
      tpu.wait_dma2 semaphore(%run_scoped3A : memref<!tpu.dma_semaphore, #tpu.memory_space<semaphore_mem>>) src(%dma_wait3A_29 : memref<320x128xf32, #tpu.memory_space<vmem_shared>>) dst(%dma_wait3A_27 : memref<320x128xf32, #tpu.memory_space<hbm>>)
      tpu.yield
    }) : () -> ()
    return
  }
}

#map = affine_map<(d0, d1) -> (0, 0)>
module attributes {stable_mosaic.version = 14 : i64} {
  func.func @_deg_body(%arg0: i32, %arg1: i32, %arg2: memref<5120x128xi32, #tpu.memory_space<hbm>>, %arg3: memref<10240x128xf32, #tpu.memory_space<hbm>>, %arg4: memref<160x128xi32, #tpu.memory_space<vmem>>, %arg5: memref<128x128xf32, #tpu.memory_space<vmem>>, %arg6: memref<5248x128xf32, #tpu.memory_space<vmem_shared>>, %arg7: memref<!tpu.dma_semaphore, #tpu.memory_space<semaphore_mem>>) attributes {dimension_semantics = [#tpu.dimension_semantics<core_parallel>, #tpu.dimension_semantics<subcore_parallel>], iteration_bounds = array<i64: 2, 16>, scalar_prefetch = 0 : i64, scratch_operands = 4 : i64, tpu.core_type = #tpu.core_type<sc_vector_subcore>, window_params = [{transform_indices = #map}, {transform_indices = #map}]} {
    %broadcast_in_dim3A = arith.constant 0.000000e+00 : f32
    %broadcast_in_dim3A_0 = vector.broadcast %broadcast_in_dim3A : f32 to vector<16xf32>
    %scan3A = arith.constant 0 : i32
    %scan3A_1 = arith.constant 0 : i32
    %scan3A_2 = arith.constant 128 : i32
    %scan3A_3 = arith.addi %scan3A_1, %scan3A_2 : i32
    %scan3A_4 = arith.constant 1 : i32
    scf.for %scan3A_42 = %scan3A_1 to %scan3A_3 step %scan3A_4  : i32 {
      %swap3A = arith.index_cast %scan3A_42 : i32 to index
      %swap3A_43 = arith.constant 0 : index
      %swap3A_44 = tpu.vector_load %arg5[%swap3A, %swap3A_43] {strides = array<i32>} : memref<128x128xf32, #tpu.memory_space<vmem>>, vector<1x16xf32>,
      %swap3A_45 = vector.shape_cast %swap3A_44 : vector<1x16xf32> to vector<16xf32>
      %swap3A_46 = vector.shape_cast %broadcast_in_dim3A_0 : vector<16xf32> to vector<1x16xf32>
      tpu.vector_store %arg5[%swap3A, %swap3A_43], %swap3A_46 {strides = array<i32>} : memref<128x128xf32, #tpu.memory_space<vmem>>, vector<1x16xf32>,
      %swap3A_47 = arith.index_cast %scan3A_42 : i32 to index
      %swap3A_48 = arith.constant 16 : index
      %swap3A_49 = tpu.vector_load %arg5[%swap3A_47, %swap3A_48] {strides = array<i32>} : memref<128x128xf32, #tpu.memory_space<vmem>>, vector<1x16xf32>,
      %swap3A_50 = vector.shape_cast %swap3A_49 : vector<1x16xf32> to vector<16xf32>
      %swap3A_51 = vector.shape_cast %broadcast_in_dim3A_0 : vector<16xf32> to vector<1x16xf32>
      tpu.vector_store %arg5[%swap3A_47, %swap3A_48], %swap3A_51 {strides = array<i32>} : memref<128x128xf32, #tpu.memory_space<vmem>>, vector<1x16xf32>,
      %swap3A_52 = arith.index_cast %scan3A_42 : i32 to index
      %swap3A_53 = arith.constant 32 : index
      %swap3A_54 = tpu.vector_load %arg5[%swap3A_52, %swap3A_53] {strides = array<i32>} : memref<128x128xf32, #tpu.memory_space<vmem>>, vector<1x16xf32>,
      %swap3A_55 = vector.shape_cast %swap3A_54 : vector<1x16xf32> to vector<16xf32>
      %swap3A_56 = vector.shape_cast %broadcast_in_dim3A_0 : vector<16xf32> to vector<1x16xf32>
      tpu.vector_store %arg5[%swap3A_52, %swap3A_53], %swap3A_56 {strides = array<i32>} : memref<128x128xf32, #tpu.memory_space<vmem>>, vector<1x16xf32>,
      %swap3A_57 = arith.index_cast %scan3A_42 : i32 to index
      %swap3A_58 = arith.constant 48 : index
      %swap3A_59 = tpu.vector_load %arg5[%swap3A_57, %swap3A_58] {strides = array<i32>} : memref<128x128xf32, #tpu.memory_space<vmem>>, vector<1x16xf32>,
      %swap3A_60 = vector.shape_cast %swap3A_59 : vector<1x16xf32> to vector<16xf32>
      %swap3A_61 = vector.shape_cast %broadcast_in_dim3A_0 : vector<16xf32> to vector<1x16xf32>
      tpu.vector_store %arg5[%swap3A_57, %swap3A_58], %swap3A_61 {strides = array<i32>} : memref<128x128xf32, #tpu.memory_space<vmem>>, vector<1x16xf32>,
      %swap3A_62 = arith.index_cast %scan3A_42 : i32 to index
      %swap3A_63 = arith.constant 64 : index
      %swap3A_64 = tpu.vector_load %arg5[%swap3A_62, %swap3A_63] {strides = array<i32>} : memref<128x128xf32, #tpu.memory_space<vmem>>, vector<1x16xf32>,
      %swap3A_65 = vector.shape_cast %swap3A_64 : vector<1x16xf32> to vector<16xf32>
      %swap3A_66 = vector.shape_cast %broadcast_in_dim3A_0 : vector<16xf32> to vector<1x16xf32>
      tpu.vector_store %arg5[%swap3A_62, %swap3A_63], %swap3A_66 {strides = array<i32>} : memref<128x128xf32, #tpu.memory_space<vmem>>, vector<1x16xf32>,
      %swap3A_67 = arith.index_cast %scan3A_42 : i32 to index
      %swap3A_68 = arith.constant 80 : index
      %swap3A_69 = tpu.vector_load %arg5[%swap3A_67, %swap3A_68] {strides = array<i32>} : memref<128x128xf32, #tpu.memory_space<vmem>>, vector<1x16xf32>,
      %swap3A_70 = vector.shape_cast %swap3A_69 : vector<1x16xf32> to vector<16xf32>
      %swap3A_71 = vector.shape_cast %broadcast_in_dim3A_0 : vector<16xf32> to vector<1x16xf32>
      tpu.vector_store %arg5[%swap3A_67, %swap3A_68], %swap3A_71 {strides = array<i32>} : memref<128x128xf32, #tpu.memory_space<vmem>>, vector<1x16xf32>,
      %swap3A_72 = arith.index_cast %scan3A_42 : i32 to index
      %swap3A_73 = arith.constant 96 : index
      %swap3A_74 = tpu.vector_load %arg5[%swap3A_72, %swap3A_73] {strides = array<i32>} : memref<128x128xf32, #tpu.memory_space<vmem>>, vector<1x16xf32>,
      %swap3A_75 = vector.shape_cast %swap3A_74 : vector<1x16xf32> to vector<16xf32>
      %swap3A_76 = vector.shape_cast %broadcast_in_dim3A_0 : vector<16xf32> to vector<1x16xf32>
      tpu.vector_store %arg5[%swap3A_72, %swap3A_73], %swap3A_76 {strides = array<i32>} : memref<128x128xf32, #tpu.memory_space<vmem>>, vector<1x16xf32>,
      %swap3A_77 = arith.index_cast %scan3A_42 : i32 to index
      %swap3A_78 = arith.constant 112 : index
      %swap3A_79 = tpu.vector_load %arg5[%swap3A_77, %swap3A_78] {strides = array<i32>} : memref<128x128xf32, #tpu.memory_space<vmem>>, vector<1x16xf32>,
      %swap3A_80 = vector.shape_cast %swap3A_79 : vector<1x16xf32> to vector<16xf32>
      %swap3A_81 = vector.shape_cast %broadcast_in_dim3A_0 : vector<16xf32> to vector<1x16xf32>
      tpu.vector_store %arg5[%swap3A_77, %swap3A_78], %swap3A_81 {strides = array<i32>} : memref<128x128xf32, #tpu.memory_space<vmem>>, vector<1x16xf32>,
    }
    %scan3A_5 = arith.constant 128 : i32
    %mul3A = arith.constant 328 : i32
    %mul3A_6 = arith.muli %arg1, %mul3A : i32
    "tpu.region"() ({
      %run_scoped3A = tpu.sem_alloc : memref<!tpu.dma_semaphore, #tpu.memory_space<semaphore_mem>>
      %dma_start3A = arith.constant 0 : i32
      %dma_start3A_42 = tpu.memref_slice %arg6[%mul3A_6, %dma_start3A] : memref<5248x128xf32, #tpu.memory_space<vmem_shared>> -> memref<128x128xf32, #tpu.memory_space<vmem_shared>>
      %dma_start3A_43 = arith.constant 0 : i32
      %dma_start3A_44 = tpu.memref_slice %arg6[%mul3A_6, %dma_start3A_43] : memref<5248x128xf32, #tpu.memory_space<vmem_shared>> -> memref<128x128xf32, #tpu.memory_space<vmem_shared>>
      tpu.enqueue_dma source(%arg5 : memref<128x128xf32, #tpu.memory_space<vmem>>) target(%dma_start3A_44 : memref<128x128xf32, #tpu.memory_space<vmem_shared>>) target_semaphore(%run_scoped3A : memref<!tpu.dma_semaphore, #tpu.memory_space<semaphore_mem>>)
      %dma_wait3A = arith.constant 0 : i32
      %dma_wait3A_45 = tpu.memref_slice %arg6[%mul3A_6, %dma_wait3A] : memref<5248x128xf32, #tpu.memory_space<vmem_shared>> -> memref<128x128xf32, #tpu.memory_space<vmem_shared>>
      %dma_wait3A_46 = arith.constant 0 : i32
      %dma_wait3A_47 = tpu.memref_slice %arg6[%mul3A_6, %dma_wait3A_46] : memref<5248x128xf32, #tpu.memory_space<vmem_shared>> -> memref<128x128xf32, #tpu.memory_space<vmem_shared>>
      tpu.wait_dma2 semaphore(%run_scoped3A : memref<!tpu.dma_semaphore, #tpu.memory_space<semaphore_mem>>) src(%arg5 : memref<128x128xf32, #tpu.memory_space<vmem>>) dst(%dma_wait3A_47 : memref<128x128xf32, #tpu.memory_space<vmem_shared>>)
      tpu.yield
    }) : () -> ()
    %add3A = arith.constant 128 : i32
    %add3A_7 = arith.addi %mul3A_6, %add3A : i32
    "tpu.region"() ({
      %run_scoped3A = tpu.sem_alloc : memref<!tpu.dma_semaphore, #tpu.memory_space<semaphore_mem>>
      %dma_start3A = arith.constant 0 : i32
      %dma_start3A_42 = tpu.memref_slice %arg6[%add3A_7, %dma_start3A] : memref<5248x128xf32, #tpu.memory_space<vmem_shared>> -> memref<128x128xf32, #tpu.memory_space<vmem_shared>>
      %dma_start3A_43 = arith.constant 0 : i32
      %dma_start3A_44 = tpu.memref_slice %arg6[%add3A_7, %dma_start3A_43] : memref<5248x128xf32, #tpu.memory_space<vmem_shared>> -> memref<128x128xf32, #tpu.memory_space<vmem_shared>>
      tpu.enqueue_dma source(%arg5 : memref<128x128xf32, #tpu.memory_space<vmem>>) target(%dma_start3A_44 : memref<128x128xf32, #tpu.memory_space<vmem_shared>>) target_semaphore(%run_scoped3A : memref<!tpu.dma_semaphore, #tpu.memory_space<semaphore_mem>>)
      %dma_wait3A = arith.constant 0 : i32
      %dma_wait3A_45 = tpu.memref_slice %arg6[%add3A_7, %dma_wait3A] : memref<5248x128xf32, #tpu.memory_space<vmem_shared>> -> memref<128x128xf32, #tpu.memory_space<vmem_shared>>
      %dma_wait3A_46 = arith.constant 0 : i32
      %dma_wait3A_47 = tpu.memref_slice %arg6[%add3A_7, %dma_wait3A_46] : memref<5248x128xf32, #tpu.memory_space<vmem_shared>> -> memref<128x128xf32, #tpu.memory_space<vmem_shared>>
      tpu.wait_dma2 semaphore(%run_scoped3A : memref<!tpu.dma_semaphore, #tpu.memory_space<semaphore_mem>>) src(%arg5 : memref<128x128xf32, #tpu.memory_space<vmem>>) dst(%dma_wait3A_47 : memref<128x128xf32, #tpu.memory_space<vmem_shared>>)
      tpu.yield
    }) : () -> ()
    %add3A_8 = arith.constant 256 : i32
    %add3A_9 = arith.addi %mul3A_6, %add3A_8 : i32
    "tpu.region"() ({
      %run_scoped3A = tpu.sem_alloc : memref<!tpu.dma_semaphore, #tpu.memory_space<semaphore_mem>>
      %dma_start3A = arith.constant 0 : i32
      %dma_start3A_42 = arith.constant 0 : i32
      %dma_start3A_43 = tpu.memref_slice %arg5[%dma_start3A, %dma_start3A_42] : memref<128x128xf32, #tpu.memory_space<vmem>> -> memref<72x128xf32, #tpu.memory_space<vmem>>
      %dma_start3A_44 = arith.constant 0 : i32
      %dma_start3A_45 = tpu.memref_slice %arg6[%add3A_9, %dma_start3A_44] : memref<5248x128xf32, #tpu.memory_space<vmem_shared>> -> memref<72x128xf32, #tpu.memory_space<vmem_shared>>
      %dma_start3A_46 = arith.constant 0 : i32
      %dma_start3A_47 = tpu.memref_slice %arg6[%add3A_9, %dma_start3A_46] : memref<5248x128xf32, #tpu.memory_space<vmem_shared>> -> memref<72x128xf32, #tpu.memory_space<vmem_shared>>
      %dma_start3A_48 = arith.constant 0 : i32
      %dma_start3A_49 = arith.constant 0 : i32
      %dma_start3A_50 = tpu.memref_slice %arg5[%dma_start3A_48, %dma_start3A_49] : memref<128x128xf32, #tpu.memory_space<vmem>> -> memref<72x128xf32, #tpu.memory_space<vmem>>
      tpu.enqueue_dma source(%dma_start3A_50 : memref<72x128xf32, #tpu.memory_space<vmem>>) target(%dma_start3A_47 : memref<72x128xf32, #tpu.memory_space<vmem_shared>>) target_semaphore(%run_scoped3A : memref<!tpu.dma_semaphore, #tpu.memory_space<semaphore_mem>>)
      %dma_wait3A = arith.constant 0 : i32
      %dma_wait3A_51 = arith.constant 0 : i32
      %dma_wait3A_52 = tpu.memref_slice %arg5[%dma_wait3A, %dma_wait3A_51] : memref<128x128xf32, #tpu.memory_space<vmem>> -> memref<72x128xf32, #tpu.memory_space<vmem>>
      %dma_wait3A_53 = arith.constant 0 : i32
      %dma_wait3A_54 = tpu.memref_slice %arg6[%add3A_9, %dma_wait3A_53] : memref<5248x128xf32, #tpu.memory_space<vmem_shared>> -> memref<72x128xf32, #tpu.memory_space<vmem_shared>>
      %dma_wait3A_55 = arith.constant 0 : i32
      %dma_wait3A_56 = tpu.memref_slice %arg6[%add3A_9, %dma_wait3A_55] : memref<5248x128xf32, #tpu.memory_space<vmem_shared>> -> memref<72x128xf32, #tpu.memory_space<vmem_shared>>
      %dma_wait3A_57 = arith.constant 0 : i32
      %dma_wait3A_58 = arith.constant 0 : i32
      %dma_wait3A_59 = tpu.memref_slice %arg5[%dma_wait3A_57, %dma_wait3A_58] : memref<128x128xf32, #tpu.memory_space<vmem>> -> memref<72x128xf32, #tpu.memory_space<vmem>>
      tpu.wait_dma2 semaphore(%run_scoped3A : memref<!tpu.dma_semaphore, #tpu.memory_space<semaphore_mem>>) src(%dma_wait3A_59 : memref<72x128xf32, #tpu.memory_space<vmem>>) dst(%dma_wait3A_56 : memref<72x128xf32, #tpu.memory_space<vmem_shared>>)
      tpu.yield
    }) : () -> ()
    %barrier3A = arith.constant 0 : index
    tpu.barrier barrier_id(%barrier3A)
    %broadcast_in_dim3A_10 = arith.constant 1.000000e+00 : f32
    %broadcast_in_dim3A_11 = vector.broadcast %broadcast_in_dim3A_10 : f32 to vector<16xf32>
    %scan3A_12 = arith.constant 0 : i32
    %scan3A_13 = arith.constant 0 : i32
    %scan3A_14 = arith.constant 128 : i32
    %scan3A_15 = arith.addi %scan3A_13, %scan3A_14 : i32
    %scan3A_16 = arith.constant 1 : i32
    scf.for %scan3A_42 = %scan3A_13 to %scan3A_15 step %scan3A_16  : i32 {
      %swap3A = arith.index_cast %scan3A_42 : i32 to index
      %swap3A_43 = arith.constant 0 : index
      %swap3A_44 = tpu.vector_load %arg5[%swap3A, %swap3A_43] {strides = array<i32>} : memref<128x128xf32, #tpu.memory_space<vmem>>, vector<1x16xf32>,
      %swap3A_45 = vector.shape_cast %swap3A_44 : vector<1x16xf32> to vector<16xf32>
      %swap3A_46 = vector.shape_cast %broadcast_in_dim3A_11 : vector<16xf32> to vector<1x16xf32>
      tpu.vector_store %arg5[%swap3A, %swap3A_43], %swap3A_46 {strides = array<i32>} : memref<128x128xf32, #tpu.memory_space<vmem>>, vector<1x16xf32>,
      %swap3A_47 = arith.index_cast %scan3A_42 : i32 to index
      %swap3A_48 = arith.constant 16 : index
      %swap3A_49 = tpu.vector_load %arg5[%swap3A_47, %swap3A_48] {strides = array<i32>} : memref<128x128xf32, #tpu.memory_space<vmem>>, vector<1x16xf32>,
      %swap3A_50 = vector.shape_cast %swap3A_49 : vector<1x16xf32> to vector<16xf32>
      %swap3A_51 = vector.shape_cast %broadcast_in_dim3A_11 : vector<16xf32> to vector<1x16xf32>
      tpu.vector_store %arg5[%swap3A_47, %swap3A_48], %swap3A_51 {strides = array<i32>} : memref<128x128xf32, #tpu.memory_space<vmem>>, vector<1x16xf32>,
      %swap3A_52 = arith.index_cast %scan3A_42 : i32 to index
      %swap3A_53 = arith.constant 32 : index
      %swap3A_54 = tpu.vector_load %arg5[%swap3A_52, %swap3A_53] {strides = array<i32>} : memref<128x128xf32, #tpu.memory_space<vmem>>, vector<1x16xf32>,
      %swap3A_55 = vector.shape_cast %swap3A_54 : vector<1x16xf32> to vector<16xf32>
      %swap3A_56 = vector.shape_cast %broadcast_in_dim3A_11 : vector<16xf32> to vector<1x16xf32>
      tpu.vector_store %arg5[%swap3A_52, %swap3A_53], %swap3A_56 {strides = array<i32>} : memref<128x128xf32, #tpu.memory_space<vmem>>, vector<1x16xf32>,
      %swap3A_57 = arith.index_cast %scan3A_42 : i32 to index
      %swap3A_58 = arith.constant 48 : index
      %swap3A_59 = tpu.vector_load %arg5[%swap3A_57, %swap3A_58] {strides = array<i32>} : memref<128x128xf32, #tpu.memory_space<vmem>>, vector<1x16xf32>,
      %swap3A_60 = vector.shape_cast %swap3A_59 : vector<1x16xf32> to vector<16xf32>
      %swap3A_61 = vector.shape_cast %broadcast_in_dim3A_11 : vector<16xf32> to vector<1x16xf32>
      tpu.vector_store %arg5[%swap3A_57, %swap3A_58], %swap3A_61 {strides = array<i32>} : memref<128x128xf32, #tpu.memory_space<vmem>>, vector<1x16xf32>,
      %swap3A_62 = arith.index_cast %scan3A_42 : i32 to index
      %swap3A_63 = arith.constant 64 : index
      %swap3A_64 = tpu.vector_load %arg5[%swap3A_62, %swap3A_63] {strides = array<i32>} : memref<128x128xf32, #tpu.memory_space<vmem>>, vector<1x16xf32>,
      %swap3A_65 = vector.shape_cast %swap3A_64 : vector<1x16xf32> to vector<16xf32>
      %swap3A_66 = vector.shape_cast %broadcast_in_dim3A_11 : vector<16xf32> to vector<1x16xf32>
      tpu.vector_store %arg5[%swap3A_62, %swap3A_63], %swap3A_66 {strides = array<i32>} : memref<128x128xf32, #tpu.memory_space<vmem>>, vector<1x16xf32>,
      %swap3A_67 = arith.index_cast %scan3A_42 : i32 to index
      %swap3A_68 = arith.constant 80 : index
      %swap3A_69 = tpu.vector_load %arg5[%swap3A_67, %swap3A_68] {strides = array<i32>} : memref<128x128xf32, #tpu.memory_space<vmem>>, vector<1x16xf32>,
      %swap3A_70 = vector.shape_cast %swap3A_69 : vector<1x16xf32> to vector<16xf32>
      %swap3A_71 = vector.shape_cast %broadcast_in_dim3A_11 : vector<16xf32> to vector<1x16xf32>
      tpu.vector_store %arg5[%swap3A_67, %swap3A_68], %swap3A_71 {strides = array<i32>} : memref<128x128xf32, #tpu.memory_space<vmem>>, vector<1x16xf32>,
      %swap3A_72 = arith.index_cast %scan3A_42 : i32 to index
      %swap3A_73 = arith.constant 96 : index
      %swap3A_74 = tpu.vector_load %arg5[%swap3A_72, %swap3A_73] {strides = array<i32>} : memref<128x128xf32, #tpu.memory_space<vmem>>, vector<1x16xf32>,
      %swap3A_75 = vector.shape_cast %swap3A_74 : vector<1x16xf32> to vector<16xf32>
      %swap3A_76 = vector.shape_cast %broadcast_in_dim3A_11 : vector<16xf32> to vector<1x16xf32>
      tpu.vector_store %arg5[%swap3A_72, %swap3A_73], %swap3A_76 {strides = array<i32>} : memref<128x128xf32, #tpu.memory_space<vmem>>, vector<1x16xf32>,
      %swap3A_77 = arith.index_cast %scan3A_42 : i32 to index
      %swap3A_78 = arith.constant 112 : index
      %swap3A_79 = tpu.vector_load %arg5[%swap3A_77, %swap3A_78] {strides = array<i32>} : memref<128x128xf32, #tpu.memory_space<vmem>>, vector<1x16xf32>,
      %swap3A_80 = vector.shape_cast %swap3A_79 : vector<1x16xf32> to vector<16xf32>
      %swap3A_81 = vector.shape_cast %broadcast_in_dim3A_11 : vector<16xf32> to vector<1x16xf32>
      tpu.vector_store %arg5[%swap3A_77, %swap3A_78], %swap3A_81 {strides = array<i32>} : memref<128x128xf32, #tpu.memory_space<vmem>>, vector<1x16xf32>,
    }
    %scan3A_17 = arith.constant 128 : i32
    %mul3A_18 = arith.constant 5120 : i32
    %mul3A_19 = arith.muli %arg0, %mul3A_18 : i32
    %mul3A_20 = arith.constant 160 : i32
    %mul3A_21 = arith.muli %arg1, %mul3A_20 : i32
    %add3A_22 = arith.constant 2560 : i32
    %add3A_23 = arith.addi %add3A_22, %mul3A_21 : i32
    "tpu.region"() ({
      %run_scoped3A = tpu.sem_alloc : memref<!tpu.dma_semaphore, #tpu.memory_space<semaphore_mem>>
      %dma_start3A = arith.constant 0 : i32
      %dma_start3A_42 = tpu.memref_slice %arg2[%add3A_23, %dma_start3A] : memref<5120x128xi32, #tpu.memory_space<hbm>> -> memref<160x128xi32, #tpu.memory_space<hbm>>
      %dma_start3A_43 = arith.constant 0 : i32
      %dma_start3A_44 = tpu.memref_slice %arg2[%add3A_23, %dma_start3A_43] : memref<5120x128xi32, #tpu.memory_space<hbm>> -> memref<160x128xi32, #tpu.memory_space<hbm>>
      tpu.enqueue_dma source(%dma_start3A_44 : memref<160x128xi32, #tpu.memory_space<hbm>>) target(%arg4 : memref<160x128xi32, #tpu.memory_space<vmem>>) target_semaphore(%run_scoped3A : memref<!tpu.dma_semaphore, #tpu.memory_space<semaphore_mem>>)
      %dma_wait3A = arith.constant 0 : i32
      %dma_wait3A_45 = tpu.memref_slice %arg2[%add3A_23, %dma_wait3A] : memref<5120x128xi32, #tpu.memory_space<hbm>> -> memref<160x128xi32, #tpu.memory_space<hbm>>
      %dma_wait3A_46 = arith.constant 0 : i32
      %dma_wait3A_47 = tpu.memref_slice %arg2[%add3A_23, %dma_wait3A_46] : memref<5120x128xi32, #tpu.memory_space<hbm>> -> memref<160x128xi32, #tpu.memory_space<hbm>>
      tpu.wait_dma2 semaphore(%run_scoped3A : memref<!tpu.dma_semaphore, #tpu.memory_space<semaphore_mem>>) src(%dma_wait3A_47 : memref<160x128xi32, #tpu.memory_space<hbm>>) dst(%arg4 : memref<160x128xi32, #tpu.memory_space<vmem>>)
      tpu.yield
    }) : () -> ()
    %scan3A_24 = arith.constant 0 : i32
    %scan3A_25 = arith.constant 0 : i32
    %scan3A_26 = arith.constant 160 : i32
    %scan3A_27 = arith.addi %scan3A_25, %scan3A_26 : i32
    %scan3A_28 = arith.constant 1 : i32
    scf.for %scan3A_42 = %scan3A_25 to %scan3A_27 step %scan3A_28  : i32 {
      %get3A = arith.index_cast %scan3A_42 : i32 to index
      %get3A_43 = arith.constant 0 : index
      %get3A_44 = tpu.vector_load %arg4[%get3A, %get3A_43] {strides = array<i32>} : memref<160x128xi32, #tpu.memory_space<vmem>>, vector<1x16xi32>,
      %get3A_45 = vector.shape_cast %get3A_44 : vector<1x16xi32> to vector<16xi32>
      %sub3A = vector.broadcast %mul3A_19 : i32 to vector<16xi32>
      %sub3A_46 = arith.subi %get3A_45, %sub3A : vector<16xi32>
      %ge3A = arith.constant 0 : i32
      %ge3A_47 = vector.broadcast %ge3A : i32 to vector<16xi32>
      %ge3A_48 = arith.cmpi sge, %sub3A_46, %ge3A_47 : vector<16xi32>
      %lt3A = arith.constant 5120 : i32
      %lt3A_49 = vector.broadcast %lt3A : i32 to vector<16xi32>
      %lt3A_50 = arith.cmpi slt, %sub3A_46, %lt3A_49 : vector<16xi32>
      %and3A = arith.andi %ge3A_48, %lt3A_50 : vector<16xi1>
      %and3A_51 = arith.constant 127 : i32
      %and3A_52 = vector.broadcast %and3A_51 : i32 to vector<16xi32>
      %and3A_53 = arith.andi %get3A_45, %and3A_52 : vector<16xi32>
      %add3A_54 = arith.constant 5120 : i32
      %add3A_55 = vector.broadcast %add3A_54 : i32 to vector<16xi32>
      %add3A_56 = arith.addi %add3A_55, %and3A_53 : vector<16xi32>
      %select_n3A = arith.select %and3A, %sub3A_46, %add3A_56 : vector<16xi1>, vector<16xi32>
      %swap3A = arith.index_cast %scan3A_42 : i32 to index
      %swap3A_57 = arith.constant 0 : index
      %swap3A_58 = tpu.vector_load %arg4[%swap3A, %swap3A_57] {strides = array<i32>} : memref<160x128xi32, #tpu.memory_space<vmem>>, vector<1x16xi32>,
      %swap3A_59 = vector.shape_cast %swap3A_58 : vector<1x16xi32> to vector<16xi32>
      %swap3A_60 = vector.shape_cast %select_n3A : vector<16xi32> to vector<1x16xi32>
      tpu.vector_store %arg4[%swap3A, %swap3A_57], %swap3A_60 {strides = array<i32>} : memref<160x128xi32, #tpu.memory_space<vmem>>, vector<1x16xi32>,
      %get3A_61 = arith.index_cast %scan3A_42 : i32 to index
      %get3A_62 = arith.constant 16 : index
      %get3A_63 = tpu.vector_load %arg4[%get3A_61, %get3A_62] {strides = array<i32>} : memref<160x128xi32, #tpu.memory_space<vmem>>, vector<1x16xi32>,
      %get3A_64 = vector.shape_cast %get3A_63 : vector<1x16xi32> to vector<16xi32>
      %sub3A_65 = vector.broadcast %mul3A_19 : i32 to vector<16xi32>
      %sub3A_66 = arith.subi %get3A_64, %sub3A_65 : vector<16xi32>
      %ge3A_67 = arith.constant 0 : i32
      %ge3A_68 = vector.broadcast %ge3A_67 : i32 to vector<16xi32>
      %ge3A_69 = arith.cmpi sge, %sub3A_66, %ge3A_68 : vector<16xi32>
      %lt3A_70 = arith.constant 5120 : i32
      %lt3A_71 = vector.broadcast %lt3A_70 : i32 to vector<16xi32>
      %lt3A_72 = arith.cmpi slt, %sub3A_66, %lt3A_71 : vector<16xi32>
      %and3A_73 = arith.andi %ge3A_69, %lt3A_72 : vector<16xi1>
      %and3A_74 = arith.constant 127 : i32
      %and3A_75 = vector.broadcast %and3A_74 : i32 to vector<16xi32>
      %and3A_76 = arith.andi %get3A_64, %and3A_75 : vector<16xi32>
      %add3A_77 = arith.constant 5120 : i32
      %add3A_78 = vector.broadcast %add3A_77 : i32 to vector<16xi32>
      %add3A_79 = arith.addi %add3A_78, %and3A_76 : vector<16xi32>
      %select_n3A_80 = arith.select %and3A_73, %sub3A_66, %add3A_79 : vector<16xi1>, vector<16xi32>
      %swap3A_81 = arith.index_cast %scan3A_42 : i32 to index
      %swap3A_82 = arith.constant 16 : index
      %swap3A_83 = tpu.vector_load %arg4[%swap3A_81, %swap3A_82] {strides = array<i32>} : memref<160x128xi32, #tpu.memory_space<vmem>>, vector<1x16xi32>,
      %swap3A_84 = vector.shape_cast %swap3A_83 : vector<1x16xi32> to vector<16xi32>
      %swap3A_85 = vector.shape_cast %select_n3A_80 : vector<16xi32> to vector<1x16xi32>
      tpu.vector_store %arg4[%swap3A_81, %swap3A_82], %swap3A_85 {strides = array<i32>} : memref<160x128xi32, #tpu.memory_space<vmem>>, vector<1x16xi32>,
      %get3A_86 = arith.index_cast %scan3A_42 : i32 to index
      %get3A_87 = arith.constant 32 : index
      %get3A_88 = tpu.vector_load %arg4[%get3A_86, %get3A_87] {strides = array<i32>} : memref<160x128xi32, #tpu.memory_space<vmem>>, vector<1x16xi32>,
      %get3A_89 = vector.shape_cast %get3A_88 : vector<1x16xi32> to vector<16xi32>
      %sub3A_90 = vector.broadcast %mul3A_19 : i32 to vector<16xi32>
      %sub3A_91 = arith.subi %get3A_89, %sub3A_90 : vector<16xi32>
      %ge3A_92 = arith.constant 0 : i32
      %ge3A_93 = vector.broadcast %ge3A_92 : i32 to vector<16xi32>
      %ge3A_94 = arith.cmpi sge, %sub3A_91, %ge3A_93 : vector<16xi32>
      %lt3A_95 = arith.constant 5120 : i32
      %lt3A_96 = vector.broadcast %lt3A_95 : i32 to vector<16xi32>
      %lt3A_97 = arith.cmpi slt, %sub3A_91, %lt3A_96 : vector<16xi32>
      %and3A_98 = arith.andi %ge3A_94, %lt3A_97 : vector<16xi1>
      %and3A_99 = arith.constant 127 : i32
      %and3A_100 = vector.broadcast %and3A_99 : i32 to vector<16xi32>
      %and3A_101 = arith.andi %get3A_89, %and3A_100 : vector<16xi32>
      %add3A_102 = arith.constant 5120 : i32
      %add3A_103 = vector.broadcast %add3A_102 : i32 to vector<16xi32>
      %add3A_104 = arith.addi %add3A_103, %and3A_101 : vector<16xi32>
      %select_n3A_105 = arith.select %and3A_98, %sub3A_91, %add3A_104 : vector<16xi1>, vector<16xi32>
      %swap3A_106 = arith.index_cast %scan3A_42 : i32 to index
      %swap3A_107 = arith.constant 32 : index
      %swap3A_108 = tpu.vector_load %arg4[%swap3A_106, %swap3A_107] {strides = array<i32>} : memref<160x128xi32, #tpu.memory_space<vmem>>, vector<1x16xi32>,
      %swap3A_109 = vector.shape_cast %swap3A_108 : vector<1x16xi32> to vector<16xi32>
      %swap3A_110 = vector.shape_cast %select_n3A_105 : vector<16xi32> to vector<1x16xi32>
      tpu.vector_store %arg4[%swap3A_106, %swap3A_107], %swap3A_110 {strides = array<i32>} : memref<160x128xi32, #tpu.memory_space<vmem>>, vector<1x16xi32>,
      %get3A_111 = arith.index_cast %scan3A_42 : i32 to index
      %get3A_112 = arith.constant 48 : index
      %get3A_113 = tpu.vector_load %arg4[%get3A_111, %get3A_112] {strides = array<i32>} : memref<160x128xi32, #tpu.memory_space<vmem>>, vector<1x16xi32>,
      %get3A_114 = vector.shape_cast %get3A_113 : vector<1x16xi32> to vector<16xi32>
      %sub3A_115 = vector.broadcast %mul3A_19 : i32 to vector<16xi32>
      %sub3A_116 = arith.subi %get3A_114, %sub3A_115 : vector<16xi32>
      %ge3A_117 = arith.constant 0 : i32
      %ge3A_118 = vector.broadcast %ge3A_117 : i32 to vector<16xi32>
      %ge3A_119 = arith.cmpi sge, %sub3A_116, %ge3A_118 : vector<16xi32>
      %lt3A_120 = arith.constant 5120 : i32
      %lt3A_121 = vector.broadcast %lt3A_120 : i32 to vector<16xi32>
      %lt3A_122 = arith.cmpi slt, %sub3A_116, %lt3A_121 : vector<16xi32>
      %and3A_123 = arith.andi %ge3A_119, %lt3A_122 : vector<16xi1>
      %and3A_124 = arith.constant 127 : i32
      %and3A_125 = vector.broadcast %and3A_124 : i32 to vector<16xi32>
      %and3A_126 = arith.andi %get3A_114, %and3A_125 : vector<16xi32>
      %add3A_127 = arith.constant 5120 : i32
      %add3A_128 = vector.broadcast %add3A_127 : i32 to vector<16xi32>
      %add3A_129 = arith.addi %add3A_128, %and3A_126 : vector<16xi32>
      %select_n3A_130 = arith.select %and3A_123, %sub3A_116, %add3A_129 : vector<16xi1>, vector<16xi32>
      %swap3A_131 = arith.index_cast %scan3A_42 : i32 to index
      %swap3A_132 = arith.constant 48 : index
      %swap3A_133 = tpu.vector_load %arg4[%swap3A_131, %swap3A_132] {strides = array<i32>} : memref<160x128xi32, #tpu.memory_space<vmem>>, vector<1x16xi32>,
      %swap3A_134 = vector.shape_cast %swap3A_133 : vector<1x16xi32> to vector<16xi32>
      %swap3A_135 = vector.shape_cast %select_n3A_130 : vector<16xi32> to vector<1x16xi32>
      tpu.vector_store %arg4[%swap3A_131, %swap3A_132], %swap3A_135 {strides = array<i32>} : memref<160x128xi32, #tpu.memory_space<vmem>>, vector<1x16xi32>,
      %get3A_136 = arith.index_cast %scan3A_42 : i32 to index
      %get3A_137 = arith.constant 64 : index
      %get3A_138 = tpu.vector_load %arg4[%get3A_136, %get3A_137] {strides = array<i32>} : memref<160x128xi32, #tpu.memory_space<vmem>>, vector<1x16xi32>,
      %get3A_139 = vector.shape_cast %get3A_138 : vector<1x16xi32> to vector<16xi32>
      %sub3A_140 = vector.broadcast %mul3A_19 : i32 to vector<16xi32>
      %sub3A_141 = arith.subi %get3A_139, %sub3A_140 : vector<16xi32>
      %ge3A_142 = arith.constant 0 : i32
      %ge3A_143 = vector.broadcast %ge3A_142 : i32 to vector<16xi32>
      %ge3A_144 = arith.cmpi sge, %sub3A_141, %ge3A_143 : vector<16xi32>
      %lt3A_145 = arith.constant 5120 : i32
      %lt3A_146 = vector.broadcast %lt3A_145 : i32 to vector<16xi32>
      %lt3A_147 = arith.cmpi slt, %sub3A_141, %lt3A_146 : vector<16xi32>
      %and3A_148 = arith.andi %ge3A_144, %lt3A_147 : vector<16xi1>
      %and3A_149 = arith.constant 127 : i32
      %and3A_150 = vector.broadcast %and3A_149 : i32 to vector<16xi32>
      %and3A_151 = arith.andi %get3A_139, %and3A_150 : vector<16xi32>
      %add3A_152 = arith.constant 5120 : i32
      %add3A_153 = vector.broadcast %add3A_152 : i32 to vector<16xi32>
      %add3A_154 = arith.addi %add3A_153, %and3A_151 : vector<16xi32>
      %select_n3A_155 = arith.select %and3A_148, %sub3A_141, %add3A_154 : vector<16xi1>, vector<16xi32>
      %swap3A_156 = arith.index_cast %scan3A_42 : i32 to index
      %swap3A_157 = arith.constant 64 : index
      %swap3A_158 = tpu.vector_load %arg4[%swap3A_156, %swap3A_157] {strides = array<i32>} : memref<160x128xi32, #tpu.memory_space<vmem>>, vector<1x16xi32>,
      %swap3A_159 = vector.shape_cast %swap3A_158 : vector<1x16xi32> to vector<16xi32>
      %swap3A_160 = vector.shape_cast %select_n3A_155 : vector<16xi32> to vector<1x16xi32>
      tpu.vector_store %arg4[%swap3A_156, %swap3A_157], %swap3A_160 {strides = array<i32>} : memref<160x128xi32, #tpu.memory_space<vmem>>, vector<1x16xi32>,
      %get3A_161 = arith.index_cast %scan3A_42 : i32 to index
      %get3A_162 = arith.constant 80 : index
      %get3A_163 = tpu.vector_load %arg4[%get3A_161, %get3A_162] {strides = array<i32>} : memref<160x128xi32, #tpu.memory_space<vmem>>, vector<1x16xi32>,
      %get3A_164 = vector.shape_cast %get3A_163 : vector<1x16xi32> to vector<16xi32>
      %sub3A_165 = vector.broadcast %mul3A_19 : i32 to vector<16xi32>
      %sub3A_166 = arith.subi %get3A_164, %sub3A_165 : vector<16xi32>
      %ge3A_167 = arith.constant 0 : i32
      %ge3A_168 = vector.broadcast %ge3A_167 : i32 to vector<16xi32>
      %ge3A_169 = arith.cmpi sge, %sub3A_166, %ge3A_168 : vector<16xi32>
      %lt3A_170 = arith.constant 5120 : i32
      %lt3A_171 = vector.broadcast %lt3A_170 : i32 to vector<16xi32>
      %lt3A_172 = arith.cmpi slt, %sub3A_166, %lt3A_171 : vector<16xi32>
      %and3A_173 = arith.andi %ge3A_169, %lt3A_172 : vector<16xi1>
      %and3A_174 = arith.constant 127 : i32
      %and3A_175 = vector.broadcast %and3A_174 : i32 to vector<16xi32>
      %and3A_176 = arith.andi %get3A_164, %and3A_175 : vector<16xi32>
      %add3A_177 = arith.constant 5120 : i32
      %add3A_178 = vector.broadcast %add3A_177 : i32 to vector<16xi32>
      %add3A_179 = arith.addi %add3A_178, %and3A_176 : vector<16xi32>
      %select_n3A_180 = arith.select %and3A_173, %sub3A_166, %add3A_179 : vector<16xi1>, vector<16xi32>
      %swap3A_181 = arith.index_cast %scan3A_42 : i32 to index
      %swap3A_182 = arith.constant 80 : index
      %swap3A_183 = tpu.vector_load %arg4[%swap3A_181, %swap3A_182] {strides = array<i32>} : memref<160x128xi32, #tpu.memory_space<vmem>>, vector<1x16xi32>,
      %swap3A_184 = vector.shape_cast %swap3A_183 : vector<1x16xi32> to vector<16xi32>
      %swap3A_185 = vector.shape_cast %select_n3A_180 : vector<16xi32> to vector<1x16xi32>
      tpu.vector_store %arg4[%swap3A_181, %swap3A_182], %swap3A_185 {strides = array<i32>} : memref<160x128xi32, #tpu.memory_space<vmem>>, vector<1x16xi32>,
      %get3A_186 = arith.index_cast %scan3A_42 : i32 to index
      %get3A_187 = arith.constant 96 : index
      %get3A_188 = tpu.vector_load %arg4[%get3A_186, %get3A_187] {strides = array<i32>} : memref<160x128xi32, #tpu.memory_space<vmem>>, vector<1x16xi32>,
      %get3A_189 = vector.shape_cast %get3A_188 : vector<1x16xi32> to vector<16xi32>
      %sub3A_190 = vector.broadcast %mul3A_19 : i32 to vector<16xi32>
      %sub3A_191 = arith.subi %get3A_189, %sub3A_190 : vector<16xi32>
      %ge3A_192 = arith.constant 0 : i32
      %ge3A_193 = vector.broadcast %ge3A_192 : i32 to vector<16xi32>
      %ge3A_194 = arith.cmpi sge, %sub3A_191, %ge3A_193 : vector<16xi32>
      %lt3A_195 = arith.constant 5120 : i32
      %lt3A_196 = vector.broadcast %lt3A_195 : i32 to vector<16xi32>
      %lt3A_197 = arith.cmpi slt, %sub3A_191, %lt3A_196 : vector<16xi32>
      %and3A_198 = arith.andi %ge3A_194, %lt3A_197 : vector<16xi1>
      %and3A_199 = arith.constant 127 : i32
      %and3A_200 = vector.broadcast %and3A_199 : i32 to vector<16xi32>
      %and3A_201 = arith.andi %get3A_189, %and3A_200 : vector<16xi32>
      %add3A_202 = arith.constant 5120 : i32
      %add3A_203 = vector.broadcast %add3A_202 : i32 to vector<16xi32>
      %add3A_204 = arith.addi %add3A_203, %and3A_201 : vector<16xi32>
      %select_n3A_205 = arith.select %and3A_198, %sub3A_191, %add3A_204 : vector<16xi1>, vector<16xi32>
      %swap3A_206 = arith.index_cast %scan3A_42 : i32 to index
      %swap3A_207 = arith.constant 96 : index
      %swap3A_208 = tpu.vector_load %arg4[%swap3A_206, %swap3A_207] {strides = array<i32>} : memref<160x128xi32, #tpu.memory_space<vmem>>, vector<1x16xi32>,
      %swap3A_209 = vector.shape_cast %swap3A_208 : vector<1x16xi32> to vector<16xi32>
      %swap3A_210 = vector.shape_cast %select_n3A_205 : vector<16xi32> to vector<1x16xi32>
      tpu.vector_store %arg4[%swap3A_206, %swap3A_207], %swap3A_210 {strides = array<i32>} : memref<160x128xi32, #tpu.memory_space<vmem>>, vector<1x16xi32>,
      %get3A_211 = arith.index_cast %scan3A_42 : i32 to index
      %get3A_212 = arith.constant 112 : index
      %get3A_213 = tpu.vector_load %arg4[%get3A_211, %get3A_212] {strides = array<i32>} : memref<160x128xi32, #tpu.memory_space<vmem>>, vector<1x16xi32>,
      %get3A_214 = vector.shape_cast %get3A_213 : vector<1x16xi32> to vector<16xi32>
      %sub3A_215 = vector.broadcast %mul3A_19 : i32 to vector<16xi32>
      %sub3A_216 = arith.subi %get3A_214, %sub3A_215 : vector<16xi32>
      %ge3A_217 = arith.constant 0 : i32
      %ge3A_218 = vector.broadcast %ge3A_217 : i32 to vector<16xi32>
      %ge3A_219 = arith.cmpi sge, %sub3A_216, %ge3A_218 : vector<16xi32>
      %lt3A_220 = arith.constant 5120 : i32
      %lt3A_221 = vector.broadcast %lt3A_220 : i32 to vector<16xi32>
      %lt3A_222 = arith.cmpi slt, %sub3A_216, %lt3A_221 : vector<16xi32>
      %and3A_223 = arith.andi %ge3A_219, %lt3A_222 : vector<16xi1>
      %and3A_224 = arith.constant 127 : i32
      %and3A_225 = vector.broadcast %and3A_224 : i32 to vector<16xi32>
      %and3A_226 = arith.andi %get3A_214, %and3A_225 : vector<16xi32>
      %add3A_227 = arith.constant 5120 : i32
      %add3A_228 = vector.broadcast %add3A_227 : i32 to vector<16xi32>
      %add3A_229 = arith.addi %add3A_228, %and3A_226 : vector<16xi32>
      %select_n3A_230 = arith.select %and3A_223, %sub3A_216, %add3A_229 : vector<16xi1>, vector<16xi32>
      %swap3A_231 = arith.index_cast %scan3A_42 : i32 to index
      %swap3A_232 = arith.constant 112 : index
      %swap3A_233 = tpu.vector_load %arg4[%swap3A_231, %swap3A_232] {strides = array<i32>} : memref<160x128xi32, #tpu.memory_space<vmem>>, vector<1x16xi32>,
      %swap3A_234 = vector.shape_cast %swap3A_233 : vector<1x16xi32> to vector<16xi32>
      %swap3A_235 = vector.shape_cast %select_n3A_230 : vector<16xi32> to vector<1x16xi32>
      tpu.vector_store %arg4[%swap3A_231, %swap3A_232], %swap3A_235 {strides = array<i32>} : memref<160x128xi32, #tpu.memory_space<vmem>>, vector<1x16xi32>,
    }
    %scan3A_29 = arith.constant 160 : i32
    %scan3A_30 = arith.constant 0 : i32
    %scan3A_31 = arith.constant 0 : i32
    %scan3A_32 = arith.constant 160 : i32
    %scan3A_33 = arith.addi %scan3A_31, %scan3A_32 : i32
    %scan3A_34 = arith.constant 1 : i32
    scf.for %scan3A_42 = %scan3A_31 to %scan3A_33 step %scan3A_34  : i32 {
      "tpu.region"() ({
        %run_scoped3A = tpu.sem_alloc : memref<!tpu.dma_semaphore, #tpu.memory_space<semaphore_mem>>
        %dma_start3A = arith.constant 0 : i32
        %dma_start3A_43 = tpu.memref_slice %arg4[%scan3A_42, %dma_start3A] : memref<160x128xi32, #tpu.memory_space<vmem>> -> memref<1x128xi32, #tpu.memory_space<vmem>>
        %dma_start3A_44 = tpu.memref_squeeze %dma_start3A_43 : memref<1x128xi32, #tpu.memory_space<vmem>> -> memref<128xi32, #tpu.memory_space<vmem>>
        %dma_start3A_45 = arith.constant 0 : i32
        %dma_start3A_46 = arith.constant 0 : i32
        %dma_start3A_47 = tpu.memref_slice %arg6[%dma_start3A_45, %dma_start3A_46] : memref<5248x128xf32, #tpu.memory_space<vmem_shared>> -> memref<5248x128xf32, #tpu.memory_space<vmem_shared>>
        tpu.enqueue_indirect_dma source(%arg5 : memref<128x128xf32, #tpu.memory_space<vmem>>) target(%dma_start3A_47 : memref<5248x128xf32, #tpu.memory_space<vmem_shared>>) offsets(%dma_start3A_44 : memref<128xi32, #tpu.memory_space<vmem>>) semaphore(%run_scoped3A : memref<!tpu.dma_semaphore, #tpu.memory_space<semaphore_mem>>) {add = true}
        %dma_wait3A = arith.constant 0 : i32
        %dma_wait3A_48 = tpu.memref_slice %arg4[%scan3A_42, %dma_wait3A] : memref<160x128xi32, #tpu.memory_space<vmem>> -> memref<1x128xi32, #tpu.memory_space<vmem>>
        %dma_wait3A_49 = tpu.memref_squeeze %dma_wait3A_48 : memref<1x128xi32, #tpu.memory_space<vmem>> -> memref<128xi32, #tpu.memory_space<vmem>>
        %dma_wait3A_50 = arith.constant 0 : i32
        %dma_wait3A_51 = arith.constant 0 : i32
        %dma_wait3A_52 = tpu.memref_slice %arg6[%dma_wait3A_50, %dma_wait3A_51] : memref<5248x128xf32, #tpu.memory_space<vmem_shared>> -> memref<5248x128xf32, #tpu.memory_space<vmem_shared>>
        tpu.wait_indirect_dma semaphore(%run_scoped3A : memref<!tpu.dma_semaphore, #tpu.memory_space<semaphore_mem>>) src(%arg5 : memref<128x128xf32, #tpu.memory_space<vmem>>) dst(%dma_wait3A_52 : memref<5248x128xf32, #tpu.memory_space<vmem_shared>>)
        tpu.yield
      }) : () -> ()
    }
    %scan3A_35 = arith.constant 160 : i32
    %barrier3A_36 = arith.constant 0 : index
    tpu.barrier barrier_id(%barrier3A_36)
    %mul3A_37 = arith.constant 320 : i32
    %mul3A_38 = arith.muli %arg1, %mul3A_37 : i32
    %mul3A_39 = arith.constant 320 : i32
    %mul3A_40 = arith.muli %arg1, %mul3A_39 : i32
    %add3A_41 = arith.addi %mul3A_19, %mul3A_40 : i32
    "tpu.region"() ({
      %run_scoped3A = tpu.sem_alloc : memref<!tpu.dma_semaphore, #tpu.memory_space<semaphore_mem>>
      %dma_start3A = arith.constant 0 : i32
      %dma_start3A_42 = tpu.memref_slice %arg3[%add3A_41, %dma_start3A] : memref<10240x128xf32, #tpu.memory_space<hbm>> -> memref<320x128xf32, #tpu.memory_space<hbm>>
      %dma_start3A_43 = arith.constant 0 : i32
      %dma_start3A_44 = tpu.memref_slice %arg6[%mul3A_38, %dma_start3A_43] : memref<5248x128xf32, #tpu.memory_space<vmem_shared>> -> memref<320x128xf32, #tpu.memory_space<vmem_shared>>
      tpu.enqueue_dma source(%dma_start3A_44 : memref<320x128xf32, #tpu.memory_space<vmem_shared>>) target(%dma_start3A_42 : memref<320x128xf32, #tpu.memory_space<hbm>>) target_semaphore(%run_scoped3A : memref<!tpu.dma_semaphore, #tpu.memory_space<semaphore_mem>>)
      %dma_wait3A = arith.constant 0 : i32
      %dma_wait3A_45 = tpu.memref_slice %arg3[%add3A_41, %dma_wait3A] : memref<10240x128xf32, #tpu.memory_space<hbm>> -> memref<320x128xf32, #tpu.memory_space<hbm>>
      %dma_wait3A_46 = arith.constant 0 : i32
      %dma_wait3A_47 = tpu.memref_slice %arg6[%mul3A_38, %dma_wait3A_46] : memref<5248x128xf32, #tpu.memory_space<vmem_shared>> -> memref<320x128xf32, #tpu.memory_space<vmem_shared>>
      tpu.wait_dma2 semaphore(%run_scoped3A : memref<!tpu.dma_semaphore, #tpu.memory_space<semaphore_mem>>) src(%dma_wait3A_47 : memref<320x128xf32, #tpu.memory_space<vmem_shared>>) dst(%dma_wait3A_45 : memref<320x128xf32, #tpu.memory_space<hbm>>)
      tpu.yield
    }) : () -> ()
    return
  }
}

module attributes {stable_mosaic.version = 14 : i64} {
  func.func @_layer1_tc(%arg0: i32, %arg1: memref<512x128xf32, #tpu.memory_space<vmem>>, %arg2: memref<512x128xf32, #tpu.memory_space<vmem>>, %arg3: memref<512x128xf32, #tpu.memory_space<vmem>>, %arg4: memref<128x128xf32, #tpu.memory_space<vmem>>, %arg5: memref<128x128xf32, #tpu.memory_space<vmem>>, %arg6: memref<1x128xf32, #tpu.memory_space<vmem>>, %arg7: memref<512x128xf32, #tpu.memory_space<vmem>>, %arg8: memref<512x16xf32, #tpu.memory_space<vmem>>) attributes {dimension_semantics = [#tpu.dimension_semantics<arbitrary>], iteration_bounds = array<i64: 20>, scalar_prefetch = 0 : i64, scratch_operands = 0 : i64, tpu.core_type = #tpu.core_type<tc>, window_params = [{transform_indices = @transform_0, window_bounds = array<i64: 512, 128>}, {transform_indices = @transform_1, window_bounds = array<i64: 512, 128>}, {transform_indices = @transform_2, window_bounds = array<i64: 512, 128>}, {pipeline_mode = #tpu.pipeline_mode<synchronous>, transform_indices = @transform_3, window_bounds = array<i64: 128, 128>}, {pipeline_mode = #tpu.pipeline_mode<synchronous>, transform_indices = @transform_4, window_bounds = array<i64: 128, 128>}, {pipeline_mode = #tpu.pipeline_mode<synchronous>, transform_indices = @transform_5, window_bounds = array<i64: 1, 128>}, {transform_indices = @transform_6, window_bounds = array<i64: 512, 128>}, {transform_indices = @transform_7, window_bounds = array<i64: 512, 16>}]} {
    %get3A = arith.constant 0 : index
    %get3A_0 = arith.constant 0 : index
    %get3A_1 = vector.load %arg3[%get3A, %get3A_0] : memref<512x128xf32, #tpu.memory_space<vmem>>, vector<512x128xf32>
    %max3A = arith.constant 1.000000e+00 : f32
    %max3A_2 = vector.broadcast %max3A : f32 to vector<512x128xf32>
    %max3A_3 = arith.maximumf %get3A_1, %max3A_2 : vector<512x128xf32>
    %div3A = arith.constant 1.000000e+00 : f32
    %div3A_4 = vector.broadcast %div3A : f32 to vector<512x128xf32>
    %div3A_5 = arith.divf %div3A_4, %max3A_3 : vector<512x128xf32>
    %slice3A = vector.extract_strided_slice %div3A_5 {offsets = [0, 0], sizes = [512, 16], strides = [1, 1]} : vector<512x128xf32> to vector<512x16xf32>
    %swap3A = arith.constant 0 : index
    %swap3A_6 = arith.constant 0 : index
    %swap3A_7 = vector.load %arg8[%swap3A, %swap3A_6] : memref<512x16xf32, #tpu.memory_space<vmem>>, vector<512x16xf32>
    tpu.vector_store %arg8[%swap3A, %swap3A_6], %slice3A {strides = array<i32>} : memref<512x16xf32, #tpu.memory_space<vmem>>, vector<512x16xf32>,
    %reduce_max3A = arith.constant dense<0xFF800000> : vector<512xf32>
    %reduce_max3A_8 = vector.multi_reduction <maximumf>, %div3A_5, %reduce_max3A [1] : vector<512x128xf32> to vector<512xf32>
    %broadcast_in_dim3A = vector.shape_cast %reduce_max3A_8 : vector<512xf32> to vector<512x1xf32>
    %get3A_9 = arith.constant 0 : index
    %get3A_10 = arith.constant 0 : index
    %get3A_11 = vector.load %arg2[%get3A_9, %get3A_10] : memref<512x128xf32, #tpu.memory_space<vmem>>, vector<512x128xf32>
    %mul3A = vector.broadcast %broadcast_in_dim3A : vector<512x1xf32> to vector<512x128xf32>
    %mul3A_12 = arith.mulf %get3A_11, %mul3A : vector<512x128xf32>
    %get3A_13 = arith.constant 0 : index
    %get3A_14 = arith.constant 0 : index
    %get3A_15 = vector.load %arg1[%get3A_13, %get3A_14] : memref<512x128xf32, #tpu.memory_space<vmem>>, vector<512x128xf32>
    %get3A_16 = arith.constant 0 : index
    %get3A_17 = arith.constant 0 : index
    %get3A_18 = vector.load %arg4[%get3A_16, %get3A_17] : memref<128x128xf32, #tpu.memory_space<vmem>>, vector<128x128xf32>
    %dot_general3A = arith.constant dense<0.000000e+00> : vector<512x128xf32>
    %dot_general3A_19 = tpu.matmul %get3A_15, %get3A_18, %dot_general3A {dimension_numbers = #tpu.dot_dimension_numbers<[1], [0], [0], [1], [0, 0, 1, 1], [], []>, transpose_lhs_hint = false} : vector<512x128xf32>, vector<128x128xf32>, vector<512x128xf32> -> vector<512x128xf32>
    %get3A_20 = arith.constant 0 : index
    %get3A_21 = arith.constant 0 : index
    %get3A_22 = vector.load %arg5[%get3A_20, %get3A_21] : memref<128x128xf32, #tpu.memory_space<vmem>>, vector<128x128xf32>
    %dot_general3A_23 = arith.constant dense<0.000000e+00> : vector<512x128xf32>
    %dot_general3A_24 = tpu.matmul %mul3A_12, %get3A_22, %dot_general3A_23 {dimension_numbers = #tpu.dot_dimension_numbers<[1], [0], [0], [1], [0, 0, 1, 1], [], []>, transpose_lhs_hint = false} : vector<512x128xf32>, vector<128x128xf32>, vector<512x128xf32> -> vector<512x128xf32>
    %add3A = arith.addf %dot_general3A_19, %dot_general3A_24 : vector<512x128xf32>
    %get3A_25 = arith.constant 0 : index
    %get3A_26 = arith.constant 0 : index
    %get3A_27 = vector.load %arg6[%get3A_25, %get3A_26] : memref<1x128xf32, #tpu.memory_space<vmem>>, vector<1x128xf32>
    %add3A_28 = vector.broadcast %get3A_27 : vector<1x128xf32> to vector<512x128xf32>
    %add3A_29 = arith.addf %add3A, %add3A_28 : vector<512x128xf32>
    %max3A_30 = arith.constant 0.000000e+00 : f32
    %max3A_31 = vector.broadcast %max3A_30 : f32 to vector<512x128xf32>
    %max3A_32 = arith.maximumf %add3A_29, %max3A_31 : vector<512x128xf32>
    %swap3A_33 = arith.constant 0 : index
    %swap3A_34 = arith.constant 0 : index
    %swap3A_35 = vector.load %arg7[%swap3A_33, %swap3A_34] : memref<512x128xf32, #tpu.memory_space<vmem>>, vector<512x128xf32>
    tpu.vector_store %arg7[%swap3A_33, %swap3A_34], %max3A_32 {strides = array<i32>} : memref<512x128xf32, #tpu.memory_space<vmem>>, vector<512x128xf32>,
    return
  }
  func.func @transform_0(%arg0: i32) -> (i32, i32) {
    %c0_i32 = arith.constant 0 : i32
    %c0_i32_0 = arith.constant 0 : i32
    return %arg0, %c0_i32 : i32, i32
  }
  func.func @transform_1(%arg0: i32) -> (i32, i32) {
    %c0_i32 = arith.constant 0 : i32
    %c0_i32_0 = arith.constant 0 : i32
    return %arg0, %c0_i32 : i32, i32
  }
  func.func @transform_2(%arg0: i32) -> (i32, i32) {
    %c0_i32 = arith.constant 0 : i32
    %c0_i32_0 = arith.constant 0 : i32
    return %arg0, %c0_i32 : i32, i32
  }
  func.func @transform_3(%arg0: i32) -> (i32, i32) {
    %c0_i32 = arith.constant 0 : i32
    %c0_i32_0 = arith.constant 0 : i32
    %c0_i32_1 = arith.constant 0 : i32
    return %c0_i32, %c0_i32_0 : i32, i32
  }
  func.func @transform_4(%arg0: i32) -> (i32, i32) {
    %c0_i32 = arith.constant 0 : i32
    %c0_i32_0 = arith.constant 0 : i32
    %c0_i32_1 = arith.constant 0 : i32
    return %c0_i32, %c0_i32_0 : i32, i32
  }
  func.func @transform_5(%arg0: i32) -> (i32, i32) {
    %c0_i32 = arith.constant 0 : i32
    %c0_i32_0 = arith.constant 0 : i32
    %c0_i32_1 = arith.constant 0 : i32
    return %c0_i32, %c0_i32_0 : i32, i32
  }
  func.func @transform_6(%arg0: i32) -> (i32, i32) {
    %c0_i32 = arith.constant 0 : i32
    %c0_i32_0 = arith.constant 0 : i32
    return %arg0, %c0_i32 : i32, i32
  }
  func.func @transform_7(%arg0: i32) -> (i32, i32) {
    %c0_i32 = arith.constant 0 : i32
    %c0_i32_0 = arith.constant 0 : i32
    return %arg0, %c0_i32 : i32, i32
  }
}

module attributes {stable_mosaic.version = 14 : i64} {
  func.func @_layer2_tc(%arg0: i32, %arg1: memref<512x128xf32, #tpu.memory_space<vmem>>, %arg2: memref<512x128xf32, #tpu.memory_space<vmem>>, %arg3: memref<512x16xf32, #tpu.memory_space<vmem>>, %arg4: memref<128x128xf32, #tpu.memory_space<vmem>>, %arg5: memref<128x128xf32, #tpu.memory_space<vmem>>, %arg6: memref<1x128xf32, #tpu.memory_space<vmem>>, %arg7: memref<128x128xf32, #tpu.memory_space<vmem>>, %arg8: memref<1x128xf32, #tpu.memory_space<vmem>>, %arg9: memref<512x128xf32, #tpu.memory_space<vmem>>) attributes {dimension_semantics = [#tpu.dimension_semantics<arbitrary>], iteration_bounds = array<i64: 20>, scalar_prefetch = 0 : i64, scratch_operands = 0 : i64, tpu.core_type = #tpu.core_type<tc>, window_params = [{transform_indices = @transform_0, window_bounds = array<i64: 512, 128>}, {transform_indices = @transform_1, window_bounds = array<i64: 512, 128>}, {transform_indices = @transform_2, window_bounds = array<i64: 512, 16>}, {pipeline_mode = #tpu.pipeline_mode<synchronous>, transform_indices = @transform_3, window_bounds = array<i64: 128, 128>}, {pipeline_mode = #tpu.pipeline_mode<synchronous>, transform_indices = @transform_4, window_bounds = array<i64: 128, 128>}, {pipeline_mode = #tpu.pipeline_mode<synchronous>, transform_indices = @transform_5, window_bounds = array<i64: 1, 128>}, {pipeline_mode = #tpu.pipeline_mode<synchronous>, transform_indices = @transform_6, window_bounds = array<i64: 128, 128>}, {pipeline_mode = #tpu.pipeline_mode<synchronous>, transform_indices = @transform_7, window_bounds = array<i64: 1, 128>}, {transform_indices = @transform_8, window_bounds = array<i64: 512, 128>}]} {
    %get3A = arith.constant 0 : index
    %get3A_0 = arith.constant 0 : index
    %get3A_1 = vector.load %arg3[%get3A, %get3A_0] : memref<512x16xf32, #tpu.memory_space<vmem>>, vector<512x16xf32>
    %reduce_max3A = arith.constant dense<0xFF800000> : vector<512xf32>
    %reduce_max3A_2 = vector.multi_reduction <maximumf>, %get3A_1, %reduce_max3A [1] : vector<512x16xf32> to vector<512xf32>
    %broadcast_in_dim3A = vector.shape_cast %reduce_max3A_2 : vector<512xf32> to vector<512x1xf32>
    %get3A_3 = arith.constant 0 : index
    %get3A_4 = arith.constant 0 : index
    %get3A_5 = vector.load %arg2[%get3A_3, %get3A_4] : memref<512x128xf32, #tpu.memory_space<vmem>>, vector<512x128xf32>
    %mul3A = vector.broadcast %broadcast_in_dim3A : vector<512x1xf32> to vector<512x128xf32>
    %mul3A_6 = arith.mulf %get3A_5, %mul3A : vector<512x128xf32>
    %get3A_7 = arith.constant 0 : index
    %get3A_8 = arith.constant 0 : index
    %get3A_9 = vector.load %arg1[%get3A_7, %get3A_8] : memref<512x128xf32, #tpu.memory_space<vmem>>, vector<512x128xf32>
    %get3A_10 = arith.constant 0 : index
    %get3A_11 = arith.constant 0 : index
    %get3A_12 = vector.load %arg4[%get3A_10, %get3A_11] : memref<128x128xf32, #tpu.memory_space<vmem>>, vector<128x128xf32>
    %dot_general3A = arith.constant dense<0.000000e+00> : vector<512x128xf32>
    %dot_general3A_13 = tpu.matmul %get3A_9, %get3A_12, %dot_general3A {dimension_numbers = #tpu.dot_dimension_numbers<[1], [0], [0], [1], [0, 0, 1, 1], [], []>, transpose_lhs_hint = false} : vector<512x128xf32>, vector<128x128xf32>, vector<512x128xf32> -> vector<512x128xf32>
    %get3A_14 = arith.constant 0 : index
    %get3A_15 = arith.constant 0 : index
    %get3A_16 = vector.load %arg5[%get3A_14, %get3A_15] : memref<128x128xf32, #tpu.memory_space<vmem>>, vector<128x128xf32>
    %dot_general3A_17 = arith.constant dense<0.000000e+00> : vector<512x128xf32>
    %dot_general3A_18 = tpu.matmul %mul3A_6, %get3A_16, %dot_general3A_17 {dimension_numbers = #tpu.dot_dimension_numbers<[1], [0], [0], [1], [0, 0, 1, 1], [], []>, transpose_lhs_hint = false} : vector<512x128xf32>, vector<128x128xf32>, vector<512x128xf32> -> vector<512x128xf32>
    %add3A = arith.addf %dot_general3A_13, %dot_general3A_18 : vector<512x128xf32>
    %get3A_19 = arith.constant 0 : index
    %get3A_20 = arith.constant 0 : index
    %get3A_21 = vector.load %arg6[%get3A_19, %get3A_20] : memref<1x128xf32, #tpu.memory_space<vmem>>, vector<1x128xf32>
    %add3A_22 = vector.broadcast %get3A_21 : vector<1x128xf32> to vector<512x128xf32>
    %add3A_23 = arith.addf %add3A, %add3A_22 : vector<512x128xf32>
    %max3A = arith.constant 0.000000e+00 : f32
    %max3A_24 = vector.broadcast %max3A : f32 to vector<512x128xf32>
    %max3A_25 = arith.maximumf %add3A_23, %max3A_24 : vector<512x128xf32>
    %get3A_26 = arith.constant 0 : index
    %get3A_27 = arith.constant 0 : index
    %get3A_28 = vector.load %arg7[%get3A_26, %get3A_27] : memref<128x128xf32, #tpu.memory_space<vmem>>, vector<128x128xf32>
    %dot_general3A_29 = arith.constant dense<0.000000e+00> : vector<512x128xf32>
    %dot_general3A_30 = tpu.matmul %max3A_25, %get3A_28, %dot_general3A_29 {dimension_numbers = #tpu.dot_dimension_numbers<[1], [0], [0], [1], [0, 0, 1, 1], [], []>, transpose_lhs_hint = false} : vector<512x128xf32>, vector<128x128xf32>, vector<512x128xf32> -> vector<512x128xf32>
    %get3A_31 = arith.constant 0 : index
    %get3A_32 = arith.constant 0 : index
    %get3A_33 = vector.load %arg8[%get3A_31, %get3A_32] : memref<1x128xf32, #tpu.memory_space<vmem>>, vector<1x128xf32>
    %add3A_34 = vector.broadcast %get3A_33 : vector<1x128xf32> to vector<512x128xf32>
    %add3A_35 = arith.addf %dot_general3A_30, %add3A_34 : vector<512x128xf32>
    %swap3A = arith.constant 0 : index
    %swap3A_36 = arith.constant 0 : index
    %swap3A_37 = vector.load %arg9[%swap3A, %swap3A_36] : memref<512x128xf32, #tpu.memory_space<vmem>>, vector<512x128xf32>
    tpu.vector_store %arg9[%swap3A, %swap3A_36], %add3A_35 {strides = array<i32>} : memref<512x128xf32, #tpu.memory_space<vmem>>, vector<512x128xf32>,
    return
  }
  func.func @transform_0(%arg0: i32) -> (i32, i32) {
    %c0_i32 = arith.constant 0 : i32
    %c0_i32_0 = arith.constant 0 : i32
    return %arg0, %c0_i32 : i32, i32
  }
  func.func @transform_1(%arg0: i32) -> (i32, i32) {
    %c0_i32 = arith.constant 0 : i32
    %c0_i32_0 = arith.constant 0 : i32
    return %arg0, %c0_i32 : i32, i32
  }
  func.func @transform_2(%arg0: i32) -> (i32, i32) {
    %c0_i32 = arith.constant 0 : i32
    %c0_i32_0 = arith.constant 0 : i32
    return %arg0, %c0_i32 : i32, i32
  }
  func.func @transform_3(%arg0: i32) -> (i32, i32) {
    %c0_i32 = arith.constant 0 : i32
    %c0_i32_0 = arith.constant 0 : i32
    %c0_i32_1 = arith.constant 0 : i32
    return %c0_i32, %c0_i32_0 : i32, i32
  }
  func.func @transform_4(%arg0: i32) -> (i32, i32) {
    %c0_i32 = arith.constant 0 : i32
    %c0_i32_0 = arith.constant 0 : i32
    %c0_i32_1 = arith.constant 0 : i32
    return %c0_i32, %c0_i32_0 : i32, i32
  }
  func.func @transform_5(%arg0: i32) -> (i32, i32) {
    %c0_i32 = arith.constant 0 : i32
    %c0_i32_0 = arith.constant 0 : i32
    %c0_i32_1 = arith.constant 0 : i32
    return %c0_i32, %c0_i32_0 : i32, i32
  }
  func.func @transform_6(%arg0: i32) -> (i32, i32) {
    %c0_i32 = arith.constant 0 : i32
    %c0_i32_0 = arith.constant 0 : i32
    %c0_i32_1 = arith.constant 0 : i32
    return %c0_i32, %c0_i32_0 : i32, i32
  }
  func.func @transform_7(%arg0: i32) -> (i32, i32) {
    %c0_i32 = arith.constant 0 : i32
    %c0_i32_0 = arith.constant 0 : i32
    %c0_i32_1 = arith.constant 0 : i32
    return %c0_i32, %c0_i32_0 : i32, i32
  }
  func.func @transform_8(%arg0: i32) -> (i32, i32) {
    %c0_i32 = arith.constant 0 : i32
    %c0_i32_0 = arith.constant 0 : i32
    return %arg0, %c0_i32 : i32, i32
  }
}

</mosaic_0001>

<sc_bundles>
// kernel: kernel.10.cloned.1.call-start
scs
__scs_entry_jumppad:
0x0: {  	(pc) =	sbr.rel $0x88, $3  }
0x1: {  	(tag) =	ssettag $0x0;
	lr =	simm.s32 $0x1  }
0x2: {  	[smem:$0x3F95] =	sst lr;
	_ =	strace $0xD0000000  }
0x3: {  	_ = 	snop  }
0x4: {  	_ = 	snop  }
0x5: {  	_ = 	snop  }
0x6: {  	_ = 	snop  }
0x7: {  	_ = 	snop  }
__scs_overlays_trampoline_lowered:
0x8: {  	[smem:$0x3FA4] =	sst s0  }
0x9: {  	[smem:$0x3FA5] =	sst s1  }
0xa: {  	[smem:$0x3FA6] =	sst s2  }
0xb: {  	[smem:$0x3FA7] =	sst s3  }
0xc: {  	[smem:$0x3FA8] =	sst s4  }
0xd: {  	[smem:$0x3FA9] =	sst s5  }
0xe: {  	[smem:$0x3FAA] =	sst s6  }
0xf: {  	[smem:$0x3FAB] =	sst s7  }
0x10: {  	[smem:$0x3FAC] =	sst s8  }
0x11: {  	[smem:$0x3FAD] =	sst s9;
	s0 =	simm.s32 @!p0 $0x0  }
0x12: {  	s1 =	sld [smem:$0x3F93];
	s0 =	simm.s32 @p0 $0x1  }
0x13: {  	[smem:$0x3FAE] =	sst s0;
	s0 =	simm.s32 @!p1 $0x0  }
0x14: {  	s2 =	sld [smem:$0x3F92];
	s0 =	simm.s32 @p1 $0x1  }
0x15: {  	[smem:$0x3FAF] =	sst s0;
	s0 =	simm.s32 @!p2 $0x0  }
0x16: {  	s3 =	sld [smem:$0x3FDB];
	s0 =	simm.s32 @p2 $0x1  }
0x17: {  	s4 =	simm.s32 $0x1BF5;
	[smem:$0x3FB1] =	sst s0  }
0x18: {  	s0 =	sld [smem:$0x3F94];
	_ =	swait.ge [sflag:s4], $0x0  }
0x19: {  	s7 =	sld [smem:$0x3F95]  }
0x1a: {  	s8 =	sadd.s32 $0xFFFFE003, lr  }
0x1b: {  	s9 =	sadd.s32 $0xFFFFFEF7, lr;
	s5 =	simm.s32 $0xFFFFFFFF;
	p2 =	slt.u32 s8, $0xFFFFF086  }
0x1c: {  	p1 =	slt.u32 s9, $0xF7A;
	s5 =	simm.s32 @!p2 $0x0  }
0x1d: {  	s5 =	simm.s32 @p1 $0x1;
	p0 =	seq.s32 s7, s2  }
0x1e: {  	s7 =	smul.u32 @!p0 $0xF7A, s2;
	p2 =	seq.s32 @!p0 s5, $0x0  }
0x1f: {  	s9 =	smul.u32 $0xF7A, s1;
	s8 =	simm.s32 @!p0 $0x1BF5;
	p2 =	por !p2, p0  }
0x20: {  	[sflag:s8] =	ssyncset.s32 @!p0 $0xFFFFF086;
	s6 =	sadd.s32 @!p0 s3, s7;
	s7 =	simm.s32 @!p0 $0x108  }
0x21: {  	s3 =	sadd.s32 s3, s9;
	s6 =	sadd.s32 @!p0 $0x88, s6;
	s7 =	simm.s32 @p2 $0x1082  }
0x22: {  	[simem:s7], [sflag:s8] =	dma.local @!p0 [hbm:s6], $0xF7A  }
0x23: {  	s9 =	sor.u32 $0xD0000000, s2;
	s6 =	simm.s32 $0x108;
	_ =	swait.ge @!p0 [sflag:s8], $0x0  }
0x24: {  	s3 =	sadd.s32 $0x88, s3;
	s6 =	simm.s32 @!p1 $0x1082;
	[sflag:s4] =	ssyncset.s32 $0xFFFFF086  }
0x25: {  	[simem:s6], [sflag:s4] =	dma.local [hbm:s3], $0xF7A  }
0x26: {  	[smem:$0x3F95] =	sst s1;
	(tag) =	ssettag s2;
	_ =	strace s9  }
0x27: {  	s1 =	sld [smem:$0x3FA5]  }
0x28: {  	s2 =	sld [smem:$0x3FA6]  }
0x29: {  	s4 =	sld [smem:$0x3FA8]  }
0x2a: {  	p0 =	seq.s32 s5, $0x0;
	s5 =	sld [smem:$0x3FA9]  }
0x2b: {  	s6 =	sld [smem:$0x3FAA]  }
0x2c: {  	s7 =	sld [smem:$0x3FAB]  }
0x2d: {  	s3 =	simm.s32 $0x108;
	s8 =	sld [smem:$0x3FAC]  }
0x2e: {  	s3 =	simm.s32 @!p0 $0x1082;
	s9 =	sld [smem:$0x3FAD]  }
0x2f: {  	lr =	sadd.s32 s0, s3;
	s0 =	sld [smem:$0x3FA4]  }
0x30: {  	s3 =	sld [smem:$0x3FA7]  }
0x31: {  	[smem:$0x3FB0] =	sst s10  }
0x32: {  	s10 =	sld [smem:$0x3FAE];
	_ =	sdelay $0x3  }
0x33: {  	p0 =	seq.s32 s10, $0x1;
	s10 =	sld [smem:$0x3FB0];
	_ =	sdelay $0x3  }
0x34: {  	[smem:$0x3FB0] =	sst s10  }
0x35: {  	s10 =	sld [smem:$0x3FAF];
	_ =	sdelay $0x3  }
0x36: {  	p1 =	seq.s32 s10, $0x1;
	s10 =	sld [smem:$0x3FB0];
	_ =	sdelay $0x3  }
0x37: {  	[smem:$0x3FB0] =	sst s10  }
0x38: {  	s10 =	sld [smem:$0x3FB1]  }
0x39: {  	_ = 	snop;
	(pc) =	sbr.ind lr, $3  }
0x3a: {  	_ = 	snop  }
0x3b: {  	_ = 	snop  }
0x3c: {  	p2 =	seq.s32 s10, $0x1;
	s10 =	sld [smem:$0x3FB0]  }
0x3d: {  	_ =	shalt  }
0x3e: {  	_ =	shalt  }
0x3f: {  	_ =	shalt  }
0x40: {  	_ =	shalt  }
0x41: {  	_ =	shalt  }
0x42: {  	_ =	shalt  }
0x43: {  	_ =	shalt  }
0x44: {  	_ =	shalt  }
0x45: {  	_ =	shalt  }
0x46: {  	_ =	shalt  }
0x47: {  	_ =	shalt  }
0x48: {  	_ =	shalt  }
0x49: {  	_ =	shalt  }
0x4a: {  	_ =	shalt  }
0x4b: {  	_ =	shalt  }
0x4c: {  	_ =	shalt  }
0x4d: {  	_ =	shalt  }
0x4e: {  	_ =	shalt  }
0x4f: {  	_ =	shalt  }
0x50: {  	_ =	shalt  }
0x51: {  	_ =	shalt  }
0x52: {  	_ =	shalt  }
0x53: {  	_ =	shalt  }
0x54: {  	_ =	shalt  }
0x55: {  	_ =	shalt  }
0x56: {  	_ =	shalt  }
0x57: {  	_ =	shalt  }
0x58: {  	_ =	shalt  }
0x59: {  	_ =	shalt  }
0x5a: {  	_ =	shalt  }
0x5b: {  	_ =	shalt  }
0x5c: {  	_ =	shalt  }
0x5d: {  	_ =	shalt  }
0x5e: {  	_ =	shalt  }
0x5f: {  	_ =	shalt  }
0x60: {  	_ =	shalt  }
0x61: {  	_ =	shalt  }
0x62: {  	_ =	shalt  }
0x63: {  	_ =	shalt  }
0x64: {  	_ =	shalt  }
0x65: {  	_ =	shalt  }
0x66: {  	_ =	shalt  }
0x67: {  	_ =	shalt  }
0x68: {  	_ =	shalt  }
0x69: {  	_ =	shalt  }
0x6a: {  	_ =	shalt  }
0x6b: {  	_ =	shalt  }
0x6c: {  	_ =	shalt  }
0x6d: {  	_ =	shalt  }
0x6e: {  	_ =	shalt  }
0x6f: {  	_ =	shalt  }
0x70: {  	_ =	shalt  }
0x71: {  	_ =	shalt  }
0x72: {  	_ =	shalt  }
0x73: {  	_ =	shalt  }
0x74: {  	_ =	shalt  }
0x75: {  	_ =	shalt  }
0x76: {  	_ =	shalt  }
0x77: {  	_ =	shalt  }
0x78: {  	_ =	shalt  }
0x79: {  	_ =	shalt  }
0x7a: {  	_ =	shalt  }
0x7b: {  	_ =	shalt  }
0x7c: {  	_ =	shalt  }
0x7d: {  	_ =	shalt  }
0x7e: {  	_ =	shalt  }
0x7f: {  	_ =	shalt  }
0x80: {  	_ =	shalt  }
0x81: {  	_ =	shalt  }
0x82: {  	_ =	shalt  }
0x83: {  	_ =	shalt  }
0x84: {  	_ =	shalt  }
0x85: {  	_ =	shalt  }
0x86: {  	_ =	shalt  }
0x87: {  	_ =	shalt  }
.Lfunc_end0:
.L_simem_size_0:
called_computation.1_lowered:
.L_overlay_start_0:
0x88: {  	s2 =	sld [smem:$0x3FD9]  }
0x89: {  	s3 =	sld [smem:$0x3FFE];
	_ =	sdelay $0x1  }
0x8a: {  	s1 =	srdreg.scid  }
0x8b: {  	s0 =	sand.u32 $0x1, s1  }
0x8c: {  	s17 =	sshll.u32 s0, $0xA;
	s2 =	sadd.s32 s3, s2  }
0x8d: {  	s2 =	sadd.s32 s2, s17  }
0x8e: {  	[smem:$0x3FBC] =	sst s2  }
0x8f: {  	_ = 	snop  }
0x90: {  	s2 =	sld [smem:$0x3FD0];
	(tm) =	ssettm $0x1  }
0x91: {  	s18 =	sld [smem:$0x3FFB];
	_ =	sdelay $0x3  }
0x92: {  	_ =	strace s18  }
0x93: {  	s3 =	sld [smem:$0x3FFC];
	_ =	sdelay $0x3  }
0x94: {  	_ =	strace s3  }
0x95: {  	s3 =	sld [smem:$0x3FFD];
	_ =	sdelay $0x3  }
0x96: {  	_ =	strace s3  }
0x97: {  	_ =	strace $0x8FFFFFFF  }
0x98: {  	s19 =	sld [smem:$0x3FDB];
	_ =	sdelay $0x1  }
0x99: {  	s4 =	simm.s32 $_scs_section_size  }
0x9a: {  	s5 =	simm.s32 $_size__tile_overlayer_lowered;
	s6 =	simm.s32 $_tile_overlayer_lowered  }
0x9b: {  	s22 =	simm.s32 $0x1BFF;
	s21 =	sshll.u32 s6, $0x1;
	s3 =	sadd.s32 s4, s19  }
0x9c: {  	s7 =	simm.s32 $0x0;
	s20 =	sshll.u32 s5, $0x1;
	s5 =	sadd.s32 s21, s3  }
0x9d: {  	[timem:s7], [sflag:s22] =	dma.local [hbm:s5], s20  }
0x9e: {  	_ =	swait.ge [sflag:s22], s20  }
0x9f: {  	s4 =	ssub.s32 $0x0, s20;
	[sflag:s22] =	ssyncset.done $0x0  }
0xa0: {  	[sflag:s22] =	ssyncadd.s32 s4;
	_ =	sdelay $0x1  }
0xa1: {  	s23 =	simm.s32 $0x1B8B  }
0xa2: {  	_ =	swait.ge [sflag:s23], $0x1  }
0xa3: {  	[sflag:s23] =	ssyncset.done $0x0  }
0xa4: {  	s25 =	simm.s32 $0x1B8E;
	s24 =	sld [smem:$0x3FFE];
	[sflag:s23] =	ssyncadd.s32 $0xFFFFFFFF  }
0xa5: {  	s26 =	simm.s32 $execute0_lowered;
	[smem:$0x3FD2] =	sst s25  }
0xa6: {  	s5 =	sshll.u32 s26, $0x1;
	_ =	strace $0x80000046;
	[dreg:$0x1] =	wrdreg $0xFFFFFFFF  }
0xa7: {  	s28 =	simm.s32 $_size_execute0_lowered;
	s3 =	sadd.s32 s3, s5;
	[dreg:$0x0] =	wrdreg $0x0  }
0xa8: {  	s5 =	sshll.u32 s28, $0x1;
	[dreg:$0x2] =	wrdreg s3  }
0xa9: {  	[dreg:$0x3] =	wrdreg s5  }
0xaa: {  	[dreg:$0x4] =	wrdreg $0xC0  }
0xab: {  	_ =	task [dreg:s7], $0x5FFFF  }
0xac: {  	[dreg:$0x1] =	wrdreg $0xFFFFFFFF  }
0xad: {  	[dreg:$0x0] =	wrdreg $0x60  }
0xae: {  	[dreg:$0x2] =	wrdreg s24  }
0xaf: {  	[dreg:$0x3] =	wrdreg s2  }
0xb0: {  	[dreg:$0x4] =	wrdreg $0x150000  }
0xb1: {  	[dreg:$0x5] =	wrdreg $0xA  }
0xb2: {  	_ =	task.clear_ibuf [dreg:s7], $0x6FFFF;
	_ =	strace $0x90000046  }
0xb3: {  	s29 =	simm.s32 $0xA;
	_ =	strace $0x80000048  }
0xb4: {  	_ =	swait.ge [sflag:s29], $0x1  }
0xb5: {  	[sflag:s29] =	ssyncadd.s32 $0xFFFFFFFF  }
0xb6: {  	_ =	strace $0x90000048  }
0xb7: {  	_ =	sfence  }
0xb8: {  	s30 =	sld [smem:$0x0];
	_ =	sdelay $0x2  }
0xb9: {  	s31 =	sshll.u32 s1, $0xD;
	s1 =	sshrl.u32 s1, $0x2  }
0xba: {  	s3 =	sand.u32 $0x4000, s31;
	s1 =	sadd.s32 s1, s30  }
0xbb: {  	s0 =	sor.u32 s3, s0;
	s1 =	sshll.u32 s1, $0x11  }
0xbc: {  	s0 =	sor.u32 s1, s0  }
0xbd: {  	s0 =	sadd.s32 $0x8F2B, s0  }
0xbe: {  	[sflag:s0] =	ssyncadd.remote.s32 $0x1  }
0xbf: {  	_ =	sfence.sel $0xFFFF  }
0xc0: {  	[dreg:$0x0] =	wrdreg $0xFFFFFFFF;
	(pc) =	sbr.abs _section_cstart, $3  }
0xc1: {  	[dreg:$0x1] =	wrdreg $0xFFFFFFFF  }
0xc2: {  	_ =	task.clear_ibuf [dreg:s7], $0x2FFFF;
	_ =	strace $0x9FFFFFFF  }
0xc3: {  	(tm) =	ssettm $0x7FFFFFFF  }
tec
execute0_lowered:
.L_overlay_start_1:
0x0: {  	(tag) =	ssettag $0x1  }
0x1: {  	s0 =	rddreg [dreg:$0x0]  }
0x2: {  	s1 =	srdreg.scid;
	s3 =	rddreg [dreg:$0x1]  }
0x3: {  	s10 =	stileid.u32;
	s4 =	rddreg [dreg:$0x2]  }
0x4: {  	s5 =	simm.s32 $0x0;
	s14 =	simm.s32 $0x5000;
	s15 =	simm.s32 $0x5  }
0x5: {  	s16 =	simm.s32 $0x2800;
	s17 =	simm.s32 $0x80;
	s18 =	simm.s32 $0x9000  }
0x6: {  	s19 =	simm.s32 $0x100;
	s28 =	simm.s32 $0x2780;
	s6 =	smul.u32 $0x140, s10  }
0x7: {  	s29 =	simm.s32 $0x4E00;
	s30 =	simm.s32 $0x4E80;
	s9 =	smul.u32 $0x29000, s10  }
0x8: {  	s31 =	simm.s32 $0x4F00;
	s2 =	sand.u32 $0x1, s1;
	s12 =	smul.u32 $0x28000, s10  }
0x9: {  	[smem:$0x7FF] =	sst s5;
	s10 =	smul.u32 $0xA0, s10;
	s11 =	sadd.s32 $0xA000, s3  }
0xa: {  	s8 =	smul.u32 $0x1400, s2;
	_ =	strace $0x80000047;
	s2 =	ssub.s32 $0x2, s2  }
0xb: {  	s20 =	sshrl.u32 s9, $0x2;
	s21 =	sshrl.u32 s2, $0x1;
	s24 =	sshrl.u32 s12, $0x2  }
0xc: {  	s7 =	sadd.s32 s6, s8;
	s6 =	sadd.s32 $0x3200, s0;
	s2 =	ssub.s32 s2, s21  }
0xd: {  	s9 =	sadd.s32 s24, s4;
	s21 =	simm.s32 $0x11000;
	s7 =	sshll.u32 s7, $0x4  }
0xe: {  	s25 =	smax.u32 s2, $0x1;
	s26 =	sshrl.u32 s9, $0x3;
	s2 =	simm.s32 $0x4F80  }
0xf: {  	s0 =	sadd.s32 s7, s0;
	s7 =	sadd.s32 s20, s4;
	[dreg:$0x7] =	wrdreg s25  }
0x10: {  	s20 =	simm.s32 $0xD000;
	[dreg:$0x8] =	wrdreg s26;
	s22 =	sadd.s32 $0x4000, s7  }
0x11: {  	s25 =	simm.s32 $0x3;
	s23 =	sadd.s32 $0x8000, s7;
	[dreg:$0x4] =	wrdreg s22  }
0x12: {  	s26 =	simm.s32 $0x4;
	s0 =	sadd.s32 $0x2B200, s0;
	[dreg:$0x5] =	wrdreg s23  }
0x13: {  	v1 =	vimm.f32 $0.0e+00;
	v0 =	vmov s8;
	[dreg:$0x6] =	wrdreg s0;
	s22 =	simm.s32 $0x1;
	s23 =	simm.s32 $0x2  }
.LBB2_1:
0x14: {  	s0 =	simm.s32 $0x0;
	s8 =	simm.s32 $0x200  }
.LBB2_2:
0x15: {  	p0 =	sne.s32 s8, $0xFE00;
	[tilespmem:s0+$0x5070] =	vst v1  }
0x16: {  	[tilespmem:s0+$0x5000] =	vst v1  }
0x17: {  	[tilespmem:s0+$0x5010] =	vst v1  }
.Ltmp0:
0x18: {  	[tilespmem:s0+$0x5020] =	vst v1;
	(pc) =	sbr.rel @p0 .LBB2_2-.Ltmp0, $4  }
0x19: {  	[tilespmem:s0+$0x5030] =	vst v1  }
0x1a: {  	[tilespmem:s0+$0x5040] =	vst v1  }
0x1b: {  	[tilespmem:s0+$0x5050] =	vst v1  }
0x1c: {  	[tilespmem:s0+$0x5060] =	vst v1;
	s0 =	sshra.s32 s8, $0x2;
	s8 =	sadd.s32 $0x200, s8  }
0x1d: {  	[tilespmem:s0+$0x5070] =	vst v1  }
0x1e: {  	[tilespmem:s0+$0x5000] =	vst v1  }
0x1f: {  	[tilespmem:s0+$0x5010] =	vst v1  }
0x20: {  	[tilespmem:s0+$0x5020] =	vst v1  }
0x21: {  	[tilespmem:s0+$0x5030] =	vst v1  }
0x22: {  	[tilespmem:s0+$0x5040] =	vst v1  }
0x23: {  	[tilespmem:s0+$0x5050] =	vst v1  }
0x24: {  	[tilespmem:s0+$0x5060] =	vst v1  }
0x25: {  	[spmem:s7] =	stream.linear.scatter [tilespmem:s14], [sflag:$0x5], $0x4000, $0x38;
	[tilespmem:$0x1F400] =	vst v63  }
0x26: {  	_ =	swait.ge [sflag:s15], $0x4000  }
0x27: {  	[sflag:s15] =	ssyncset.done $0x0  }
0x28: {  	s13 =	rddreg [dreg:$0x4];
	[sflag:s15] =	ssyncadd.s32 $0xFFFFC000  }
0x29: {  	[spmem:s13] =	stream.linear.scatter [tilespmem:s14], [sflag:$0x5], $0x4000, $0x38;
	[tilespmem:$0x1F400] =	vst v63  }
0x2a: {  	_ =	swait.ge [sflag:s15], $0x4000  }
0x2b: {  	[sflag:s15] =	ssyncset.done $0x0  }
0x2c: {  	s24 =	rddreg [dreg:$0x5];
	[sflag:s15] =	ssyncadd.s32 $0xFFFFC000  }
0x2d: {  	[spmem:s24] =	stream.linear.scatter [tilespmem:s14], [sflag:$0x5], $0x2400, $0x38;
	[tilespmem:$0x1F400] =	vst v63  }
0x2e: {  	_ =	swait.ge [sflag:s15], $0x2400  }
0x2f: {  	[sflag:s15] =	ssyncset.done $0x0  }
0x30: {  	s0 =	simm.s32 $0x0;
	[sflag:s15] =	ssyncadd.s32 $0xFFFFDC00  }
0x31: {  	p1 =	por $0x1, $0x1;
	s8 =	simm.s32 $0x0;
	[bflag:$0x0] =	sbarrier.arrive $0xFFFF  }
.LBB2_4:
0x32: {  	s8 =	sadd.s32 s1, s8  }
0x33: {  	s8 =	sand.u32 $0x1, s8  }
0x34: {  	p0 =	seq.s32 s8, $0x1;
	s8 =	simm.s32 $0x50  }
0x35: {  	s8 =	simm.s32 @!p0 $0x0  }
0x36: {  	s8 =	sadd.s32 s10, s8  }
0x37: {  	s8 =	sshll.u32 s8, $0x4  }
0x38: {  	s9 =	sadd.s32 s3, s8  }
0x39: {  	[tilespmem:s0], [sflag:$0x5] =	stream.linear.gather [hbm4b:s9+s0], $0x2800, $0x38;
	[tilespmem:$0x1F400] =	vst v63  }
0x3a: {  	_ =	swait.ge [sflag:s15], $0x2800  }
0x3b: {  	[sflag:s15] =	ssyncset.done $0x0  }
0x3c: {  	s8 =	sadd.s32 s8, s11;
	[sflag:s15] =	ssyncadd.s32 $0xFFFFD800  }
0x3d: {  	[tilespmem:s16], [sflag:$0x5] =	stream.linear.gather [hbm4b:s8+s0], $0x2800, $0x38;
	[tilespmem:$0x1F400] =	vst v63  }
0x3e: {  	_ =	swait.ge [sflag:s15], $0x2800  }
0x3f: {  	[sflag:s15] =	ssyncset.done $0x0  }
0x40: {  	s8 =	simm.s32 $0x0;
	[sflag:s15] =	ssyncadd.s32 $0xFFFFD800  }
0x41: {  	v2 =	vld [tilespmem:s8+$0x2800]  }
0x42: {  	v3 =	vld [tilespmem:s8+$0x2810];
	_ =	sdelay $0x2  }
0x43: {  	v4 =	vld [tilespmem:s8+$0x2820]  }
0x44: {  	v9 =	vld [tilespmem:s8+$0x2830]  }
0x45: {  	v5 =	vsub.s32 v2, v0;
	v2 =	vand.u32 $0x7F, v2;
	v7 =	vsub.s32 v3, v0  }
0x46: {  	v6 =	vld [tilespmem:s8+$0x2840];
	v3 =	vand.u32 $0x7F, v3;
	vm0 =	vlt.u32 v5, $0x1400;
	v2 =	vor.u32 $0x1400, v2  }
0x47: {  	v5 =	vsel vm0, v5, v2;
	vm0 =	vlt.u32 v7, $0x1400;
	v2 =	vor.u32 $0x1400, v3  }
0x48: {  	v3 =	vsel vm0, v7, v2;
	v7 =	vsub.s32 v4, v0;
	v2 =	vand.u32 $0x7F, v4;
	v4 =	vld [tilespmem:s8+$0x2850]  }
0x49: {  	v8 =	vsub.s32 v9, v0;
	vm0 =	vlt.u32 v7, $0x1400;
	v10 =	vor.u32 $0x1400, v2;
	v2 =	vld [tilespmem:s8+$0x2860]  }
0x4a: {  	p0 =	por p1, p1;
	s9 =	simm.s32 $0x200;
	v9 =	vand.u32 $0x7F, v9;
	v7 =	vsel vm0, v7, v10;
	vm0 =	vlt.u32 v8, $0x1400  }
.LBB2_5:
0x4b: {  	p1 =	sne.s32 s9, $0x9E00;
	v9 =	vor.u32 $0x1400, v9;
	v10 =	vsub.s32 v6, v0;
	v6 =	vand.u32 $0x7F, v6;
	v11 =	vld [tilespmem:s8+$0x2870]  }
0x4c: {  	s12 =	sshra.s32 s9, $0x2;
	[tilespmem:s8+$0x2800] =	vst v5;
	v5 =	vsel vm0, v8, v9;
	vm0 =	vlt.u32 v10, $0x1400;
	v6 =	vor.u32 $0x1400, v6  }
0x4d: {  	v8 =	vld [tilespmem:s12+$0x2800];
	[tilespmem:s8+$0x2810] =	vst v3;
	v3 =	vsel vm0, v10, v6;
	v6 =	vsub.s32 v4, v0;
	v4 =	vand.u32 $0x7F, v4  }
0x4e: {  	[tilespmem:s8+$0x2820] =	vst v7;
	vm0 =	vlt.u32 v6, $0x1400;
	v4 =	vor.u32 $0x1400, v4;
	v7 =	vsub.s32 v2, v0  }
0x4f: {  	v2 =	vand.u32 $0x7F, v2;
	v9 =	vld [tilespmem:s12+$0x2810];
	[tilespmem:s8+$0x2830] =	vst v5;
	v4 =	vsel vm0, v6, v4;
	vm0 =	vlt.u32 v7, $0x1400  }
0x50: {  	v2 =	vor.u32 $0x1400, v2;
	[tilespmem:s8+$0x2840] =	vst v3;
	v3 =	vsub.s32 v11, v0;
	v5 =	vand.u32 $0x7F, v11  }
0x51: {  	v2 =	vsel vm0, v7, v2;
	v10 =	vld [tilespmem:s12+$0x2820];
	[tilespmem:s8+$0x2850] =	vst v4;
	vm0 =	vlt.u32 v3, $0x1400;
	v4 =	vor.u32 $0x1400, v5  }
0x52: {  	v5 =	vsub.s32 v8, v0;
	v11 =	vld [tilespmem:s12+$0x2830];
	[tilespmem:s8+$0x2860] =	vst v2;
	v2 =	vsel vm0, v3, v4  }
0x53: {  	v3 =	vand.u32 $0x7F, v8;
	vm0 =	vlt.u32 v5, $0x1400;
	[tilespmem:s8+$0x2870] =	vst v2;
	s8 =	smov.u32 s12  }
.Ltmp1:
0x54: {  	v2 =	vor.u32 $0x1400, v3;
	v3 =	vsub.s32 v9, v0;
	v4 =	vand.u32 $0x7F, v9;
	v6 =	vld [tilespmem:s8+$0x2840];
	(pc) =	sbr.rel @p1 .LBB2_5-.Ltmp1, $4  }
0x55: {  	v5 =	vsel vm0, v5, v2;
	vm0 =	vlt.u32 v3, $0x1400;
	v2 =	vor.u32 $0x1400, v4  }
0x56: {  	v3 =	vsel vm0, v3, v2;
	v7 =	vsub.s32 v10, v0;
	v2 =	vand.u32 $0x7F, v10;
	v4 =	vld [tilespmem:s8+$0x2850]  }
0x57: {  	vm0 =	vlt.u32 v7, $0x1400;
	v9 =	vor.u32 $0x1400, v2;
	v8 =	vsub.s32 v11, v0;
	v2 =	vld [tilespmem:s8+$0x2860]  }
0x58: {  	s9 =	sadd.s32 $0x200, s9;
	v7 =	vsel vm0, v7, v9;
	vm0 =	vlt.u32 v8, $0x1400;
	v9 =	vand.u32 $0x7F, v11  }
0x59: {  	v9 =	vor.u32 $0x1400, v9;
	v10 =	vsub.s32 v6, v0;
	v57 =	vand.u32 $0x7F, v6;
	v11 =	vld [tilespmem:s8+$0x2870]  }
0x5a: {  	[tilespmem:s8+$0x2800] =	vst v5;
	v58 =	vsel vm0, v8, v9;
	vm12 =	vlt.u32 v10, $0x1400;
	v6 =	vor.u32 $0x1400, v57  }
0x5b: {  	[tilespmem:s8+$0x2810] =	vst v3;
	v3 =	vsel vm12, v10, v6;
	v59 =	vsub.s32 v4, v0;
	v60 =	vand.u32 $0x7F, v4  }
0x5c: {  	[tilespmem:s8+$0x2820] =	vst v7;
	vm13 =	vlt.u32 v59, $0x1400;
	v4 =	vor.u32 $0x1400, v60;
	v61 =	vsub.s32 v2, v0  }
0x5d: {  	[tilespmem:s8+$0x2830] =	vst v58;
	v2 =	vand.u32 $0x7F, v2;
	v4 =	vsel vm13, v59, v4;
	vm14 =	vlt.u32 v61, $0x1400  }
0x5e: {  	[tilespmem:s8+$0x2840] =	vst v3;
	v2 =	vor.u32 $0x1400, v2;
	v3 =	vsub.s32 v11, v0;
	v62 =	vand.u32 $0x7F, v11  }
0x5f: {  	[tilespmem:s8+$0x2850] =	vst v4;
	v2 =	vsel vm14, v61, v2;
	vm15 =	vlt.u32 v3, $0x1400;
	v63 =	vor.u32 $0x1400, v62  }
0x60: {  	[tilespmem:s8+$0x2860] =	vst v2;
	v2 =	vsel vm15, v3, v63  }
0x61: {  	s24 =	simm.s32 $0x0;
	[tilespmem:s8+$0x2870] =	vst v2  }
0x62: {  	[tilespmem:s14], [sflag:$0x1] =	stream.indirect.gather [hbm4b:s6+s17], $0x80, s24, s17, $0xb8;
	[tilespmem:$0x1F400] =	vst v63  }
0x63: {  	_ = 	snop  }
0x64: {  	[tilespmem:s18], [sflag:$0x2] =	stream.indirect.gather [hbm4b:s6+s17], $0x80, s17, s17, $0xb8;
	[tilespmem:$0x1F400] =	vst v63  }
0x65: {  	_ = 	snop  }
0x66: {  	[tilespmem:s20], [sflag:$0x3] =	stream.indirect.gather [hbm4b:s6+s17], $0x80, s19, s17, $0xb8;
	[tilespmem:$0x1F400] =	vst v63  }
0x67: {  	s9 =	simm.s32 $0x180  }
0x68: {  	[tilespmem:s21], [sflag:$0x4] =	stream.indirect.gather [hbm4b:s6+s17], $0x80, s9, s17, $0xb8;
	[tilespmem:$0x1F400] =	vst v63  }
0x69: {  	_ =	swait.ge [sflag:s22], $0x4000  }
0x6a: {  	[sflag:s22] =	ssyncset.done $0x0  }
0x6b: {  	s12 =	simm.s32 $0x2800;
	[sflag:s22] =	ssyncadd.s32 $0xFFFFC000  }
0x6c: {  	[spmem:s4] =	stream.indirect.scatter.add.f32 [tilespmem:s14], [sflag:$0x5], $0x80, s12, s17, $0xb8;
	[tilespmem:$0x1F400] =	vst v63  }
0x6d: {  	_ =	swait.ge [sflag:s15], $0x4000  }
0x6e: {  	[sflag:s15] =	ssyncset.done $0x0  }
0x6f: {  	s13 =	simm.s32 $0x200;
	[sflag:s15] =	ssyncadd.s32 $0xFFFFC000  }
0x70: {  	[tilespmem:s14], [sflag:$0x1] =	stream.indirect.gather [hbm4b:s6+s17], $0x80, s13, s17, $0xb8;
	[tilespmem:$0x1F400] =	vst v63  }
0x71: {  	_ =	swait.ge [sflag:s23], $0x4000  }
0x72: {  	[sflag:s23] =	ssyncset.done $0x0  }
0x73: {  	s24 =	simm.s32 $0x2880;
	[sflag:s23] =	ssyncadd.s32 $0xFFFFC000  }
0x74: {  	[spmem:s4] =	stream.indirect.scatter.add.f32 [tilespmem:s18], [sflag:$0x5], $0x80, s24, s17, $0xb8;
	[tilespmem:$0x1F400] =	vst v63  }
0x75: {  	_ =	swait.ge [sflag:s15], $0x4000  }
0x76: {  	[sflag:s15] =	ssyncset.done $0x0  }
0x77: {  	s9 =	simm.s32 $0x280;
	[sflag:s15] =	ssyncadd.s32 $0xFFFFC000  }
0x78: {  	[tilespmem:s18], [sflag:$0x2] =	stream.indirect.gather [hbm4b:s6+s17], $0x80, s9, s17, $0xb8;
	[tilespmem:$0x1F400] =	vst v63  }
0x79: {  	_ =	swait.ge [sflag:s25], $0x4000  }
0x7a: {  	[sflag:s25] =	ssyncset.done $0x0  }
0x7b: {  	s12 =	simm.s32 $0x2900;
	[sflag:s25] =	ssyncadd.s32 $0xFFFFC000  }
0x7c: {  	[spmem:s4] =	stream.indirect.scatter.add.f32 [tilespmem:s20], [sflag:$0x5], $0x80, s12, s17, $0xb8;
	[tilespmem:$0x1F400] =	vst v63  }
0x7d: {  	_ =	swait.ge [sflag:s15], $0x4000  }
0x7e: {  	[sflag:s15] =	ssyncset.done $0x0  }
0x7f: {  	s13 =	simm.s32 $0x300;
	[sflag:s15] =	ssyncadd.s32 $0xFFFFC000  }
0x80: {  	[tilespmem:s20], [sflag:$0x3] =	stream.indirect.gather [hbm4b:s6+s17], $0x80, s13, s17, $0xb8;
	[tilespmem:$0x1F400] =	vst v63  }
0x81: {  	_ =	swait.ge [sflag:s26], $0x4000  }
0x82: {  	[sflag:s26] =	ssyncset.done $0x0  }
0x83: {  	s24 =	simm.s32 $0x2980;
	[sflag:s26] =	ssyncadd.s32 $0xFFFFC000  }
0x84: {  	[spmem:s4] =	stream.indirect.scatter.add.f32 [tilespmem:s21], [sflag:$0x5], $0x80, s24, s17, $0xb8;
	[tilespmem:$0x1F400] =	vst v63  }
0x85: {  	_ =	swait.ge [sflag:s15], $0x4000  }
0x86: {  	s8 =	simm.s32 $0x200;
	s9 =	simm.s32 $0x1000;
	[sflag:s15] =	ssyncset.done $0x0  }
.LBB2_7:
0x87: {  	s24 =	sadd.s32 $0x180, s8  }
0x88: {  	[sflag:s15] =	ssyncadd.s32 $0xFFFFC000;
	s12 =	smov.u32 s9;
	s13 =	sadd.s32 $0x800, s9  }
0x89: {  	[tilespmem:s21], [sflag:$0x4] =	stream.indirect.gather [hbm4b:s6+s17], $0x80, s24, s17, $0xb8;
	[tilespmem:$0x1F400] =	vst v63  }
0x8a: {  	p1 =	sne.s32 s9, $0x9000;
	_ =	swait.ge [sflag:s22], $0x4000  }
0x8b: {  	[sflag:s22] =	ssyncset.done $0x0  }
0x8c: {  	s9 =	sadd.s32 $0x2800, s8;
	[sflag:s22] =	ssyncadd.s32 $0xFFFFC000  }
0x8d: {  	[spmem:s4] =	stream.indirect.scatter.add.f32 [tilespmem:s14], [sflag:$0x5], $0x80, s9, s17, $0xb8;
	[tilespmem:$0x1F400] =	vst v63  }
0x8e: {  	_ =	swait.ge [sflag:s15], $0x4000  }
0x8f: {  	[sflag:s15] =	ssyncset.done $0x0  }
0x90: {  	s9 =	sadd.s32 $0x200, s8;
	[sflag:s15] =	ssyncadd.s32 $0xFFFFC000  }
0x91: {  	[tilespmem:s14], [sflag:$0x1] =	stream.indirect.gather [hbm4b:s6+s17], $0x80, s9, s17, $0xb8;
	[tilespmem:$0x1F400] =	vst v63  }
0x92: {  	_ =	swait.ge [sflag:s23], $0x4000  }
0x93: {  	[sflag:s23] =	ssyncset.done $0x0  }
0x94: {  	s9 =	sadd.s32 $0x2880, s8;
	[sflag:s23] =	ssyncadd.s32 $0xFFFFC000  }
0x95: {  	[spmem:s4] =	stream.indirect.scatter.add.f32 [tilespmem:s18], [sflag:$0x5], $0x80, s9, s17, $0xb8;
	[tilespmem:$0x1F400] =	vst v63  }
0x96: {  	_ =	swait.ge [sflag:s15], $0x4000  }
0x97: {  	[sflag:s15] =	ssyncset.done $0x0  }
0x98: {  	s9 =	sadd.s32 $0x280, s8;
	[sflag:s15] =	ssyncadd.s32 $0xFFFFC000  }
0x99: {  	[tilespmem:s18], [sflag:$0x2] =	stream.indirect.gather [hbm4b:s6+s17], $0x80, s9, s17, $0xb8;
	[tilespmem:$0x1F400] =	vst v63  }
0x9a: {  	_ =	swait.ge [sflag:s25], $0x4000  }
0x9b: {  	[sflag:s25] =	ssyncset.done $0x0  }
0x9c: {  	s9 =	sadd.s32 $0x2900, s8;
	[sflag:s25] =	ssyncadd.s32 $0xFFFFC000  }
0x9d: {  	[spmem:s4] =	stream.indirect.scatter.add.f32 [tilespmem:s20], [sflag:$0x5], $0x80, s9, s17, $0xb8;
	[tilespmem:$0x1F400] =	vst v63  }
0x9e: {  	_ =	swait.ge [sflag:s15], $0x4000  }
0x9f: {  	[sflag:s15] =	ssyncset.done $0x0  }
0xa0: {  	s9 =	sadd.s32 $0x300, s8;
	[sflag:s15] =	ssyncadd.s32 $0xFFFFC000  }
0xa1: {  	[tilespmem:s20], [sflag:$0x3] =	stream.indirect.gather [hbm4b:s6+s17], $0x80, s9, s17, $0xb8;
	[tilespmem:$0x1F400] =	vst v63  }
0xa2: {  	_ =	swait.ge [sflag:s26], $0x4000  }
.Ltmp2:
0xa3: {  	[sflag:s26] =	ssyncset.done $0x0;
	(pc) =	sbr.rel @p1 .LBB2_7-.Ltmp2, $4  }
0xa4: {  	s8 =	sadd.s32 $0x2980, s8;
	[sflag:s26] =	ssyncadd.s32 $0xFFFFC000  }
0xa5: {  	[spmem:s4] =	stream.indirect.scatter.add.f32 [tilespmem:s21], [sflag:$0x5], $0x80, s8, s17, $0xb8;
	[tilespmem:$0x1F400] =	vst v63  }
0xa6: {  	_ =	swait.ge [sflag:s15], $0x4000  }
0xa7: {  	s9 =	smov.u32 s13;
	s8 =	sshra.s32 s12, $0x2;
	[sflag:s15] =	ssyncset.done $0x0  }
0xa8: {  	s9 =	sadd.s32 $0x180, s8;
	[sflag:s15] =	ssyncadd.s32 $0xFFFFC000  }
0xa9: {  	[tilespmem:s21], [sflag:$0x4] =	stream.indirect.gather [hbm4b:s6+s17], $0x80, s9, s17, $0xb8;
	[tilespmem:$0x1F400] =	vst v63  }
0xaa: {  	_ =	swait.ge [sflag:s22], $0x4000  }
0xab: {  	[sflag:s22] =	ssyncset.done $0x0  }
0xac: {  	s24 =	sadd.s32 $0x2800, s8;
	[sflag:s22] =	ssyncadd.s32 $0xFFFFC000  }
0xad: {  	[spmem:s4] =	stream.indirect.scatter.add.f32 [tilespmem:s14], [sflag:$0x5], $0x80, s24, s17, $0xb8;
	[tilespmem:$0x1F400] =	vst v63  }
0xae: {  	_ =	swait.ge [sflag:s15], $0x4000  }
0xaf: {  	[sflag:s15] =	ssyncset.done $0x0  }
0xb0: {  	s12 =	sadd.s32 $0x200, s8;
	[sflag:s15] =	ssyncadd.s32 $0xFFFFC000  }
0xb1: {  	[tilespmem:s14], [sflag:$0x1] =	stream.indirect.gather [hbm4b:s6+s17], $0x80, s12, s17, $0xb8;
	[tilespmem:$0x1F400] =	vst v63  }
0xb2: {  	_ =	swait.ge [sflag:s23], $0x4000  }
0xb3: {  	[sflag:s23] =	ssyncset.done $0x0  }
0xb4: {  	s13 =	sadd.s32 $0x2880, s8;
	[sflag:s23] =	ssyncadd.s32 $0xFFFFC000  }
0xb5: {  	[spmem:s4] =	stream.indirect.scatter.add.f32 [tilespmem:s18], [sflag:$0x5], $0x80, s13, s17, $0xb8;
	[tilespmem:$0x1F400] =	vst v63  }
0xb6: {  	_ =	swait.ge [sflag:s15], $0x4000  }
0xb7: {  	[sflag:s15] =	ssyncset.done $0x0  }
0xb8: {  	s24 =	sadd.s32 $0x280, s8;
	[sflag:s15] =	ssyncadd.s32 $0xFFFFC000  }
0xb9: {  	[tilespmem:s18], [sflag:$0x2] =	stream.indirect.gather [hbm4b:s6+s17], $0x80, s24, s17, $0xb8;
	[tilespmem:$0x1F400] =	vst v63  }
0xba: {  	_ =	swait.ge [sflag:s25], $0x4000  }
0xbb: {  	[sflag:s25] =	ssyncset.done $0x0  }
0xbc: {  	s12 =	sadd.s32 $0x2900, s8;
	[sflag:s25] =	ssyncadd.s32 $0xFFFFC000  }
0xbd: {  	[spmem:s4] =	stream.indirect.scatter.add.f32 [tilespmem:s20], [sflag:$0x5], $0x80, s12, s17, $0xb8;
	[tilespmem:$0x1F400] =	vst v63  }
0xbe: {  	_ =	swait.ge [sflag:s15], $0x4000  }
0xbf: {  	[sflag:s15] =	ssyncset.done $0x0  }
0xc0: {  	s13 =	sadd.s32 $0x300, s8;
	[sflag:s15] =	ssyncadd.s32 $0xFFFFC000  }
0xc1: {  	[tilespmem:s20], [sflag:$0x3] =	stream.indirect.gather [hbm4b:s6+s17], $0x80, s13, s17, $0xb8;
	[tilespmem:$0x1F400] =	vst v63  }
0xc2: {  	_ =	swait.ge [sflag:s26], $0x4000  }
0xc3: {  	[sflag:s26] =	ssyncset.done $0x0  }
0xc4: {  	s24 =	sadd.s32 $0x2980, s8;
	[sflag:s26] =	ssyncadd.s32 $0xFFFFC000  }
0xc5: {  	[spmem:s4] =	stream.indirect.scatter.add.f32 [tilespmem:s21], [sflag:$0x5], $0x80, s24, s17, $0xb8;
	[tilespmem:$0x1F400] =	vst v63  }
0xc6: {  	_ =	swait.ge [sflag:s15], $0x4000  }
0xc7: {  	[sflag:s15] =	ssyncset.done $0x0  }
0xc8: {  	s8 =	simm.s32 $0x1;
	[sflag:s15] =	ssyncadd.s32 $0xFFFFC000  }
0xc9: {  	[tilespmem:s21], [sflag:$0x4] =	stream.indirect.gather [hbm4b:s6+s17], $0x80, s28, s17, $0xb8;
	[tilespmem:$0x1F400] =	vst v63  }
0xca: {  	_ =	swait.ge [sflag:s8], $0x4000  }
0xcb: {  	[sflag:s8] =	ssyncset.done $0x0  }
0xcc: {  	[sflag:s8] =	ssyncadd.s32 $0xFFFFC000  }
0xcd: {  	[spmem:s4] =	stream.indirect.scatter.add.f32 [tilespmem:s14], [sflag:$0x5], $0x80, s29, s17, $0xb8;
	[tilespmem:$0x1F400] =	vst v63  }
0xce: {  	_ =	swait.ge [sflag:s15], $0x4000  }
0xcf: {  	[sflag:s15] =	ssyncset.done $0x0  }
0xd0: {  	[sflag:s15] =	ssyncadd.s32 $0xFFFFC000  }
0xd1: {  	_ =	swait.ge [sflag:s23], $0x4000  }
0xd2: {  	[sflag:s23] =	ssyncset.done $0x0  }
0xd3: {  	[sflag:s23] =	ssyncadd.s32 $0xFFFFC000  }
0xd4: {  	[spmem:s4] =	stream.indirect.scatter.add.f32 [tilespmem:s18], [sflag:$0x5], $0x80, s30, s17, $0xb8;
	[tilespmem:$0x1F400] =	vst v63  }
0xd5: {  	_ =	swait.ge [sflag:s15], $0x4000  }
0xd6: {  	[sflag:s15] =	ssyncset.done $0x0  }
0xd7: {  	[sflag:s15] =	ssyncadd.s32 $0xFFFFC000  }
0xd8: {  	_ =	swait.ge [sflag:s25], $0x4000  }
0xd9: {  	[sflag:s25] =	ssyncset.done $0x0  }
0xda: {  	[sflag:s25] =	ssyncadd.s32 $0xFFFFC000  }
0xdb: {  	[spmem:s4] =	stream.indirect.scatter.add.f32 [tilespmem:s20], [sflag:$0x5], $0x80, s31, s17, $0xb8;
	[tilespmem:$0x1F400] =	vst v63  }
0xdc: {  	_ =	swait.ge [sflag:s15], $0x4000  }
0xdd: {  	[sflag:s15] =	ssyncset.done $0x0  }
0xde: {  	[sflag:s15] =	ssyncadd.s32 $0xFFFFC000  }
0xdf: {  	_ =	swait.ge [sflag:s26], $0x4000  }
0xe0: {  	[sflag:s26] =	ssyncset.done $0x0  }
.Ltmp3:
0xe1: {  	[sflag:s26] =	ssyncadd.s32 $0xFFFFC000;
	(pc) =	sbr.rel @p0 .LBB2_4-.Ltmp3, $4  }
0xe2: {  	[spmem:s4] =	stream.indirect.scatter.add.f32 [tilespmem:s21], [sflag:$0x5], $0x80, s2, s17, $0xb8;
	[tilespmem:$0x1F400] =	vst v63  }
0xe3: {  	_ =	swait.ge [sflag:s15], $0x4000  }
0xe4: {  	[sflag:s15] =	ssyncset.done $0x0  }
0xe5: {  	p1 =	por $0x0, $0x0;
	[sflag:s15] =	ssyncadd.s32 $0xFFFFC000  }
0xe6: {  	s0 =	stileid.u32;
	[bflag:$0x0] =	sbarrier.arrive $0xFFFF  }
0xe7: {  	s0 =	sshll.u32 s0, $0x6;
	s8 =	rddreg [dreg:$0x6]  }
0xe8: {  	s9 =	rddreg [dreg:$0x8];
	s0 =	sor.u32 $0x1C05, s0  }
0xe9: {  	[hbm:s8], [sflag:s0] =	dma.local [spmem:s9], $0x1400  }
0xea: {  	_ =	swait.ge [sflag:s15], $0x1400  }
0xeb: {  	s5 =	sadd.s32 $0x1, s5;
	s24 =	rddreg [dreg:$0x7]  }
0xec: {  	p0 =	sne.s32 s5, s24  }
.Ltmp4:
0xed: {  	_ = 	snop;
	(pc) =	sbr.rel @p0 .LBB2_1-.Ltmp4, $3  }
0xee: {  	_ =	sdelay $0x1  }
0xef: {  	[sflag:s15] =	ssyncset.done $0x0  }
0xf0: {  	[sflag:s15] =	ssyncadd.s32 $0xFFFFEC00  }
0xf1: {  	_ =	sfence.sel $0x180000  }
0xf2: {  	[bflag:$0x0] =	sbarrier.arrive $0xFFFF  }
0xf3: {  	_ =	strace $0x90000047  }
0xf4: {  	s0 =	stileid.u32;
	[bflag:$0x2] =	sbarrier.arrive $0xFFFF  }
0xf5: {  	p0 =	sne.s32 s0, $0x0;
	s0 =	rddreg [dreg:$0x3]  }
0xf6: {  	s0 =	sadd.s32 @!p0 $0x100000, s0  }
0xf7: {  	[sflag:s0] =	ssyncadd.tile.s32 @!p0 $0x1;
	_ =	shalt  }
.Lfunc_end2:
_tile_overlayer_lowered:
.L_overlay_start_2:
0xf8: {  	(tag) =	ssettag $0x2  }
0xf9: {  	s0 =	rddreg [dreg:$0x0];
	s2 =	stileid.u32  }
0xfa: {  	s1 =	rddreg [dreg:$0x1];
	p0 =	sne.s32 s2, $0x0  }
0xfb: {  	s3 =	rddreg [dreg:$0x2];
	[bflag:$0x3] =	sbarrier.arrive $0xFFFF;
	s2 =	simm.s32 @!p0 $0x1C05  }
0xfc: {  	[timem:s3], [sflag:s2] =	dma.local @!p0 [hbm:s0], s1  }
0xfd: {  	s0 =	simm.s32 @!p0 $0x5  }
0xfe: {  	_ =	swait.ge @!p0 [sflag:s0], s1  }
0xff: {  	s1 =	ssub.s32 @!p0 $0x0, s1;
	[sflag:s0] =	ssyncset.done @!p0 $0x0  }
0x100: {  	[sflag:s0] =	ssyncadd.s32 @!p0 s1  }
0x101: {  	[bflag:$0x3] =	sbarrier.arrive $0xFFFF  }
0x102: {  	_ =	shalt  }

// kernel: kernel.13.cloned.1.call-start
scs
__scs_entry_jumppad:
0x0: {  	(pc) =	sbr.rel $0x88, $3  }
0x1: {  	(tag) =	ssettag $0x0;
	lr =	simm.s32 $0x1  }
0x2: {  	[smem:$0x3F95] =	sst lr;
	_ =	strace $0xD0000000  }
0x3: {  	_ = 	snop  }
0x4: {  	_ = 	snop  }
0x5: {  	_ = 	snop  }
0x6: {  	_ = 	snop  }
0x7: {  	_ = 	snop  }
__scs_overlays_trampoline_lowered:
0x8: {  	[smem:$0x3FA4] =	sst s0  }
0x9: {  	[smem:$0x3FA5] =	sst s1  }
0xa: {  	[smem:$0x3FA6] =	sst s2  }
0xb: {  	[smem:$0x3FA7] =	sst s3  }
0xc: {  	[smem:$0x3FA8] =	sst s4  }
0xd: {  	[smem:$0x3FA9] =	sst s5  }
0xe: {  	[smem:$0x3FAA] =	sst s6  }
0xf: {  	[smem:$0x3FAB] =	sst s7  }
0x10: {  	[smem:$0x3FAC] =	sst s8  }
0x11: {  	[smem:$0x3FAD] =	sst s9;
	s0 =	simm.s32 @!p0 $0x0  }
0x12: {  	s1 =	sld [smem:$0x3F93];
	s0 =	simm.s32 @p0 $0x1  }
0x13: {  	[smem:$0x3FAE] =	sst s0;
	s0 =	simm.s32 @!p1 $0x0  }
0x14: {  	s2 =	sld [smem:$0x3F92];
	s0 =	simm.s32 @p1 $0x1  }
0x15: {  	[smem:$0x3FAF] =	sst s0;
	s0 =	simm.s32 @!p2 $0x0  }
0x16: {  	s3 =	sld [smem:$0x3FDB];
	s0 =	simm.s32 @p2 $0x1  }
0x17: {  	s4 =	simm.s32 $0x1BF5;
	[smem:$0x3FB1] =	sst s0  }
0x18: {  	s0 =	sld [smem:$0x3F94];
	_ =	swait.ge [sflag:s4], $0x0  }
0x19: {  	s7 =	sld [smem:$0x3F95]  }
0x1a: {  	s8 =	sadd.s32 $0xFFFFE003, lr  }
0x1b: {  	s9 =	sadd.s32 $0xFFFFFEF7, lr;
	s5 =	simm.s32 $0xFFFFFFFF;
	p2 =	slt.u32 s8, $0xFFFFF086  }
0x1c: {  	p1 =	slt.u32 s9, $0xF7A;
	s5 =	simm.s32 @!p2 $0x0  }
0x1d: {  	s5 =	simm.s32 @p1 $0x1;
	p0 =	seq.s32 s7, s2  }
0x1e: {  	s7 =	smul.u32 @!p0 $0xF7A, s2;
	p2 =	seq.s32 @!p0 s5, $0x0  }
0x1f: {  	s9 =	smul.u32 $0xF7A, s1;
	s8 =	simm.s32 @!p0 $0x1BF5;
	p2 =	por !p2, p0  }
0x20: {  	[sflag:s8] =	ssyncset.s32 @!p0 $0xFFFFF086;
	s6 =	sadd.s32 @!p0 s3, s7;
	s7 =	simm.s32 @!p0 $0x108  }
0x21: {  	s3 =	sadd.s32 s3, s9;
	s6 =	sadd.s32 @!p0 $0x88, s6;
	s7 =	simm.s32 @p2 $0x1082  }
0x22: {  	[simem:s7], [sflag:s8] =	dma.local @!p0 [hbm:s6], $0xF7A  }
0x23: {  	s9 =	sor.u32 $0xD0000000, s2;
	s6 =	simm.s32 $0x108;
	_ =	swait.ge @!p0 [sflag:s8], $0x0  }
0x24: {  	s3 =	sadd.s32 $0x88, s3;
	s6 =	simm.s32 @!p1 $0x1082;
	[sflag:s4] =	ssyncset.s32 $0xFFFFF086  }
0x25: {  	[simem:s6], [sflag:s4] =	dma.local [hbm:s3], $0xF7A  }
0x26: {  	[smem:$0x3F95] =	sst s1;
	(tag) =	ssettag s2;
	_ =	strace s9  }
0x27: {  	s1 =	sld [smem:$0x3FA5]  }
0x28: {  	s2 =	sld [smem:$0x3FA6]  }
0x29: {  	s4 =	sld [smem:$0x3FA8]  }
0x2a: {  	p0 =	seq.s32 s5, $0x0;
	s5 =	sld [smem:$0x3FA9]  }
0x2b: {  	s6 =	sld [smem:$0x3FAA]  }
0x2c: {  	s7 =	sld [smem:$0x3FAB]  }
0x2d: {  	s3 =	simm.s32 $0x108;
	s8 =	sld [smem:$0x3FAC]  }
0x2e: {  	s3 =	simm.s32 @!p0 $0x1082;
	s9 =	sld [smem:$0x3FAD]  }
0x2f: {  	lr =	sadd.s32 s0, s3;
	s0 =	sld [smem:$0x3FA4]  }
0x30: {  	s3 =	sld [smem:$0x3FA7]  }
0x31: {  	[smem:$0x3FB0] =	sst s10  }
0x32: {  	s10 =	sld [smem:$0x3FAE];
	_ =	sdelay $0x3  }
0x33: {  	p0 =	seq.s32 s10, $0x1;
	s10 =	sld [smem:$0x3FB0];
	_ =	sdelay $0x3  }
0x34: {  	[smem:$0x3FB0] =	sst s10  }
0x35: {  	s10 =	sld [smem:$0x3FAF];
	_ =	sdelay $0x3  }
0x36: {  	p1 =	seq.s32 s10, $0x1;
	s10 =	sld [smem:$0x3FB0];
	_ =	sdelay $0x3  }
0x37: {  	[smem:$0x3FB0] =	sst s10  }
0x38: {  	s10 =	sld [smem:$0x3FB1]  }
0x39: {  	_ = 	snop;
	(pc) =	sbr.ind lr, $3  }
0x3a: {  	_ = 	snop  }
0x3b: {  	_ = 	snop  }
0x3c: {  	p2 =	seq.s32 s10, $0x1;
	s10 =	sld [smem:$0x3FB0]  }
0x3d: {  	_ =	shalt  }
0x3e: {  	_ =	shalt  }
0x3f: {  	_ =	shalt  }
0x40: {  	_ =	shalt  }
0x41: {  	_ =	shalt  }
0x42: {  	_ =	shalt  }
0x43: {  	_ =	shalt  }
0x44: {  	_ =	shalt  }
0x45: {  	_ =	shalt  }
0x46: {  	_ =	shalt  }
0x47: {  	_ =	shalt  }
0x48: {  	_ =	shalt  }
0x49: {  	_ =	shalt  }
0x4a: {  	_ =	shalt  }
0x4b: {  	_ =	shalt  }
0x4c: {  	_ =	shalt  }
0x4d: {  	_ =	shalt  }
0x4e: {  	_ =	shalt  }
0x4f: {  	_ =	shalt  }
0x50: {  	_ =	shalt  }
0x51: {  	_ =	shalt  }
0x52: {  	_ =	shalt  }
0x53: {  	_ =	shalt  }
0x54: {  	_ =	shalt  }
0x55: {  	_ =	shalt  }
0x56: {  	_ =	shalt  }
0x57: {  	_ =	shalt  }
0x58: {  	_ =	shalt  }
0x59: {  	_ =	shalt  }
0x5a: {  	_ =	shalt  }
0x5b: {  	_ =	shalt  }
0x5c: {  	_ =	shalt  }
0x5d: {  	_ =	shalt  }
0x5e: {  	_ =	shalt  }
0x5f: {  	_ =	shalt  }
0x60: {  	_ =	shalt  }
0x61: {  	_ =	shalt  }
0x62: {  	_ =	shalt  }
0x63: {  	_ =	shalt  }
0x64: {  	_ =	shalt  }
0x65: {  	_ =	shalt  }
0x66: {  	_ =	shalt  }
0x67: {  	_ =	shalt  }
0x68: {  	_ =	shalt  }
0x69: {  	_ =	shalt  }
0x6a: {  	_ =	shalt  }
0x6b: {  	_ =	shalt  }
0x6c: {  	_ =	shalt  }
0x6d: {  	_ =	shalt  }
0x6e: {  	_ =	shalt  }
0x6f: {  	_ =	shalt  }
0x70: {  	_ =	shalt  }
0x71: {  	_ =	shalt  }
0x72: {  	_ =	shalt  }
0x73: {  	_ =	shalt  }
0x74: {  	_ =	shalt  }
0x75: {  	_ =	shalt  }
0x76: {  	_ =	shalt  }
0x77: {  	_ =	shalt  }
0x78: {  	_ =	shalt  }
0x79: {  	_ =	shalt  }
0x7a: {  	_ =	shalt  }
0x7b: {  	_ =	shalt  }
0x7c: {  	_ =	shalt  }
0x7d: {  	_ =	shalt  }
0x7e: {  	_ =	shalt  }
0x7f: {  	_ =	shalt  }
0x80: {  	_ =	shalt  }
0x81: {  	_ =	shalt  }
0x82: {  	_ =	shalt  }
0x83: {  	_ =	shalt  }
0x84: {  	_ =	shalt  }
0x85: {  	_ =	shalt  }
0x86: {  	_ =	shalt  }
0x87: {  	_ =	shalt  }
.Lfunc_end0:
.L_simem_size_0:
called_computation.2_lowered:
.L_overlay_start_0:
0x88: {  	s2 =	sld [smem:$0x3FD9]  }
0x89: {  	s3 =	sld [smem:$0x3FFE];
	_ =	sdelay $0x1  }
0x8a: {  	s1 =	srdreg.scid  }
0x8b: {  	s0 =	sand.u32 $0x1, s1  }
0x8c: {  	s17 =	sshll.u32 s0, $0xA;
	s2 =	sadd.s32 s3, s2  }
0x8d: {  	s2 =	sadd.s32 s2, s17  }
0x8e: {  	[smem:$0x3FBC] =	sst s2  }
0x8f: {  	_ = 	snop  }
0x90: {  	s2 =	sld [smem:$0x3FD0];
	(tm) =	ssettm $0x1  }
0x91: {  	s18 =	sld [smem:$0x3FFB];
	_ =	sdelay $0x3  }
0x92: {  	_ =	strace s18  }
0x93: {  	s3 =	sld [smem:$0x3FFC];
	_ =	sdelay $0x3  }
0x94: {  	_ =	strace s3  }
0x95: {  	s3 =	sld [smem:$0x3FFD];
	_ =	sdelay $0x3  }
0x96: {  	_ =	strace s3  }
0x97: {  	_ =	strace $0x8FFFFFFF  }
0x98: {  	s19 =	sld [smem:$0x3FDB];
	_ =	sdelay $0x1  }
0x99: {  	s4 =	simm.s32 $_scs_section_size  }
0x9a: {  	s5 =	simm.s32 $_size__tile_overlayer_lowered;
	s6 =	simm.s32 $_tile_overlayer_lowered  }
0x9b: {  	s22 =	simm.s32 $0x1BFF;
	s21 =	sshll.u32 s6, $0x1;
	s3 =	sadd.s32 s4, s19  }
0x9c: {  	s7 =	simm.s32 $0x0;
	s20 =	sshll.u32 s5, $0x1;
	s5 =	sadd.s32 s21, s3  }
0x9d: {  	[timem:s7], [sflag:s22] =	dma.local [hbm:s5], s20  }
0x9e: {  	_ =	swait.ge [sflag:s22], s20  }
0x9f: {  	s4 =	ssub.s32 $0x0, s20;
	[sflag:s22] =	ssyncset.done $0x0  }
0xa0: {  	[sflag:s22] =	ssyncadd.s32 s4;
	_ =	sdelay $0x1  }
0xa1: {  	s23 =	simm.s32 $0x1B8B  }
0xa2: {  	_ =	swait.ge [sflag:s23], $0x1  }
0xa3: {  	[sflag:s23] =	ssyncset.done $0x0  }
0xa4: {  	s25 =	simm.s32 $0x1B8E;
	s24 =	sld [smem:$0x3FFE];
	[sflag:s23] =	ssyncadd.s32 $0xFFFFFFFF  }
0xa5: {  	s26 =	simm.s32 $execute0_lowered;
	[smem:$0x3FD2] =	sst s25  }
0xa6: {  	s5 =	sshll.u32 s26, $0x1;
	_ =	strace $0x8000004C;
	[dreg:$0x1] =	wrdreg $0xFFFFFFFF  }
0xa7: {  	s28 =	simm.s32 $_size_execute0_lowered;
	s3 =	sadd.s32 s3, s5;
	[dreg:$0x0] =	wrdreg $0x0  }
0xa8: {  	s5 =	sshll.u32 s28, $0x1;
	[dreg:$0x2] =	wrdreg s3  }
0xa9: {  	[dreg:$0x3] =	wrdreg s5  }
0xaa: {  	[dreg:$0x4] =	wrdreg $0xC0  }
0xab: {  	_ =	task [dreg:s7], $0x5FFFF  }
0xac: {  	[dreg:$0x1] =	wrdreg $0xFFFFFFFF  }
0xad: {  	[dreg:$0x0] =	wrdreg $0x60  }
0xae: {  	[dreg:$0x2] =	wrdreg s24  }
0xaf: {  	[dreg:$0x3] =	wrdreg s2  }
0xb0: {  	[dreg:$0x4] =	wrdreg $0x150000  }
0xb1: {  	[dreg:$0x5] =	wrdreg $0x9  }
0xb2: {  	_ =	task.clear_ibuf [dreg:s7], $0x6FFFF;
	_ =	strace $0x9000004C  }
0xb3: {  	s29 =	simm.s32 $0x9;
	_ =	strace $0x8000004E  }
0xb4: {  	_ =	swait.ge [sflag:s29], $0x1  }
0xb5: {  	[sflag:s29] =	ssyncadd.s32 $0xFFFFFFFF  }
0xb6: {  	_ =	strace $0x9000004E  }
0xb7: {  	_ =	sfence  }
0xb8: {  	s30 =	sld [smem:$0x0];
	_ =	sdelay $0x2  }
0xb9: {  	s31 =	sshll.u32 s1, $0xD;
	s1 =	sshrl.u32 s1, $0x2  }
0xba: {  	s3 =	sand.u32 $0x4000, s31;
	s1 =	sadd.s32 s1, s30  }
0xbb: {  	s0 =	sor.u32 s3, s0;
	s1 =	sshll.u32 s1, $0x11  }
0xbc: {  	s0 =	sor.u32 s1, s0  }
0xbd: {  	s0 =	sadd.s32 $0x8F2B, s0  }
0xbe: {  	[sflag:s0] =	ssyncadd.remote.s32 $0x1  }
0xbf: {  	_ =	sfence.sel $0xFFFF  }
0xc0: {  	[dreg:$0x0] =	wrdreg $0xFFFFFFFF;
	(pc) =	sbr.abs _section_cstart, $3  }
0xc1: {  	[dreg:$0x1] =	wrdreg $0xFFFFFFFF  }
0xc2: {  	_ =	task.clear_ibuf [dreg:s7], $0x2FFFF;
	_ =	strace $0x9FFFFFFF  }
0xc3: {  	(tm) =	ssettm $0x7FFFFFFF  }
tec
execute0_lowered:
.L_overlay_start_1:
0x0: {  	(tag) =	ssettag $0x1  }
0x1: {  	s0 =	rddreg [dreg:$0x0]  }
0x2: {  	s1 =	srdreg.scid;
	s3 =	rddreg [dreg:$0x1]  }
0x3: {  	s10 =	stileid.u32;
	s4 =	rddreg [dreg:$0x2]  }
0x4: {  	s5 =	simm.s32 $0x0;
	s14 =	simm.s32 $0x5000;
	s15 =	simm.s32 $0x5  }
0x5: {  	s16 =	simm.s32 $0x2800;
	s17 =	simm.s32 $0x80;
	s18 =	simm.s32 $0x9000  }
0x6: {  	s19 =	simm.s32 $0x100;
	s28 =	simm.s32 $0x2780;
	s6 =	smul.u32 $0x140, s10  }
0x7: {  	s29 =	simm.s32 $0x4E00;
	s30 =	simm.s32 $0x4E80;
	s9 =	smul.u32 $0x29000, s10  }
0x8: {  	s31 =	simm.s32 $0x4F00;
	s2 =	sand.u32 $0x1, s1;
	s12 =	smul.u32 $0x28000, s10  }
0x9: {  	[smem:$0x7FF] =	sst s5;
	s10 =	smul.u32 $0xA0, s10;
	s11 =	sadd.s32 $0xA000, s3  }
0xa: {  	s8 =	smul.u32 $0x1400, s2;
	_ =	strace $0x8000004D;
	s2 =	ssub.s32 $0x2, s2  }
0xb: {  	s20 =	sshrl.u32 s9, $0x2;
	s21 =	sshrl.u32 s2, $0x1;
	s24 =	sshrl.u32 s12, $0x2  }
0xc: {  	s7 =	sadd.s32 s6, s8;
	s6 =	sadd.s32 $0x3200, s0;
	s2 =	ssub.s32 s2, s21  }
0xd: {  	s9 =	sadd.s32 s24, s4;
	s21 =	simm.s32 $0x11000;
	s7 =	sshll.u32 s7, $0x4  }
0xe: {  	s25 =	smax.u32 s2, $0x1;
	s26 =	sshrl.u32 s9, $0x3;
	s2 =	simm.s32 $0x4F80  }
0xf: {  	s0 =	sadd.s32 s7, s0;
	s7 =	sadd.s32 s20, s4;
	[dreg:$0x7] =	wrdreg s25  }
0x10: {  	s20 =	simm.s32 $0xD000;
	[dreg:$0x8] =	wrdreg s26;
	s22 =	sadd.s32 $0x4000, s7  }
0x11: {  	s25 =	simm.s32 $0x3;
	s23 =	sadd.s32 $0x8000, s7;
	[dreg:$0x4] =	wrdreg s22  }
0x12: {  	s26 =	simm.s32 $0x4;
	s0 =	sadd.s32 $0x2B200, s0;
	[dreg:$0x5] =	wrdreg s23  }
0x13: {  	v1 =	vimm.f32 $0.0e+00;
	v0 =	vmov s8;
	[dreg:$0x6] =	wrdreg s0;
	s22 =	simm.s32 $0x1;
	s23 =	simm.s32 $0x2  }
.LBB2_1:
0x14: {  	s0 =	simm.s32 $0x0;
	s8 =	simm.s32 $0x200  }
.LBB2_2:
0x15: {  	p0 =	sne.s32 s8, $0xFE00;
	[tilespmem:s0+$0x5070] =	vst v1  }
0x16: {  	[tilespmem:s0+$0x5000] =	vst v1  }
0x17: {  	[tilespmem:s0+$0x5010] =	vst v1  }
.Ltmp0:
0x18: {  	[tilespmem:s0+$0x5020] =	vst v1;
	(pc) =	sbr.rel @p0 .LBB2_2-.Ltmp0, $4  }
0x19: {  	[tilespmem:s0+$0x5030] =	vst v1  }
0x1a: {  	[tilespmem:s0+$0x5040] =	vst v1  }
0x1b: {  	[tilespmem:s0+$0x5050] =	vst v1  }
0x1c: {  	[tilespmem:s0+$0x5060] =	vst v1;
	s0 =	sshra.s32 s8, $0x2;
	s8 =	sadd.s32 $0x200, s8  }
0x1d: {  	[tilespmem:s0+$0x5070] =	vst v1  }
0x1e: {  	[tilespmem:s0+$0x5000] =	vst v1  }
0x1f: {  	[tilespmem:s0+$0x5010] =	vst v1  }
0x20: {  	[tilespmem:s0+$0x5020] =	vst v1  }
0x21: {  	[tilespmem:s0+$0x5030] =	vst v1  }
0x22: {  	[tilespmem:s0+$0x5040] =	vst v1  }
0x23: {  	[tilespmem:s0+$0x5050] =	vst v1  }
0x24: {  	[tilespmem:s0+$0x5060] =	vst v1  }
0x25: {  	[spmem:s7] =	stream.linear.scatter [tilespmem:s14], [sflag:$0x5], $0x4000, $0x38;
	[tilespmem:$0x1F400] =	vst v63  }
0x26: {  	_ =	swait.ge [sflag:s15], $0x4000  }
0x27: {  	[sflag:s15] =	ssyncset.done $0x0  }
0x28: {  	s13 =	rddreg [dreg:$0x4];
	[sflag:s15] =	ssyncadd.s32 $0xFFFFC000  }
0x29: {  	[spmem:s13] =	stream.linear.scatter [tilespmem:s14], [sflag:$0x5], $0x4000, $0x38;
	[tilespmem:$0x1F400] =	vst v63  }
0x2a: {  	_ =	swait.ge [sflag:s15], $0x4000  }
0x2b: {  	[sflag:s15] =	ssyncset.done $0x0  }
0x2c: {  	s24 =	rddreg [dreg:$0x5];
	[sflag:s15] =	ssyncadd.s32 $0xFFFFC000  }
0x2d: {  	[spmem:s24] =	stream.linear.scatter [tilespmem:s14], [sflag:$0x5], $0x2400, $0x38;
	[tilespmem:$0x1F400] =	vst v63  }
0x2e: {  	_ =	swait.ge [sflag:s15], $0x2400  }
0x2f: {  	[sflag:s15] =	ssyncset.done $0x0  }
0x30: {  	s0 =	simm.s32 $0x0;
	[sflag:s15] =	ssyncadd.s32 $0xFFFFDC00  }
0x31: {  	p1 =	por $0x1, $0x1;
	s8 =	simm.s32 $0x0;
	[bflag:$0x0] =	sbarrier.arrive $0xFFFF  }
.LBB2_4:
0x32: {  	s8 =	sadd.s32 s1, s8  }
0x33: {  	s8 =	sand.u32 $0x1, s8  }
0x34: {  	p0 =	seq.s32 s8, $0x1;
	s8 =	simm.s32 $0x50  }
0x35: {  	s8 =	simm.s32 @!p0 $0x0  }
0x36: {  	s8 =	sadd.s32 s10, s8  }
0x37: {  	s8 =	sshll.u32 s8, $0x4  }
0x38: {  	s9 =	sadd.s32 s3, s8  }
0x39: {  	[tilespmem:s0], [sflag:$0x5] =	stream.linear.gather [hbm4b:s9+s0], $0x2800, $0x38;
	[tilespmem:$0x1F400] =	vst v63  }
0x3a: {  	_ =	swait.ge [sflag:s15], $0x2800  }
0x3b: {  	[sflag:s15] =	ssyncset.done $0x0  }
0x3c: {  	s8 =	sadd.s32 s8, s11;
	[sflag:s15] =	ssyncadd.s32 $0xFFFFD800  }
0x3d: {  	[tilespmem:s16], [sflag:$0x5] =	stream.linear.gather [hbm4b:s8+s0], $0x2800, $0x38;
	[tilespmem:$0x1F400] =	vst v63  }
0x3e: {  	_ =	swait.ge [sflag:s15], $0x2800  }
0x3f: {  	[sflag:s15] =	ssyncset.done $0x0  }
0x40: {  	s8 =	simm.s32 $0x0;
	[sflag:s15] =	ssyncadd.s32 $0xFFFFD800  }
0x41: {  	v2 =	vld [tilespmem:s8+$0x2800]  }
0x42: {  	v3 =	vld [tilespmem:s8+$0x2810];
	_ =	sdelay $0x2  }
0x43: {  	v4 =	vld [tilespmem:s8+$0x2820]  }
0x44: {  	v9 =	vld [tilespmem:s8+$0x2830]  }
0x45: {  	v5 =	vsub.s32 v2, v0;
	v2 =	vand.u32 $0x7F, v2;
	v7 =	vsub.s32 v3, v0  }
0x46: {  	v6 =	vld [tilespmem:s8+$0x2840];
	v3 =	vand.u32 $0x7F, v3;
	vm0 =	vlt.u32 v5, $0x1400;
	v2 =	vor.u32 $0x1400, v2  }
0x47: {  	v5 =	vsel vm0, v5, v2;
	vm0 =	vlt.u32 v7, $0x1400;
	v2 =	vor.u32 $0x1400, v3  }
0x48: {  	v3 =	vsel vm0, v7, v2;
	v7 =	vsub.s32 v4, v0;
	v2 =	vand.u32 $0x7F, v4;
	v4 =	vld [tilespmem:s8+$0x2850]  }
0x49: {  	v8 =	vsub.s32 v9, v0;
	vm0 =	vlt.u32 v7, $0x1400;
	v10 =	vor.u32 $0x1400, v2;
	v2 =	vld [tilespmem:s8+$0x2860]  }
0x4a: {  	p0 =	por p1, p1;
	s9 =	simm.s32 $0x200;
	v9 =	vand.u32 $0x7F, v9;
	v7 =	vsel vm0, v7, v10;
	vm0 =	vlt.u32 v8, $0x1400  }
.LBB2_5:
0x4b: {  	p1 =	sne.s32 s9, $0x9E00;
	v9 =	vor.u32 $0x1400, v9;
	v10 =	vsub.s32 v6, v0;
	v6 =	vand.u32 $0x7F, v6;
	v11 =	vld [tilespmem:s8+$0x2870]  }
0x4c: {  	s12 =	sshra.s32 s9, $0x2;
	[tilespmem:s8+$0x2800] =	vst v5;
	v5 =	vsel vm0, v8, v9;
	vm0 =	vlt.u32 v10, $0x1400;
	v6 =	vor.u32 $0x1400, v6  }
0x4d: {  	v8 =	vld [tilespmem:s12+$0x2800];
	[tilespmem:s8+$0x2810] =	vst v3;
	v3 =	vsel vm0, v10, v6;
	v6 =	vsub.s32 v4, v0;
	v4 =	vand.u32 $0x7F, v4  }
0x4e: {  	[tilespmem:s8+$0x2820] =	vst v7;
	vm0 =	vlt.u32 v6, $0x1400;
	v4 =	vor.u32 $0x1400, v4;
	v7 =	vsub.s32 v2, v0  }
0x4f: {  	v2 =	vand.u32 $0x7F, v2;
	v9 =	vld [tilespmem:s12+$0x2810];
	[tilespmem:s8+$0x2830] =	vst v5;
	v4 =	vsel vm0, v6, v4;
	vm0 =	vlt.u32 v7, $0x1400  }
0x50: {  	v2 =	vor.u32 $0x1400, v2;
	[tilespmem:s8+$0x2840] =	vst v3;
	v3 =	vsub.s32 v11, v0;
	v5 =	vand.u32 $0x7F, v11  }
0x51: {  	v2 =	vsel vm0, v7, v2;
	v10 =	vld [tilespmem:s12+$0x2820];
	[tilespmem:s8+$0x2850] =	vst v4;
	vm0 =	vlt.u32 v3, $0x1400;
	v4 =	vor.u32 $0x1400, v5  }
0x52: {  	v5 =	vsub.s32 v8, v0;
	v11 =	vld [tilespmem:s12+$0x2830];
	[tilespmem:s8+$0x2860] =	vst v2;
	v2 =	vsel vm0, v3, v4  }
0x53: {  	v3 =	vand.u32 $0x7F, v8;
	vm0 =	vlt.u32 v5, $0x1400;
	[tilespmem:s8+$0x2870] =	vst v2;
	s8 =	smov.u32 s12  }
.Ltmp1:
0x54: {  	v2 =	vor.u32 $0x1400, v3;
	v3 =	vsub.s32 v9, v0;
	v4 =	vand.u32 $0x7F, v9;
	v6 =	vld [tilespmem:s8+$0x2840];
	(pc) =	sbr.rel @p1 .LBB2_5-.Ltmp1, $4  }
0x55: {  	v5 =	vsel vm0, v5, v2;
	vm0 =	vlt.u32 v3, $0x1400;
	v2 =	vor.u32 $0x1400, v4  }
0x56: {  	v3 =	vsel vm0, v3, v2;
	v7 =	vsub.s32 v10, v0;
	v2 =	vand.u32 $0x7F, v10;
	v4 =	vld [tilespmem:s8+$0x2850]  }
0x57: {  	vm0 =	vlt.u32 v7, $0x1400;
	v9 =	vor.u32 $0x1400, v2;
	v8 =	vsub.s32 v11, v0;
	v2 =	vld [tilespmem:s8+$0x2860]  }
0x58: {  	s9 =	sadd.s32 $0x200, s9;
	v7 =	vsel vm0, v7, v9;
	vm0 =	vlt.u32 v8, $0x1400;
	v9 =	vand.u32 $0x7F, v11  }
0x59: {  	v9 =	vor.u32 $0x1400, v9;
	v10 =	vsub.s32 v6, v0;
	v57 =	vand.u32 $0x7F, v6;
	v11 =	vld [tilespmem:s8+$0x2870]  }
0x5a: {  	[tilespmem:s8+$0x2800] =	vst v5;
	v58 =	vsel vm0, v8, v9;
	vm12 =	vlt.u32 v10, $0x1400;
	v6 =	vor.u32 $0x1400, v57  }
0x5b: {  	[tilespmem:s8+$0x2810] =	vst v3;
	v3 =	vsel vm12, v10, v6;
	v59 =	vsub.s32 v4, v0;
	v60 =	vand.u32 $0x7F, v4  }
0x5c: {  	[tilespmem:s8+$0x2820] =	vst v7;
	vm13 =	vlt.u32 v59, $0x1400;
	v4 =	vor.u32 $0x1400, v60;
	v61 =	vsub.s32 v2, v0  }
0x5d: {  	[tilespmem:s8+$0x2830] =	vst v58;
	v2 =	vand.u32 $0x7F, v2;
	v4 =	vsel vm13, v59, v4;
	vm14 =	vlt.u32 v61, $0x1400  }
0x5e: {  	[tilespmem:s8+$0x2840] =	vst v3;
	v2 =	vor.u32 $0x1400, v2;
	v3 =	vsub.s32 v11, v0;
	v62 =	vand.u32 $0x7F, v11  }
0x5f: {  	[tilespmem:s8+$0x2850] =	vst v4;
	v2 =	vsel vm14, v61, v2;
	vm15 =	vlt.u32 v3, $0x1400;
	v63 =	vor.u32 $0x1400, v62  }
0x60: {  	[tilespmem:s8+$0x2860] =	vst v2;
	v2 =	vsel vm15, v3, v63  }
0x61: {  	s24 =	simm.s32 $0x0;
	[tilespmem:s8+$0x2870] =	vst v2  }
0x62: {  	[tilespmem:s14], [sflag:$0x1] =	stream.indirect.gather [hbm4b:s6+s17], $0x80, s24, s17, $0xb8;
	[tilespmem:$0x1F400] =	vst v63  }
0x63: {  	_ = 	snop  }
0x64: {  	[tilespmem:s18], [sflag:$0x2] =	stream.indirect.gather [hbm4b:s6+s17], $0x80, s17, s17, $0xb8;
	[tilespmem:$0x1F400] =	vst v63  }
0x65: {  	_ = 	snop  }
0x66: {  	[tilespmem:s20], [sflag:$0x3] =	stream.indirect.gather [hbm4b:s6+s17], $0x80, s19, s17, $0xb8;
	[tilespmem:$0x1F400] =	vst v63  }
0x67: {  	s9 =	simm.s32 $0x180  }
0x68: {  	[tilespmem:s21], [sflag:$0x4] =	stream.indirect.gather [hbm4b:s6+s17], $0x80, s9, s17, $0xb8;
	[tilespmem:$0x1F400] =	vst v63  }
0x69: {  	_ =	swait.ge [sflag:s22], $0x4000  }
0x6a: {  	[sflag:s22] =	ssyncset.done $0x0  }
0x6b: {  	s12 =	simm.s32 $0x2800;
	[sflag:s22] =	ssyncadd.s32 $0xFFFFC000  }
0x6c: {  	[spmem:s4] =	stream.indirect.scatter.add.f32 [tilespmem:s14], [sflag:$0x5], $0x80, s12, s17, $0xb8;
	[tilespmem:$0x1F400] =	vst v63  }
0x6d: {  	_ =	swait.ge [sflag:s15], $0x4000  }
0x6e: {  	[sflag:s15] =	ssyncset.done $0x0  }
0x6f: {  	s13 =	simm.s32 $0x200;
	[sflag:s15] =	ssyncadd.s32 $0xFFFFC000  }
0x70: {  	[tilespmem:s14], [sflag:$0x1] =	stream.indirect.gather [hbm4b:s6+s17], $0x80, s13, s17, $0xb8;
	[tilespmem:$0x1F400] =	vst v63  }
0x71: {  	_ =	swait.ge [sflag:s23], $0x4000  }
0x72: {  	[sflag:s23] =	ssyncset.done $0x0  }
0x73: {  	s24 =	simm.s32 $0x2880;
	[sflag:s23] =	ssyncadd.s32 $0xFFFFC000  }
0x74: {  	[spmem:s4] =	stream.indirect.scatter.add.f32 [tilespmem:s18], [sflag:$0x5], $0x80, s24, s17, $0xb8;
	[tilespmem:$0x1F400] =	vst v63  }
0x75: {  	_ =	swait.ge [sflag:s15], $0x4000  }
0x76: {  	[sflag:s15] =	ssyncset.done $0x0  }
0x77: {  	s9 =	simm.s32 $0x280;
	[sflag:s15] =	ssyncadd.s32 $0xFFFFC000  }
0x78: {  	[tilespmem:s18], [sflag:$0x2] =	stream.indirect.gather [hbm4b:s6+s17], $0x80, s9, s17, $0xb8;
	[tilespmem:$0x1F400] =	vst v63  }
0x79: {  	_ =	swait.ge [sflag:s25], $0x4000  }
0x7a: {  	[sflag:s25] =	ssyncset.done $0x0  }
0x7b: {  	s12 =	simm.s32 $0x2900;
	[sflag:s25] =	ssyncadd.s32 $0xFFFFC000  }
0x7c: {  	[spmem:s4] =	stream.indirect.scatter.add.f32 [tilespmem:s20], [sflag:$0x5], $0x80, s12, s17, $0xb8;
	[tilespmem:$0x1F400] =	vst v63  }
0x7d: {  	_ =	swait.ge [sflag:s15], $0x4000  }
0x7e: {  	[sflag:s15] =	ssyncset.done $0x0  }
0x7f: {  	s13 =	simm.s32 $0x300;
	[sflag:s15] =	ssyncadd.s32 $0xFFFFC000  }
0x80: {  	[tilespmem:s20], [sflag:$0x3] =	stream.indirect.gather [hbm4b:s6+s17], $0x80, s13, s17, $0xb8;
	[tilespmem:$0x1F400] =	vst v63  }
0x81: {  	_ =	swait.ge [sflag:s26], $0x4000  }
0x82: {  	[sflag:s26] =	ssyncset.done $0x0  }
0x83: {  	s24 =	simm.s32 $0x2980;
	[sflag:s26] =	ssyncadd.s32 $0xFFFFC000  }
0x84: {  	[spmem:s4] =	stream.indirect.scatter.add.f32 [tilespmem:s21], [sflag:$0x5], $0x80, s24, s17, $0xb8;
	[tilespmem:$0x1F400] =	vst v63  }
0x85: {  	_ =	swait.ge [sflag:s15], $0x4000  }
0x86: {  	s8 =	simm.s32 $0x200;
	s9 =	simm.s32 $0x1000;
	[sflag:s15] =	ssyncset.done $0x0  }
.LBB2_7:
0x87: {  	s24 =	sadd.s32 $0x180, s8  }
0x88: {  	[sflag:s15] =	ssyncadd.s32 $0xFFFFC000;
	s12 =	smov.u32 s9;
	s13 =	sadd.s32 $0x800, s9  }
0x89: {  	[tilespmem:s21], [sflag:$0x4] =	stream.indirect.gather [hbm4b:s6+s17], $0x80, s24, s17, $0xb8;
	[tilespmem:$0x1F400] =	vst v63  }
0x8a: {  	p1 =	sne.s32 s9, $0x9000;
	_ =	swait.ge [sflag:s22], $0x4000  }
0x8b: {  	[sflag:s22] =	ssyncset.done $0x0  }
0x8c: {  	s9 =	sadd.s32 $0x2800, s8;
	[sflag:s22] =	ssyncadd.s32 $0xFFFFC000  }
0x8d: {  	[spmem:s4] =	stream.indirect.scatter.add.f32 [tilespmem:s14], [sflag:$0x5], $0x80, s9, s17, $0xb8;
	[tilespmem:$0x1F400] =	vst v63  }
0x8e: {  	_ =	swait.ge [sflag:s15], $0x4000  }
0x8f: {  	[sflag:s15] =	ssyncset.done $0x0  }
0x90: {  	s9 =	sadd.s32 $0x200, s8;
	[sflag:s15] =	ssyncadd.s32 $0xFFFFC000  }
0x91: {  	[tilespmem:s14], [sflag:$0x1] =	stream.indirect.gather [hbm4b:s6+s17], $0x80, s9, s17, $0xb8;
	[tilespmem:$0x1F400] =	vst v63  }
0x92: {  	_ =	swait.ge [sflag:s23], $0x4000  }
0x93: {  	[sflag:s23] =	ssyncset.done $0x0  }
0x94: {  	s9 =	sadd.s32 $0x2880, s8;
	[sflag:s23] =	ssyncadd.s32 $0xFFFFC000  }
0x95: {  	[spmem:s4] =	stream.indirect.scatter.add.f32 [tilespmem:s18], [sflag:$0x5], $0x80, s9, s17, $0xb8;
	[tilespmem:$0x1F400] =	vst v63  }
0x96: {  	_ =	swait.ge [sflag:s15], $0x4000  }
0x97: {  	[sflag:s15] =	ssyncset.done $0x0  }
0x98: {  	s9 =	sadd.s32 $0x280, s8;
	[sflag:s15] =	ssyncadd.s32 $0xFFFFC000  }
0x99: {  	[tilespmem:s18], [sflag:$0x2] =	stream.indirect.gather [hbm4b:s6+s17], $0x80, s9, s17, $0xb8;
	[tilespmem:$0x1F400] =	vst v63  }
0x9a: {  	_ =	swait.ge [sflag:s25], $0x4000  }
0x9b: {  	[sflag:s25] =	ssyncset.done $0x0  }
0x9c: {  	s9 =	sadd.s32 $0x2900, s8;
	[sflag:s25] =	ssyncadd.s32 $0xFFFFC000  }
0x9d: {  	[spmem:s4] =	stream.indirect.scatter.add.f32 [tilespmem:s20], [sflag:$0x5], $0x80, s9, s17, $0xb8;
	[tilespmem:$0x1F400] =	vst v63  }
0x9e: {  	_ =	swait.ge [sflag:s15], $0x4000  }
0x9f: {  	[sflag:s15] =	ssyncset.done $0x0  }
0xa0: {  	s9 =	sadd.s32 $0x300, s8;
	[sflag:s15] =	ssyncadd.s32 $0xFFFFC000  }
0xa1: {  	[tilespmem:s20], [sflag:$0x3] =	stream.indirect.gather [hbm4b:s6+s17], $0x80, s9, s17, $0xb8;
	[tilespmem:$0x1F400] =	vst v63  }
0xa2: {  	_ =	swait.ge [sflag:s26], $0x4000  }
.Ltmp2:
0xa3: {  	[sflag:s26] =	ssyncset.done $0x0;
	(pc) =	sbr.rel @p1 .LBB2_7-.Ltmp2, $4  }
0xa4: {  	s8 =	sadd.s32 $0x2980, s8;
	[sflag:s26] =	ssyncadd.s32 $0xFFFFC000  }
0xa5: {  	[spmem:s4] =	stream.indirect.scatter.add.f32 [tilespmem:s21], [sflag:$0x5], $0x80, s8, s17, $0xb8;
	[tilespmem:$0x1F400] =	vst v63  }
0xa6: {  	_ =	swait.ge [sflag:s15], $0x4000  }
0xa7: {  	s9 =	smov.u32 s13;
	s8 =	sshra.s32 s12, $0x2;
	[sflag:s15] =	ssyncset.done $0x0  }
0xa8: {  	s9 =	sadd.s32 $0x180, s8;
	[sflag:s15] =	ssyncadd.s32 $0xFFFFC000  }
0xa9: {  	[tilespmem:s21], [sflag:$0x4] =	stream.indirect.gather [hbm4b:s6+s17], $0x80, s9, s17, $0xb8;
	[tilespmem:$0x1F400] =	vst v63  }
0xaa: {  	_ =	swait.ge [sflag:s22], $0x4000  }
0xab: {  	[sflag:s22] =	ssyncset.done $0x0  }
0xac: {  	s24 =	sadd.s32 $0x2800, s8;
	[sflag:s22] =	ssyncadd.s32 $0xFFFFC000  }
0xad: {  	[spmem:s4] =	stream.indirect.scatter.add.f32 [tilespmem:s14], [sflag:$0x5], $0x80, s24, s17, $0xb8;
	[tilespmem:$0x1F400] =	vst v63  }
0xae: {  	_ =	swait.ge [sflag:s15], $0x4000  }
0xaf: {  	[sflag:s15] =	ssyncset.done $0x0  }
0xb0: {  	s12 =	sadd.s32 $0x200, s8;
	[sflag:s15] =	ssyncadd.s32 $0xFFFFC000  }
0xb1: {  	[tilespmem:s14], [sflag:$0x1] =	stream.indirect.gather [hbm4b:s6+s17], $0x80, s12, s17, $0xb8;
	[tilespmem:$0x1F400] =	vst v63  }
0xb2: {  	_ =	swait.ge [sflag:s23], $0x4000  }
0xb3: {  	[sflag:s23] =	ssyncset.done $0x0  }
0xb4: {  	s13 =	sadd.s32 $0x2880, s8;
	[sflag:s23] =	ssyncadd.s32 $0xFFFFC000  }
0xb5: {  	[spmem:s4] =	stream.indirect.scatter.add.f32 [tilespmem:s18], [sflag:$0x5], $0x80, s13, s17, $0xb8;
	[tilespmem:$0x1F400] =	vst v63  }
0xb6: {  	_ =	swait.ge [sflag:s15], $0x4000  }
0xb7: {  	[sflag:s15] =	ssyncset.done $0x0  }
0xb8: {  	s24 =	sadd.s32 $0x280, s8;
	[sflag:s15] =	ssyncadd.s32 $0xFFFFC000  }
0xb9: {  	[tilespmem:s18], [sflag:$0x2] =	stream.indirect.gather [hbm4b:s6+s17], $0x80, s24, s17, $0xb8;
	[tilespmem:$0x1F400] =	vst v63  }
0xba: {  	_ =	swait.ge [sflag:s25], $0x4000  }
0xbb: {  	[sflag:s25] =	ssyncset.done $0x0  }
0xbc: {  	s12 =	sadd.s32 $0x2900, s8;
	[sflag:s25] =	ssyncadd.s32 $0xFFFFC000  }
0xbd: {  	[spmem:s4] =	stream.indirect.scatter.add.f32 [tilespmem:s20], [sflag:$0x5], $0x80, s12, s17, $0xb8;
	[tilespmem:$0x1F400] =	vst v63  }
0xbe: {  	_ =	swait.ge [sflag:s15], $0x4000  }
0xbf: {  	[sflag:s15] =	ssyncset.done $0x0  }
0xc0: {  	s13 =	sadd.s32 $0x300, s8;
	[sflag:s15] =	ssyncadd.s32 $0xFFFFC000  }
0xc1: {  	[tilespmem:s20], [sflag:$0x3] =	stream.indirect.gather [hbm4b:s6+s17], $0x80, s13, s17, $0xb8;
	[tilespmem:$0x1F400] =	vst v63  }
0xc2: {  	_ =	swait.ge [sflag:s26], $0x4000  }
0xc3: {  	[sflag:s26] =	ssyncset.done $0x0  }
0xc4: {  	s24 =	sadd.s32 $0x2980, s8;
	[sflag:s26] =	ssyncadd.s32 $0xFFFFC000  }
0xc5: {  	[spmem:s4] =	stream.indirect.scatter.add.f32 [tilespmem:s21], [sflag:$0x5], $0x80, s24, s17, $0xb8;
	[tilespmem:$0x1F400] =	vst v63  }
0xc6: {  	_ =	swait.ge [sflag:s15], $0x4000  }
0xc7: {  	[sflag:s15] =	ssyncset.done $0x0  }
0xc8: {  	s8 =	simm.s32 $0x1;
	[sflag:s15] =	ssyncadd.s32 $0xFFFFC000  }
0xc9: {  	[tilespmem:s21], [sflag:$0x4] =	stream.indirect.gather [hbm4b:s6+s17], $0x80, s28, s17, $0xb8;
	[tilespmem:$0x1F400] =	vst v63  }
0xca: {  	_ =	swait.ge [sflag:s8], $0x4000  }
0xcb: {  	[sflag:s8] =	ssyncset.done $0x0  }
0xcc: {  	[sflag:s8] =	ssyncadd.s32 $0xFFFFC000  }
0xcd: {  	[spmem:s4] =	stream.indirect.scatter.add.f32 [tilespmem:s14], [sflag:$0x5], $0x80, s29, s17, $0xb8;
	[tilespmem:$0x1F400] =	vst v63  }
0xce: {  	_ =	swait.ge [sflag:s15], $0x4000  }
0xcf: {  	[sflag:s15] =	ssyncset.done $0x0  }
0xd0: {  	[sflag:s15] =	ssyncadd.s32 $0xFFFFC000  }
0xd1: {  	_ =	swait.ge [sflag:s23], $0x4000  }
0xd2: {  	[sflag:s23] =	ssyncset.done $0x0  }
0xd3: {  	[sflag:s23] =	ssyncadd.s32 $0xFFFFC000  }
0xd4: {  	[spmem:s4] =	stream.indirect.scatter.add.f32 [tilespmem:s18], [sflag:$0x5], $0x80, s30, s17, $0xb8;
	[tilespmem:$0x1F400] =	vst v63  }
0xd5: {  	_ =	swait.ge [sflag:s15], $0x4000  }
0xd6: {  	[sflag:s15] =	ssyncset.done $0x0  }
0xd7: {  	[sflag:s15] =	ssyncadd.s32 $0xFFFFC000  }
0xd8: {  	_ =	swait.ge [sflag:s25], $0x4000  }
0xd9: {  	[sflag:s25] =	ssyncset.done $0x0  }
0xda: {  	[sflag:s25] =	ssyncadd.s32 $0xFFFFC000  }
0xdb: {  	[spmem:s4] =	stream.indirect.scatter.add.f32 [tilespmem:s20], [sflag:$0x5], $0x80, s31, s17, $0xb8;
	[tilespmem:$0x1F400] =	vst v63  }
0xdc: {  	_ =	swait.ge [sflag:s15], $0x4000  }
0xdd: {  	[sflag:s15] =	ssyncset.done $0x0  }
0xde: {  	[sflag:s15] =	ssyncadd.s32 $0xFFFFC000  }
0xdf: {  	_ =	swait.ge [sflag:s26], $0x4000  }
0xe0: {  	[sflag:s26] =	ssyncset.done $0x0  }
.Ltmp3:
0xe1: {  	[sflag:s26] =	ssyncadd.s32 $0xFFFFC000;
	(pc) =	sbr.rel @p0 .LBB2_4-.Ltmp3, $4  }
0xe2: {  	[spmem:s4] =	stream.indirect.scatter.add.f32 [tilespmem:s21], [sflag:$0x5], $0x80, s2, s17, $0xb8;
	[tilespmem:$0x1F400] =	vst v63  }
0xe3: {  	_ =	swait.ge [sflag:s15], $0x4000  }
0xe4: {  	[sflag:s15] =	ssyncset.done $0x0  }
0xe5: {  	p1 =	por $0x0, $0x0;
	[sflag:s15] =	ssyncadd.s32 $0xFFFFC000  }
0xe6: {  	s0 =	stileid.u32;
	[bflag:$0x0] =	sbarrier.arrive $0xFFFF  }
0xe7: {  	s0 =	sshll.u32 s0, $0x6;
	s8 =	rddreg [dreg:$0x6]  }
0xe8: {  	s9 =	rddreg [dreg:$0x8];
	s0 =	sor.u32 $0x1C05, s0  }
0xe9: {  	[hbm:s8], [sflag:s0] =	dma.local [spmem:s9], $0x1400  }
0xea: {  	_ =	swait.ge [sflag:s15], $0x1400  }
0xeb: {  	s5 =	sadd.s32 $0x1, s5;
	s24 =	rddreg [dreg:$0x7]  }
0xec: {  	p0 =	sne.s32 s5, s24  }
.Ltmp4:
0xed: {  	_ = 	snop;
	(pc) =	sbr.rel @p0 .LBB2_1-.Ltmp4, $3  }
0xee: {  	_ =	sdelay $0x1  }
0xef: {  	[sflag:s15] =	ssyncset.done $0x0  }
0xf0: {  	[sflag:s15] =	ssyncadd.s32 $0xFFFFEC00  }
0xf1: {  	_ =	sfence.sel $0x180000  }
0xf2: {  	[bflag:$0x0] =	sbarrier.arrive $0xFFFF  }
0xf3: {  	_ =	strace $0x9000004D  }
0xf4: {  	s0 =	stileid.u32;
	[bflag:$0x2] =	sbarrier.arrive $0xFFFF  }
0xf5: {  	p0 =	sne.s32 s0, $0x0;
	s0 =	rddreg [dreg:$0x3]  }
0xf6: {  	s0 =	sadd.s32 @!p0 $0x100000, s0  }
0xf7: {  	[sflag:s0] =	ssyncadd.tile.s32 @!p0 $0x1;
	_ =	shalt  }
.Lfunc_end2:
_tile_overlayer_lowered:
.L_overlay_start_2:
0xf8: {  	(tag) =	ssettag $0x2  }
0xf9: {  	s0 =	rddreg [dreg:$0x0];
	s2 =	stileid.u32  }
0xfa: {  	s1 =	rddreg [dreg:$0x1];
	p0 =	sne.s32 s2, $0x0  }
0xfb: {  	s3 =	rddreg [dreg:$0x2];
	[bflag:$0x3] =	sbarrier.arrive $0xFFFF;
	s2 =	simm.s32 @!p0 $0x1C05  }
0xfc: {  	[timem:s3], [sflag:s2] =	dma.local @!p0 [hbm:s0], s1  }
0xfd: {  	s0 =	simm.s32 @!p0 $0x5  }
0xfe: {  	_ =	swait.ge @!p0 [sflag:s0], s1  }
0xff: {  	s1 =	ssub.s32 @!p0 $0x0, s1;
	[sflag:s0] =	ssyncset.done @!p0 $0x0  }
0x100: {  	[sflag:s0] =	ssyncadd.s32 @!p0 s1  }
0x101: {  	[bflag:$0x3] =	sbarrier.arrive $0xFFFF  }
0x102: {  	_ =	shalt  }

// kernel: kernel.7.cloned.1.call-start
scs
__scs_entry_jumppad:
0x0: {  	(pc) =	sbr.rel $0x88, $3  }
0x1: {  	(tag) =	ssettag $0x0;
	lr =	simm.s32 $0x1  }
0x2: {  	[smem:$0x3F95] =	sst lr;
	_ =	strace $0xD0000000  }
0x3: {  	_ = 	snop  }
0x4: {  	_ = 	snop  }
0x5: {  	_ = 	snop  }
0x6: {  	_ = 	snop  }
0x7: {  	_ = 	snop  }
__scs_overlays_trampoline_lowered:
0x8: {  	[smem:$0x3FA4] =	sst s0  }
0x9: {  	[smem:$0x3FA5] =	sst s1  }
0xa: {  	[smem:$0x3FA6] =	sst s2  }
0xb: {  	[smem:$0x3FA7] =	sst s3  }
0xc: {  	[smem:$0x3FA8] =	sst s4  }
0xd: {  	[smem:$0x3FA9] =	sst s5  }
0xe: {  	[smem:$0x3FAA] =	sst s6  }
0xf: {  	[smem:$0x3FAB] =	sst s7  }
0x10: {  	[smem:$0x3FAC] =	sst s8  }
0x11: {  	[smem:$0x3FAD] =	sst s9;
	s0 =	simm.s32 @!p0 $0x0  }
0x12: {  	s1 =	sld [smem:$0x3F93];
	s0 =	simm.s32 @p0 $0x1  }
0x13: {  	[smem:$0x3FAE] =	sst s0;
	s0 =	simm.s32 @!p1 $0x0  }
0x14: {  	s2 =	sld [smem:$0x3F92];
	s0 =	simm.s32 @p1 $0x1  }
0x15: {  	[smem:$0x3FAF] =	sst s0;
	s0 =	simm.s32 @!p2 $0x0  }
0x16: {  	s3 =	sld [smem:$0x3FDB];
	s0 =	simm.s32 @p2 $0x1  }
0x17: {  	s4 =	simm.s32 $0x1BF5;
	[smem:$0x3FB1] =	sst s0  }
0x18: {  	s0 =	sld [smem:$0x3F94];
	_ =	swait.ge [sflag:s4], $0x0  }
0x19: {  	s7 =	sld [smem:$0x3F95]  }
0x1a: {  	s8 =	sadd.s32 $0xFFFFE003, lr  }
0x1b: {  	s9 =	sadd.s32 $0xFFFFFEF7, lr;
	s5 =	simm.s32 $0xFFFFFFFF;
	p2 =	slt.u32 s8, $0xFFFFF086  }
0x1c: {  	p1 =	slt.u32 s9, $0xF7A;
	s5 =	simm.s32 @!p2 $0x0  }
0x1d: {  	s5 =	simm.s32 @p1 $0x1;
	p0 =	seq.s32 s7, s2  }
0x1e: {  	s7 =	smul.u32 @!p0 $0xF7A, s2;
	p2 =	seq.s32 @!p0 s5, $0x0  }
0x1f: {  	s9 =	smul.u32 $0xF7A, s1;
	s8 =	simm.s32 @!p0 $0x1BF5;
	p2 =	por !p2, p0  }
0x20: {  	[sflag:s8] =	ssyncset.s32 @!p0 $0xFFFFF086;
	s6 =	sadd.s32 @!p0 s3, s7;
	s7 =	simm.s32 @!p0 $0x108  }
0x21: {  	s3 =	sadd.s32 s3, s9;
	s6 =	sadd.s32 @!p0 $0x88, s6;
	s7 =	simm.s32 @p2 $0x1082  }
0x22: {  	[simem:s7], [sflag:s8] =	dma.local @!p0 [hbm:s6], $0xF7A  }
0x23: {  	s9 =	sor.u32 $0xD0000000, s2;
	s6 =	simm.s32 $0x108;
	_ =	swait.ge @!p0 [sflag:s8], $0x0  }
0x24: {  	s3 =	sadd.s32 $0x88, s3;
	s6 =	simm.s32 @!p1 $0x1082;
	[sflag:s4] =	ssyncset.s32 $0xFFFFF086  }
0x25: {  	[simem:s6], [sflag:s4] =	dma.local [hbm:s3], $0xF7A  }
0x26: {  	[smem:$0x3F95] =	sst s1;
	(tag) =	ssettag s2;
	_ =	strace s9  }
0x27: {  	s1 =	sld [smem:$0x3FA5]  }
0x28: {  	s2 =	sld [smem:$0x3FA6]  }
0x29: {  	s4 =	sld [smem:$0x3FA8]  }
0x2a: {  	p0 =	seq.s32 s5, $0x0;
	s5 =	sld [smem:$0x3FA9]  }
0x2b: {  	s6 =	sld [smem:$0x3FAA]  }
0x2c: {  	s7 =	sld [smem:$0x3FAB]  }
0x2d: {  	s3 =	simm.s32 $0x108;
	s8 =	sld [smem:$0x3FAC]  }
0x2e: {  	s3 =	simm.s32 @!p0 $0x1082;
	s9 =	sld [smem:$0x3FAD]  }
0x2f: {  	lr =	sadd.s32 s0, s3;
	s0 =	sld [smem:$0x3FA4]  }
0x30: {  	s3 =	sld [smem:$0x3FA7]  }
0x31: {  	[smem:$0x3FB0] =	sst s10  }
0x32: {  	s10 =	sld [smem:$0x3FAE];
	_ =	sdelay $0x3  }
0x33: {  	p0 =	seq.s32 s10, $0x1;
	s10 =	sld [smem:$0x3FB0];
	_ =	sdelay $0x3  }
0x34: {  	[smem:$0x3FB0] =	sst s10  }
0x35: {  	s10 =	sld [smem:$0x3FAF];
	_ =	sdelay $0x3  }
0x36: {  	p1 =	seq.s32 s10, $0x1;
	s10 =	sld [smem:$0x3FB0];
	_ =	sdelay $0x3  }
0x37: {  	[smem:$0x3FB0] =	sst s10  }
0x38: {  	s10 =	sld [smem:$0x3FB1]  }
0x39: {  	_ = 	snop;
	(pc) =	sbr.ind lr, $3  }
0x3a: {  	_ = 	snop  }
0x3b: {  	_ = 	snop  }
0x3c: {  	p2 =	seq.s32 s10, $0x1;
	s10 =	sld [smem:$0x3FB0]  }
0x3d: {  	_ =	shalt  }
0x3e: {  	_ =	shalt  }
0x3f: {  	_ =	shalt  }
0x40: {  	_ =	shalt  }
0x41: {  	_ =	shalt  }
0x42: {  	_ =	shalt  }
0x43: {  	_ =	shalt  }
0x44: {  	_ =	shalt  }
0x45: {  	_ =	shalt  }
0x46: {  	_ =	shalt  }
0x47: {  	_ =	shalt  }
0x48: {  	_ =	shalt  }
0x49: {  	_ =	shalt  }
0x4a: {  	_ =	shalt  }
0x4b: {  	_ =	shalt  }
0x4c: {  	_ =	shalt  }
0x4d: {  	_ =	shalt  }
0x4e: {  	_ =	shalt  }
0x4f: {  	_ =	shalt  }
0x50: {  	_ =	shalt  }
0x51: {  	_ =	shalt  }
0x52: {  	_ =	shalt  }
0x53: {  	_ =	shalt  }
0x54: {  	_ =	shalt  }
0x55: {  	_ =	shalt  }
0x56: {  	_ =	shalt  }
0x57: {  	_ =	shalt  }
0x58: {  	_ =	shalt  }
0x59: {  	_ =	shalt  }
0x5a: {  	_ =	shalt  }
0x5b: {  	_ =	shalt  }
0x5c: {  	_ =	shalt  }
0x5d: {  	_ =	shalt  }
0x5e: {  	_ =	shalt  }
0x5f: {  	_ =	shalt  }
0x60: {  	_ =	shalt  }
0x61: {  	_ =	shalt  }
0x62: {  	_ =	shalt  }
0x63: {  	_ =	shalt  }
0x64: {  	_ =	shalt  }
0x65: {  	_ =	shalt  }
0x66: {  	_ =	shalt  }
0x67: {  	_ =	shalt  }
0x68: {  	_ =	shalt  }
0x69: {  	_ =	shalt  }
0x6a: {  	_ =	shalt  }
0x6b: {  	_ =	shalt  }
0x6c: {  	_ =	shalt  }
0x6d: {  	_ =	shalt  }
0x6e: {  	_ =	shalt  }
0x6f: {  	_ =	shalt  }
0x70: {  	_ =	shalt  }
0x71: {  	_ =	shalt  }
0x72: {  	_ =	shalt  }
0x73: {  	_ =	shalt  }
0x74: {  	_ =	shalt  }
0x75: {  	_ =	shalt  }
0x76: {  	_ =	shalt  }
0x77: {  	_ =	shalt  }
0x78: {  	_ =	shalt  }
0x79: {  	_ =	shalt  }
0x7a: {  	_ =	shalt  }
0x7b: {  	_ =	shalt  }
0x7c: {  	_ =	shalt  }
0x7d: {  	_ =	shalt  }
0x7e: {  	_ =	shalt  }
0x7f: {  	_ =	shalt  }
0x80: {  	_ =	shalt  }
0x81: {  	_ =	shalt  }
0x82: {  	_ =	shalt  }
0x83: {  	_ =	shalt  }
0x84: {  	_ =	shalt  }
0x85: {  	_ =	shalt  }
0x86: {  	_ =	shalt  }
0x87: {  	_ =	shalt  }
.Lfunc_end0:
.L_simem_size_0:
called_computation_lowered:
.L_overlay_start_0:
0x88: {  	s2 =	sld [smem:$0x3FD9]  }
0x89: {  	s3 =	sld [smem:$0x3FFE];
	_ =	sdelay $0x1  }
0x8a: {  	s1 =	srdreg.scid  }
0x8b: {  	s0 =	sand.u32 $0x1, s1  }
0x8c: {  	s17 =	sshll.u32 s0, $0xA;
	s2 =	sadd.s32 s3, s2  }
0x8d: {  	s2 =	sadd.s32 s2, s17  }
0x8e: {  	[smem:$0x3FBC] =	sst s2  }
0x8f: {  	_ = 	snop  }
0x90: {  	s18 =	sld [smem:$0x3FD0];
	(tm) =	ssettm $0x1  }
0x91: {  	s19 =	sld [smem:$0x3FFB];
	_ =	sdelay $0x3  }
0x92: {  	_ =	strace s19  }
0x93: {  	s2 =	sld [smem:$0x3FFC];
	_ =	sdelay $0x3  }
0x94: {  	_ =	strace s2  }
0x95: {  	s2 =	sld [smem:$0x3FFD];
	_ =	sdelay $0x3  }
0x96: {  	_ =	strace s2  }
0x97: {  	_ =	strace $0x8FFFFFFF  }
0x98: {  	s20 =	sld [smem:$0x3FDB];
	_ =	sdelay $0x1  }
0x99: {  	s4 =	simm.s32 $_scs_section_size  }
0x9a: {  	s5 =	simm.s32 $_size__tile_overlayer_lowered;
	s6 =	simm.s32 $_tile_overlayer_lowered  }
0x9b: {  	s7 =	simm.s32 $0x1BFF;
	s21 =	sshll.u32 s6, $0x1;
	s4 =	sadd.s32 s4, s20  }
0x9c: {  	s22 =	simm.s32 $0x0;
	s5 =	sshll.u32 s5, $0x1;
	s6 =	sadd.s32 s21, s4  }
0x9d: {  	[timem:s22], [sflag:s7] =	dma.local [hbm:s6], s5  }
0x9e: {  	_ =	swait.ge [sflag:s7], s5  }
0x9f: {  	s5 =	ssub.s32 $0x0, s5;
	[sflag:s7] =	ssyncset.done $0x0  }
0xa0: {  	[sflag:s7] =	ssyncadd.s32 s5;
	_ =	sdelay $0x1  }
0xa1: {  	s23 =	simm.s32 $0x1B8B  }
0xa2: {  	_ =	swait.ge [sflag:s23], $0x1  }
0xa3: {  	[sflag:s23] =	ssyncset.done $0x0  }
0xa4: {  	[sflag:s23] =	ssyncadd.s32 $0xFFFFFFFF  }
0xa5: {  	s5 =	sld [smem:$0x0]  }
0xa6: {  	s6 =	sand.u32 $0xFFFFFFFE, s1  }
0xa7: {  	p0 =	sne.s32 s1, s6  }
0xa8: {  	s6 =	sshll.u32 @p0 s6, $0xE  }
0xa9: {  	s6 =	sadd.s32 @p0 $0x11B8D, s6;
	s7 =	sshll.u32 @p0 s5, $0x11  }
0xaa: {  	s6 =	sor.u32 @p0 s7, s6  }
0xab: {  	[sflag:s6] =	ssyncadd.remote.s32 @p0 $0x1;
	_ =	sdelay $0x1  }
0xac: {  	s6 =	simm.s32 @p0 $0x1B8D  }
0xad: {  	_ =	swait.eq @p0 [sflag:s6], $0x1  }
0xae: {  	[sflag:s6] =	ssyncadd.s32 @p0 $0xFFFFFFFF  }
0xaf: {  	s7 =	sshll.u32 @!p0 s1, $0xE  }
0xb0: {  	s7 =	sor.u32 @!p0 $0x4000, s7;
	s6 =	simm.s32 @!p0 $0x1B8D  }
0xb1: {  	s5 =	sshll.u32 @!p0 s5, $0x11;
	s7 =	sadd.s32 @!p0 $0x11B8D, s7;
	_ =	swait.eq @!p0 [sflag:s6], $0x1  }
0xb2: {  	s5 =	sor.u32 @!p0 s5, s7;
	[sflag:s6] =	ssyncadd.s32 @!p0 $0xFFFFFFFF  }
0xb3: {  	s25 =	simm.s32 $0x1B8E;
	s24 =	sld [smem:$0x3FFE];
	[sflag:s5] =	ssyncadd.remote.s32 @!p0 $0x1  }
0xb4: {  	s26 =	simm.s32 $execute0_lowered;
	[smem:$0x3FD2] =	sst s25  }
0xb5: {  	s6 =	sshll.u32 s26, $0x1;
	_ =	strace $0x80000049;
	[dreg:$0x1] =	wrdreg $0xFFFFFFFF  }
0xb6: {  	s28 =	simm.s32 $_size_execute0_lowered;
	s4 =	sadd.s32 s4, s6;
	[dreg:$0x0] =	wrdreg $0x0  }
0xb7: {  	s6 =	sshll.u32 s28, $0x1;
	[dreg:$0x2] =	wrdreg s4  }
0xb8: {  	[dreg:$0x3] =	wrdreg s6  }
0xb9: {  	[dreg:$0x4] =	wrdreg $0xC0  }
0xba: {  	_ =	task [dreg:s22], $0x5FFFF  }
0xbb: {  	[dreg:$0x1] =	wrdreg $0xFFFFFFFF  }
0xbc: {  	[dreg:$0x0] =	wrdreg $0x60  }
0xbd: {  	[dreg:$0x2] =	wrdreg s18  }
0xbe: {  	[dreg:$0x3] =	wrdreg s24  }
0xbf: {  	[dreg:$0x4] =	wrdreg $0x90000  }
0xc0: {  	[dreg:$0x5] =	wrdreg $0x9  }
0xc1: {  	_ =	task.clear_ibuf [dreg:s22], $0x6FFFF;
	_ =	strace $0x90000049  }
0xc2: {  	s29 =	simm.s32 $0x9;
	_ =	strace $0x8000004B  }
0xc3: {  	_ =	swait.ge [sflag:s29], $0x1  }
0xc4: {  	[sflag:s29] =	ssyncadd.s32 $0xFFFFFFFF  }
0xc5: {  	_ =	strace $0x9000004B  }
0xc6: {  	_ =	sfence  }
0xc7: {  	s30 =	sld [smem:$0x0];
	_ =	sdelay $0x2  }
0xc8: {  	s31 =	sshll.u32 s1, $0xD;
	s1 =	sshrl.u32 s1, $0x2  }
0xc9: {  	s4 =	sand.u32 $0x4000, s31;
	s1 =	sadd.s32 s1, s30  }
0xca: {  	s0 =	sor.u32 s4, s0;
	s1 =	sshll.u32 s1, $0x11  }
0xcb: {  	s0 =	sor.u32 s1, s0  }
0xcc: {  	s0 =	sadd.s32 $0x8F2B, s0  }
0xcd: {  	[sflag:s0] =	ssyncadd.remote.s32 $0x1  }
0xce: {  	_ =	sfence.sel $0xFFFF  }
0xcf: {  	[dreg:$0x0] =	wrdreg $0xFFFFFFFF;
	(pc) =	sbr.abs _section_cstart, $3  }
0xd0: {  	[dreg:$0x1] =	wrdreg $0xFFFFFFFF  }
0xd1: {  	_ =	task.clear_ibuf [dreg:s22], $0x2FFFF;
	_ =	strace $0x9FFFFFFF  }
0xd2: {  	(tm) =	ssettm $0x7FFFFFFF  }
0xd3: {  	_ =	shalt  }
tec
execute0_lowered:
.L_overlay_start_1:
0x0: {  	(tag) =	ssettag $0x1  }
0x1: {  	s6 =	rddreg [dreg:$0x0]  }
0x2: {  	s4 =	rddreg [dreg:$0x1];
	s1 =	stileid.u32  }
0x3: {  	s0 =	srdreg.scid;
	s7 =	smul.u32 $0x140, s1  }
0x4: {  	s2 =	rddreg [dreg:$0x2];
	s3 =	simm.s32 $0x0;
	s8 =	smul.u32 $0x29000, s1  }
0x5: {  	s5 =	sand.u32 $0x1, s0;
	s0 =	rddreg [dreg:$0x3];
	s9 =	smul.u32 $0x5000, s1  }
0x6: {  	[smem:$0x7FF] =	sst s3;
	s29 =	smul.u32 $0x28000, s1;
	s13 =	sshll.u32 s1, $0x6  }
0x7: {  	s12 =	smul.u32 $0x1400, s5;
	_ =	strace $0x8000004A;
	s5 =	ssub.s32 $0x2, s5  }
0x8: {  	s13 =	sor.u32 $0x1C01, s13;
	s25 =	sshrl.u32 s5, $0x1;
	s26 =	sshrl.u32 s8, $0x2  }
0x9: {  	s28 =	sshrl.u32 s9, $0x3;
	s31 =	sshrl.u32 s29, $0x2;
	s7 =	sadd.s32 s7, s12  }
0xa: {  	s11 =	ssub.s32 s5, s25;
	s30 =	sadd.s32 s6, s28;
	s14 =	sadd.s32 s31, s2  }
0xb: {  	v0 =	vmov s12;
	s12 =	simm.s32 $0x80;
	s7 =	sshll.u32 s7, $0x4;
	s9 =	smax.u32 s11, $0x1  }
0xc: {  	s11 =	simm.s32 $0x1;
	s10 =	sadd.s32 s7, s4;
	s4 =	sadd.s32 s26, s2  }
0xd: {  	s14 =	sshrl.u32 s14, $0x3;
	s7 =	sadd.s32 $0xA000, s30;
	s5 =	sadd.s32 $0x4000, s4  }
0xe: {  	v1 =	vimm.f32 $0.0e+00;
	v2 =	vimm.f32 $1.000000000e+00;
	s6 =	sadd.s32 $0x8000, s4;
	s8 =	sadd.s32 $0x53200, s10;
	s10 =	simm.s32 $0x5000  }
.LBB2_1:
0xf: {  	s15 =	simm.s32 $0x0;
	s16 =	simm.s32 $0x200  }
.LBB2_2:
0x10: {  	p0 =	sne.s32 s16, $0xFE00;
	[tilespmem:s15+$0x5070] =	vst v1  }
0x11: {  	[tilespmem:s15+$0x5000] =	vst v1  }
0x12: {  	[tilespmem:s15+$0x5010] =	vst v1  }
.Ltmp0:
0x13: {  	[tilespmem:s15+$0x5020] =	vst v1;
	(pc) =	sbr.rel @p0 .LBB2_2-.Ltmp0, $4  }
0x14: {  	[tilespmem:s15+$0x5030] =	vst v1  }
0x15: {  	[tilespmem:s15+$0x5040] =	vst v1  }
0x16: {  	[tilespmem:s15+$0x5050] =	vst v1  }
0x17: {  	[tilespmem:s15+$0x5060] =	vst v1;
	s15 =	sshra.s32 s16, $0x2;
	s16 =	sadd.s32 $0x200, s16  }
0x18: {  	[tilespmem:s15+$0x5070] =	vst v1  }
0x19: {  	[tilespmem:s15+$0x5000] =	vst v1  }
0x1a: {  	[tilespmem:s15+$0x5010] =	vst v1  }
0x1b: {  	[tilespmem:s15+$0x5020] =	vst v1  }
0x1c: {  	[tilespmem:s15+$0x5030] =	vst v1  }
0x1d: {  	[tilespmem:s15+$0x5040] =	vst v1  }
0x1e: {  	[tilespmem:s15+$0x5050] =	vst v1  }
0x1f: {  	[tilespmem:s15+$0x5060] =	vst v1  }
0x20: {  	[spmem:s4] =	stream.linear.scatter [tilespmem:s10], [sflag:$0x1], $0x4000, $0x38;
	[tilespmem:$0x13400] =	vst v63  }
0x21: {  	_ =	swait.ge [sflag:s11], $0x4000  }
0x22: {  	[sflag:s11] =	ssyncset.done $0x0  }
0x23: {  	[sflag:s11] =	ssyncadd.s32 $0xFFFFC000  }
0x24: {  	[spmem:s5] =	stream.linear.scatter [tilespmem:s10], [sflag:$0x1], $0x4000, $0x38;
	[tilespmem:$0x13400] =	vst v63  }
0x25: {  	_ =	swait.ge [sflag:s11], $0x4000  }
0x26: {  	[sflag:s11] =	ssyncset.done $0x0  }
0x27: {  	[sflag:s11] =	ssyncadd.s32 $0xFFFFC000  }
0x28: {  	[spmem:s6] =	stream.linear.scatter [tilespmem:s10], [sflag:$0x1], $0x2400, $0x38;
	[tilespmem:$0x13400] =	vst v63  }
0x29: {  	_ =	swait.ge [sflag:s11], $0x2400  }
0x2a: {  	[sflag:s11] =	ssyncset.done $0x0  }
0x2b: {  	[sflag:s11] =	ssyncadd.s32 $0xFFFFDC00  }
0x2c: {  	s15 =	simm.s32 $0x0;
	s16 =	simm.s32 $0x200;
	[bflag:$0x0] =	sbarrier.arrive $0xFFFF  }
.LBB2_4:
0x2d: {  	p0 =	sne.s32 s16, $0xFE00;
	[tilespmem:s15+$0x5070] =	vst v2  }
0x2e: {  	[tilespmem:s15+$0x5000] =	vst v2  }
0x2f: {  	[tilespmem:s15+$0x5010] =	vst v2  }
.Ltmp1:
0x30: {  	[tilespmem:s15+$0x5020] =	vst v2;
	(pc) =	sbr.rel @p0 .LBB2_4-.Ltmp1, $4  }
0x31: {  	[tilespmem:s15+$0x5030] =	vst v2  }
0x32: {  	[tilespmem:s15+$0x5040] =	vst v2  }
0x33: {  	[tilespmem:s15+$0x5050] =	vst v2  }
0x34: {  	[tilespmem:s15+$0x5060] =	vst v2;
	s15 =	sshra.s32 s16, $0x2;
	s16 =	sadd.s32 $0x200, s16  }
0x35: {  	[tilespmem:s15+$0x5070] =	vst v2  }
0x36: {  	[tilespmem:s15+$0x5000] =	vst v2  }
0x37: {  	[tilespmem:s15+$0x5010] =	vst v2  }
0x38: {  	[tilespmem:s15+$0x5020] =	vst v2  }
0x39: {  	[tilespmem:s15+$0x5030] =	vst v2  }
0x3a: {  	[tilespmem:s15+$0x5040] =	vst v2  }
0x3b: {  	[tilespmem:s15+$0x5050] =	vst v2  }
0x3c: {  	[tilespmem:s15+$0x5060] =	vst v2;
	s31 =	simm.s32 $0x0  }
0x3d: {  	[tilespmem:s31], [sflag:$0x1] =	stream.linear.gather [hbm4b:s7+s31], $0x5000, $0x38;
	[tilespmem:$0x13400] =	vst v63  }
0x3e: {  	_ =	swait.ge [sflag:s11], $0x5000  }
0x3f: {  	[sflag:s11] =	ssyncset.done $0x0  }
0x40: {  	s15 =	simm.s32 $0x0;
	[sflag:s11] =	ssyncadd.s32 $0xFFFFB000  }
0x41: {  	v3 =	vld [tilespmem:s15+$0x0]  }
0x42: {  	v4 =	vld [tilespmem:s15+$0x10];
	_ =	sdelay $0x2  }
0x43: {  	v5 =	vld [tilespmem:s15+$0x20]  }
0x44: {  	v10 =	vld [tilespmem:s15+$0x30]  }
0x45: {  	v6 =	vsub.s32 v3, v0;
	v3 =	vand.u32 $0x7F, v3;
	v8 =	vsub.s32 v4, v0  }
0x46: {  	v7 =	vld [tilespmem:s15+$0x40];
	v4 =	vand.u32 $0x7F, v4;
	vm0 =	vlt.u32 v6, $0x1400;
	v3 =	vor.u32 $0x1400, v3  }
0x47: {  	v6 =	vsel vm0, v6, v3;
	vm0 =	vlt.u32 v8, $0x1400;
	v3 =	vor.u32 $0x1400, v4  }
0x48: {  	v4 =	vsel vm0, v8, v3;
	v8 =	vsub.s32 v5, v0;
	v3 =	vand.u32 $0x7F, v5;
	v5 =	vld [tilespmem:s15+$0x50]  }
0x49: {  	v9 =	vsub.s32 v10, v0;
	vm0 =	vlt.u32 v8, $0x1400;
	v11 =	vor.u32 $0x1400, v3;
	v3 =	vld [tilespmem:s15+$0x60]  }
0x4a: {  	s17 =	simm.s32 $0x200;
	s16 =	simm.s32 $0x0;
	v10 =	vand.u32 $0x7F, v10;
	v8 =	vsel vm0, v8, v11;
	vm0 =	vlt.u32 v9, $0x1400  }
.LBB2_6:
0x4b: {  	p0 =	sne.s32 s17, $0x13E00;
	v10 =	vor.u32 $0x1400, v10;
	v11 =	vsub.s32 v7, v0;
	v7 =	vand.u32 $0x7F, v7;
	v12 =	vld [tilespmem:s16+$0x70]  }
0x4c: {  	s18 =	sshra.s32 s17, $0x2;
	[tilespmem:s16+$0x0] =	vst v6;
	v6 =	vsel vm0, v9, v10;
	vm0 =	vlt.u32 v11, $0x1400;
	v7 =	vor.u32 $0x1400, v7  }
0x4d: {  	v9 =	vld [tilespmem:s18+$0x0];
	[tilespmem:s16+$0x10] =	vst v4;
	v4 =	vsel vm0, v11, v7;
	v7 =	vsub.s32 v5, v0;
	v5 =	vand.u32 $0x7F, v5  }
0x4e: {  	[tilespmem:s16+$0x20] =	vst v8;
	vm0 =	vlt.u32 v7, $0x1400;
	v5 =	vor.u32 $0x1400, v5;
	v8 =	vsub.s32 v3, v0  }
0x4f: {  	v3 =	vand.u32 $0x7F, v3;
	v10 =	vld [tilespmem:s18+$0x10];
	[tilespmem:s16+$0x30] =	vst v6;
	v5 =	vsel vm0, v7, v5;
	vm0 =	vlt.u32 v8, $0x1400  }
0x50: {  	v3 =	vor.u32 $0x1400, v3;
	[tilespmem:s16+$0x40] =	vst v4;
	v4 =	vsub.s32 v12, v0;
	v6 =	vand.u32 $0x7F, v12  }
0x51: {  	v3 =	vsel vm0, v8, v3;
	v11 =	vld [tilespmem:s18+$0x20];
	[tilespmem:s16+$0x50] =	vst v5;
	vm0 =	vlt.u32 v4, $0x1400;
	v5 =	vor.u32 $0x1400, v6  }
0x52: {  	v6 =	vsub.s32 v9, v0;
	v12 =	vld [tilespmem:s18+$0x30];
	[tilespmem:s16+$0x60] =	vst v3;
	v3 =	vsel vm0, v4, v5  }
0x53: {  	v4 =	vand.u32 $0x7F, v9;
	vm0 =	vlt.u32 v6, $0x1400;
	[tilespmem:s16+$0x70] =	vst v3;
	s16 =	smov.u32 s18  }
.Ltmp2:
0x54: {  	v3 =	vor.u32 $0x1400, v4;
	v4 =	vsub.s32 v10, v0;
	v5 =	vand.u32 $0x7F, v10;
	v7 =	vld [tilespmem:s16+$0x40];
	(pc) =	sbr.rel @p0 .LBB2_6-.Ltmp2, $4  }
0x55: {  	v6 =	vsel vm0, v6, v3;
	vm0 =	vlt.u32 v4, $0x1400;
	v3 =	vor.u32 $0x1400, v5  }
0x56: {  	v4 =	vsel vm0, v4, v3;
	v8 =	vsub.s32 v11, v0;
	v3 =	vand.u32 $0x7F, v11;
	v5 =	vld [tilespmem:s16+$0x50]  }
0x57: {  	vm0 =	vlt.u32 v8, $0x1400;
	v10 =	vor.u32 $0x1400, v3;
	v9 =	vsub.s32 v12, v0;
	v3 =	vld [tilespmem:s16+$0x60]  }
0x58: {  	s17 =	sadd.s32 $0x200, s17;
	v8 =	vsel vm0, v8, v10;
	vm0 =	vlt.u32 v9, $0x1400;
	v10 =	vand.u32 $0x7F, v12  }
0x59: {  	v10 =	vor.u32 $0x1400, v10;
	v11 =	vsub.s32 v7, v0;
	v55 =	vand.u32 $0x7F, v7;
	v12 =	vld [tilespmem:s16+$0x70]  }
0x5a: {  	[tilespmem:s16+$0x0] =	vst v6;
	v56 =	vsel vm0, v9, v10;
	vm12 =	vlt.u32 v11, $0x1400;
	v7 =	vor.u32 $0x1400, v55  }
0x5b: {  	[tilespmem:s16+$0x10] =	vst v4;
	v57 =	vsel vm12, v11, v7;
	v58 =	vsub.s32 v5, v0;
	v59 =	vand.u32 $0x7F, v5  }
0x5c: {  	[tilespmem:s16+$0x20] =	vst v8;
	vm13 =	vlt.u32 v58, $0x1400;
	v5 =	vor.u32 $0x1400, v59;
	v60 =	vsub.s32 v3, v0  }
0x5d: {  	[tilespmem:s16+$0x30] =	vst v56;
	v3 =	vand.u32 $0x7F, v3;
	v5 =	vsel vm13, v58, v5;
	vm14 =	vlt.u32 v60, $0x1400  }
0x5e: {  	[tilespmem:s16+$0x40] =	vst v57;
	v3 =	vor.u32 $0x1400, v3;
	v61 =	vsub.s32 v12, v0;
	v62 =	vand.u32 $0x7F, v12  }
0x5f: {  	[tilespmem:s16+$0x50] =	vst v5;
	v3 =	vsel vm14, v60, v3;
	vm15 =	vlt.u32 v61, $0x1400;
	v63 =	vor.u32 $0x1400, v62  }
0x60: {  	[tilespmem:s16+$0x60] =	vst v3;
	v3 =	vsel vm15, v61, v63  }
0x61: {  	[tilespmem:s16+$0x70] =	vst v3  }
0x62: {  	[spmem:s2] =	stream.indirect.scatter.add.f32 [tilespmem:s10], [sflag:$0x1], $0x80, s15, s12, $0xb8;
	[tilespmem:$0x13400] =	vst v63  }
0x63: {  	_ =	swait.ge [sflag:s11], $0x4000  }
0x64: {  	s15 =	simm.s32 $0x200;
	[sflag:s11] =	ssyncset.done $0x0  }
.LBB2_8:
0x65: {  	s16 =	sshra.s32 s15, $0x2;
	[sflag:s11] =	ssyncadd.s32 $0xFFFFC000;
	p0 =	sne.s32 s15, $0x13E00  }
0x66: {  	[spmem:s2] =	stream.indirect.scatter.add.f32 [tilespmem:s10], [sflag:$0x1], $0x80, s16, s12, $0xb8;
	[tilespmem:$0x13400] =	vst v63  }
.Ltmp3:
0x67: {  	_ = 	snop;
	(pc) =	sbr.rel @p0 .LBB2_8-.Ltmp3, $4  }
0x68: {  	_ = 	snop  }
0x69: {  	s15 =	sadd.s32 $0x200, s15  }
0x6a: {  	_ =	swait.ge [sflag:s11], $0x4000  }
0x6b: {  	[sflag:s11] =	ssyncset.done $0x0  }
0x6c: {  	s3 =	sadd.s32 $0x1, s3  }
0x6d: {  	[sflag:s11] =	ssyncadd.s32 $0xFFFFC000;
	p0 =	sne.s32 s3, s9  }
.Ltmp4:
0x6e: {  	[bflag:$0x0] =	sbarrier.arrive $0xFFFF;
	(pc) =	sbr.rel @p0 .LBB2_1-.Ltmp4, $4  }
0x6f: {  	[hbm:s8], [sflag:s13] =	dma.local [spmem:s14], $0x1400  }
0x70: {  	_ =	swait.ge [sflag:s11], $0x1400  }
0x71: {  	[sflag:s11] =	ssyncset.done $0x0  }
0x72: {  	[sflag:s11] =	ssyncadd.s32 $0xFFFFEC00  }
0x73: {  	_ =	sfence.sel $0x180000  }
0x74: {  	[bflag:$0x0] =	sbarrier.arrive $0xFFFF  }
0x75: {  	p0 =	sne.s32 s1, $0x0;
	_ =	strace $0x9000004A  }
0x76: {  	s0 =	sadd.s32 @!p0 $0x100000, s0;
	[bflag:$0x2] =	sbarrier.arrive $0xFFFF  }
0x77: {  	[sflag:s0] =	ssyncadd.tile.s32 @!p0 $0x1;
	_ =	shalt  }
.Lfunc_end2:
_tile_overlayer_lowered:
.L_overlay_start_2:
0x78: {  	(tag) =	ssettag $0x2  }
0x79: {  	s0 =	rddreg [dreg:$0x0];
	s2 =	stileid.u32  }
0x7a: {  	s1 =	rddreg [dreg:$0x1];
	p0 =	sne.s32 s2, $0x0  }
0x7b: {  	s3 =	rddreg [dreg:$0x2];
	[bflag:$0x3] =	sbarrier.arrive $0xFFFF;
	s2 =	simm.s32 @!p0 $0x1C01  }
0x7c: {  	[timem:s3], [sflag:s2] =	dma.local @!p0 [hbm:s0], s1  }
0x7d: {  	s0 =	simm.s32 @!p0 $0x1  }
0x7e: {  	_ =	swait.ge @!p0 [sflag:s0], s1  }
0x7f: {  	s1 =	ssub.s32 @!p0 $0x0, s1;
	[sflag:s0] =	ssyncset.done @!p0 $0x0  }
0x80: {  	[sflag:s0] =	ssyncadd.s32 @!p0 s1  }
0x81: {  	[bflag:$0x3] =	sbarrier.arrive $0xFFFF  }
0x82: {  	_ =	shalt  }

</sc_bundles>
